<compile_context>
chip_gen: v7x
topology: tpu7x:2x2x1
jax: 0.10.2.dev20260603
libtpu: 0.0.44.dev20260713+nightly
codegen_flags: <defaults>
</compile_context>

<pallas_src>
import functools

import jax
import jax.numpy as jnp
from jax import lax
from jax.experimental import pallas as pl
from jax.experimental.pallas import tpu as pltpu
from jax.experimental.pallas import tpu_sc as plsc

_N_ROWS = 16384
_N_COLS = 1024
_L = 16
_NVREG = _N_COLS // _L
_R = 16
_NBUF = 4
_G = 4


def _scan_block(buf, slot):
    last = jnp.full((_L, 1), _L - 1, dtype=jnp.int32)
    dnums = lax.GatherDimensionNumbers(
        offset_dims=(), collapsed_slice_dims=(0,), start_index_map=(0,))

    def bcast_last(s):
        return lax.gather(s, last, dnums, slice_sizes=(1,),
                          mode=lax.GatherScatterMode.PROMISE_IN_BOUNDS)

    for r0 in range(0, _R, _G):
        def body(i, carries):
            new = []
            for g in range(_G):
                v = buf[slot, r0 + g, pl.ds(i * _L, _L)]
                s = plsc.cumsum(v)
                buf[slot, r0 + g, pl.ds(i * _L, _L)] = s - v + carries[g]
                new.append(carries[g] + bcast_last(s))
            return tuple(new)

        lax.fori_loop(
            0, _NVREG, body,
            tuple(jnp.zeros((_L,), jnp.float32) for _ in range(_G)),
            unroll=False)


def _make_kernel():
    info = plsc.get_sparse_core_info()
    nw = info.num_cores * info.num_subcores
    rows_per_worker = _N_ROWS // nw
    nblk = rows_per_worker // _R

    mesh = plsc.VectorSubcoreMesh(core_axis_name="c", subcore_axis_name="s")

    @functools.partial(
        pl.kernel,
        mesh=mesh,
        out_type=jax.ShapeDtypeStruct((_N_ROWS, _N_COLS), jnp.float32),
        scratch_types=[
            pltpu.VMEM((_NBUF, _R, _N_COLS), jnp.float32),
            pltpu.SemaphoreType.DMA((_NBUF,)),
            pltpu.SemaphoreType.DMA((_NBUF,)),
        ],
        compiler_params=pltpu.CompilerParams(needs_layout_passes=False),
    )
    def scan_all(x_hbm, out_hbm, buf, in_sems, out_sems):
        wid = lax.axis_index("s") * info.num_cores + lax.axis_index("c")
        base = wid * rows_per_worker

        def in_copy(b, slot):
            return pltpu.make_async_copy(
                x_hbm.at[pl.ds(base + b * _R, _R)], buf.at[slot],
                in_sems.at[slot])

        def out_copy(b, slot):
            return pltpu.make_async_copy(
                buf.at[slot], out_hbm.at[pl.ds(base + b * _R, _R)],
                out_sems.at[slot])

        for b in range(_NBUF - 1):
            in_copy(b, b).start()

        def step(g, _):
            for k in range(_NBUF):
                b = g * _NBUF + k
                in_copy(b, k).wait()
                _scan_block(buf, k)
                out_copy(b, k).start()

                nk = (k + _NBUF - 1) % _NBUF

                @pl.when(b + _NBUF - 1 < nblk)
                def _():
                    @pl.when(b >= 1)
                    def _():
                        out_copy(b - 1, nk).wait()
                    in_copy(b + _NBUF - 1, nk).start()
            return 0

        lax.fori_loop(0, nblk // _NBUF, step, 0, unroll=False)

        for b in range(nblk - _NBUF, nblk):
            out_copy(b, b % _NBUF).wait()

    return scan_all


_scan_all = _make_kernel()


def kernel(x):
    return _scan_all(x)

# --- scband reference (transcript-rebuilt; emitter-appended) ---
"""Pipeline reference for scband-model-new-4810363371599 (READ-ONLY COPY).

The authoritative reference and input builder live on the scoring server;
editing this copy changes nothing except your own understanding.
"""

import jax, jax.numpy as jnp
import numpy as np

def setup_inputs(seed: int = 0) -> dict:
    key = jax.random.key(seed)
    x = jax.random.normal(key, (16384, 1024), dtype=jnp.float32)
    return {"x": x}

def reference(x):
    # Exclusive prefix scan along dim=1: out[:, i] = sum_{j < i} x[:, j]
    cs = jnp.cumsum(x, axis=1)
    out = cs - x
    return out

if __name__ == "__main__":
    import jax
    _d = setup_inputs()
    print(jax.jit(kernel)(*tuple(_d.values())))

</pallas_src>

<mosaic_0001>
#map = affine_map<(d0, d1) -> (0, 0)>
module attributes {stable_mosaic.version = 14 : i64} {
  func.func @scan_all(%arg0: i32, %arg1: i32, %arg2: memref<16384x1024xf32, #tpu.memory_space<hbm>>, %arg3: memref<16384x1024xf32, #tpu.memory_space<hbm>>, %arg4: memref<4x16x1024xf32, #tpu.memory_space<vmem>>, %arg5: memref<4x!tpu.dma_semaphore, #tpu.memory_space<semaphore_mem>>, %arg6: memref<4x!tpu.dma_semaphore, #tpu.memory_space<semaphore_mem>>) attributes {dimension_semantics = [#tpu.dimension_semantics<core_parallel>, #tpu.dimension_semantics<subcore_parallel>], iteration_bounds = array<i64: 2, 16>, scalar_prefetch = 0 : i64, scratch_operands = 3 : i64, tpu.core_type = #tpu.core_type<sc_vector_subcore>, window_params = [{transform_indices = #map}, {transform_indices = #map}]} {
    %mul3A = arith.constant 2 : i32
    %mul3A_0 = arith.muli %arg1, %mul3A : i32
    %add3A = arith.addi %mul3A_0, %arg0 : i32
    %mul3A_1 = arith.constant 512 : i32
    %mul3A_2 = arith.muli %add3A, %mul3A_1 : i32
    %add3A_3 = arith.constant 0 : i32
    %add3A_4 = arith.addi %mul3A_2, %add3A_3 : i32
    %dma_start3A = arith.constant 0 : i32
    %dma_start3A_5 = arith.constant 0 : i32
    %dma_start3A_6 = arith.constant 0 : i32
    %dma_start3A_7 = arith.constant 0 : i32
    %dma_start3A_8 = tpu.memref_slice %arg4[%dma_start3A, %dma_start3A_6, %dma_start3A_7] : memref<4x16x1024xf32, #tpu.memory_space<vmem>> -> memref<1x16x1024xf32, #tpu.memory_space<vmem>>
    %dma_start3A_9 = tpu.memref_squeeze %dma_start3A_8 : memref<1x16x1024xf32, #tpu.memory_space<vmem>> -> memref<16x1024xf32, #tpu.memory_space<vmem>>
    %dma_start3A_10 = arith.constant 0 : i32
    %dma_start3A_11 = tpu.memref_slice %arg2[%add3A_4, %dma_start3A_10] : memref<16384x1024xf32, #tpu.memory_space<hbm>> -> memref<16x1024xf32, #tpu.memory_space<hbm>>
    %dma_start3A_12 = tpu.memref_slice %arg5[%dma_start3A_5] : memref<4x!tpu.dma_semaphore, #tpu.memory_space<semaphore_mem>> -> memref<1x!tpu.dma_semaphore, #tpu.memory_space<semaphore_mem>>
    %dma_start3A_13 = tpu.memref_squeeze %dma_start3A_12 : memref<1x!tpu.dma_semaphore, #tpu.memory_space<semaphore_mem>> -> memref<!tpu.dma_semaphore, #tpu.memory_space<semaphore_mem>>
    %dma_start3A_14 = arith.constant 0 : i32
    %dma_start3A_15 = arith.constant 0 : i32
    %dma_start3A_16 = tpu.memref_slice %arg4[%dma_start3A, %dma_start3A_14, %dma_start3A_15] : memref<4x16x1024xf32, #tpu.memory_space<vmem>> -> memref<1x16x1024xf32, #tpu.memory_space<vmem>>
    %dma_start3A_17 = tpu.memref_squeeze %dma_start3A_16 : memref<1x16x1024xf32, #tpu.memory_space<vmem>> -> memref<16x1024xf32, #tpu.memory_space<vmem>>
    %dma_start3A_18 = arith.constant 0 : i32
    %dma_start3A_19 = tpu.memref_slice %arg2[%add3A_4, %dma_start3A_18] : memref<16384x1024xf32, #tpu.memory_space<hbm>> -> memref<16x1024xf32, #tpu.memory_space<hbm>>
    tpu.enqueue_dma source(%dma_start3A_19 : memref<16x1024xf32, #tpu.memory_space<hbm>>) target(%dma_start3A_17 : memref<16x1024xf32, #tpu.memory_space<vmem>>) target_semaphore(%dma_start3A_13 : memref<!tpu.dma_semaphore, #tpu.memory_space<semaphore_mem>>)
    %add3A_20 = arith.constant 16 : i32
    %add3A_21 = arith.addi %mul3A_2, %add3A_20 : i32
    %dma_start3A_22 = arith.constant 1 : i32
    %dma_start3A_23 = arith.constant 1 : i32
    %dma_start3A_24 = arith.constant 0 : i32
    %dma_start3A_25 = arith.constant 0 : i32
    %dma_start3A_26 = tpu.memref_slice %arg4[%dma_start3A_22, %dma_start3A_24, %dma_start3A_25] : memref<4x16x1024xf32, #tpu.memory_space<vmem>> -> memref<1x16x1024xf32, #tpu.memory_space<vmem>>
    %dma_start3A_27 = tpu.memref_squeeze %dma_start3A_26 : memref<1x16x1024xf32, #tpu.memory_space<vmem>> -> memref<16x1024xf32, #tpu.memory_space<vmem>>
    %dma_start3A_28 = arith.constant 0 : i32
    %dma_start3A_29 = tpu.memref_slice %arg2[%add3A_21, %dma_start3A_28] : memref<16384x1024xf32, #tpu.memory_space<hbm>> -> memref<16x1024xf32, #tpu.memory_space<hbm>>
    %dma_start3A_30 = tpu.memref_slice %arg5[%dma_start3A_23] : memref<4x!tpu.dma_semaphore, #tpu.memory_space<semaphore_mem>> -> memref<1x!tpu.dma_semaphore, #tpu.memory_space<semaphore_mem>>
    %dma_start3A_31 = tpu.memref_squeeze %dma_start3A_30 : memref<1x!tpu.dma_semaphore, #tpu.memory_space<semaphore_mem>> -> memref<!tpu.dma_semaphore, #tpu.memory_space<semaphore_mem>>
    %dma_start3A_32 = arith.constant 0 : i32
    %dma_start3A_33 = arith.constant 0 : i32
    %dma_start3A_34 = tpu.memref_slice %arg4[%dma_start3A_22, %dma_start3A_32, %dma_start3A_33] : memref<4x16x1024xf32, #tpu.memory_space<vmem>> -> memref<1x16x1024xf32, #tpu.memory_space<vmem>>
    %dma_start3A_35 = tpu.memref_squeeze %dma_start3A_34 : memref<1x16x1024xf32, #tpu.memory_space<vmem>> -> memref<16x1024xf32, #tpu.memory_space<vmem>>
    %dma_start3A_36 = arith.constant 0 : i32
    %dma_start3A_37 = tpu.memref_slice %arg2[%add3A_21, %dma_start3A_36] : memref<16384x1024xf32, #tpu.memory_space<hbm>> -> memref<16x1024xf32, #tpu.memory_space<hbm>>
    tpu.enqueue_dma source(%dma_start3A_37 : memref<16x1024xf32, #tpu.memory_space<hbm>>) target(%dma_start3A_35 : memref<16x1024xf32, #tpu.memory_space<vmem>>) target_semaphore(%dma_start3A_31 : memref<!tpu.dma_semaphore, #tpu.memory_space<semaphore_mem>>)
    %add3A_38 = arith.constant 32 : i32
    %add3A_39 = arith.addi %mul3A_2, %add3A_38 : i32
    %dma_start3A_40 = arith.constant 2 : i32
    %dma_start3A_41 = arith.constant 2 : i32
    %dma_start3A_42 = arith.constant 0 : i32
    %dma_start3A_43 = arith.constant 0 : i32
    %dma_start3A_44 = tpu.memref_slice %arg4[%dma_start3A_40, %dma_start3A_42, %dma_start3A_43] : memref<4x16x1024xf32, #tpu.memory_space<vmem>> -> memref<1x16x1024xf32, #tpu.memory_space<vmem>>
    %dma_start3A_45 = tpu.memref_squeeze %dma_start3A_44 : memref<1x16x1024xf32, #tpu.memory_space<vmem>> -> memref<16x1024xf32, #tpu.memory_space<vmem>>
    %dma_start3A_46 = arith.constant 0 : i32
    %dma_start3A_47 = tpu.memref_slice %arg2[%add3A_39, %dma_start3A_46] : memref<16384x1024xf32, #tpu.memory_space<hbm>> -> memref<16x1024xf32, #tpu.memory_space<hbm>>
    %dma_start3A_48 = tpu.memref_slice %arg5[%dma_start3A_41] : memref<4x!tpu.dma_semaphore, #tpu.memory_space<semaphore_mem>> -> memref<1x!tpu.dma_semaphore, #tpu.memory_space<semaphore_mem>>
    %dma_start3A_49 = tpu.memref_squeeze %dma_start3A_48 : memref<1x!tpu.dma_semaphore, #tpu.memory_space<semaphore_mem>> -> memref<!tpu.dma_semaphore, #tpu.memory_space<semaphore_mem>>
    %dma_start3A_50 = arith.constant 0 : i32
    %dma_start3A_51 = arith.constant 0 : i32
    %dma_start3A_52 = tpu.memref_slice %arg4[%dma_start3A_40, %dma_start3A_50, %dma_start3A_51] : memref<4x16x1024xf32, #tpu.memory_space<vmem>> -> memref<1x16x1024xf32, #tpu.memory_space<vmem>>
    %dma_start3A_53 = tpu.memref_squeeze %dma_start3A_52 : memref<1x16x1024xf32, #tpu.memory_space<vmem>> -> memref<16x1024xf32, #tpu.memory_space<vmem>>
    %dma_start3A_54 = arith.constant 0 : i32
    %dma_start3A_55 = tpu.memref_slice %arg2[%add3A_39, %dma_start3A_54] : memref<16384x1024xf32, #tpu.memory_space<hbm>> -> memref<16x1024xf32, #tpu.memory_space<hbm>>
    tpu.enqueue_dma source(%dma_start3A_55 : memref<16x1024xf32, #tpu.memory_space<hbm>>) target(%dma_start3A_53 : memref<16x1024xf32, #tpu.memory_space<vmem>>) target_semaphore(%dma_start3A_49 : memref<!tpu.dma_semaphore, #tpu.memory_space<semaphore_mem>>)
    %scan3A = arith.constant 0 : i32
    %scan3A_56 = arith.constant 0 : i32
    %scan3A_57 = arith.constant 8 : i32
    %scan3A_58 = arith.addi %scan3A_56, %scan3A_57 : i32
    %scan3A_59 = arith.constant 1 : i32
    %scan3A_60 = scf.for %scan3A_133 = %scan3A_56 to %scan3A_58 step %scan3A_59 iter_args(%scan3A_134 = %scan3A) -> (i32)  : i32 {
      %mul3A_135 = arith.constant 4 : i32
      %mul3A_136 = arith.muli %scan3A_133, %mul3A_135 : i32
      %add3A_137 = arith.constant 0 : i32
      %add3A_138 = arith.addi %mul3A_136, %add3A_137 : i32
      %mul3A_139 = arith.constant 16 : i32
      %mul3A_140 = arith.muli %add3A_138, %mul3A_139 : i32
      %add3A_141 = arith.addi %mul3A_2, %mul3A_140 : i32
      %dma_wait3A_142 = arith.constant 0 : i32
      %dma_wait3A_143 = arith.constant 0 : i32
      %dma_wait3A_144 = arith.constant 0 : i32
      %dma_wait3A_145 = arith.constant 0 : i32
      %dma_wait3A_146 = tpu.memref_slice %arg4[%dma_wait3A_142, %dma_wait3A_144, %dma_wait3A_145] : memref<4x16x1024xf32, #tpu.memory_space<vmem>> -> memref<1x16x1024xf32, #tpu.memory_space<vmem>>
      %dma_wait3A_147 = tpu.memref_squeeze %dma_wait3A_146 : memref<1x16x1024xf32, #tpu.memory_space<vmem>> -> memref<16x1024xf32, #tpu.memory_space<vmem>>
      %dma_wait3A_148 = arith.constant 0 : i32
      %dma_wait3A_149 = tpu.memref_slice %arg2[%add3A_141, %dma_wait3A_148] : memref<16384x1024xf32, #tpu.memory_space<hbm>> -> memref<16x1024xf32, #tpu.memory_space<hbm>>
      %dma_wait3A_150 = tpu.memref_slice %arg5[%dma_wait3A_143] : memref<4x!tpu.dma_semaphore, #tpu.memory_space<semaphore_mem>> -> memref<1x!tpu.dma_semaphore, #tpu.memory_space<semaphore_mem>>
      %dma_wait3A_151 = tpu.memref_squeeze %dma_wait3A_150 : memref<1x!tpu.dma_semaphore, #tpu.memory_space<semaphore_mem>> -> memref<!tpu.dma_semaphore, #tpu.memory_space<semaphore_mem>>
      %dma_wait3A_152 = arith.constant 0 : i32
      %dma_wait3A_153 = arith.constant 0 : i32
      %dma_wait3A_154 = tpu.memref_slice %arg4[%dma_wait3A_142, %dma_wait3A_152, %dma_wait3A_153] : memref<4x16x1024xf32, #tpu.memory_space<vmem>> -> memref<1x16x1024xf32, #tpu.memory_space<vmem>>
      %dma_wait3A_155 = tpu.memref_squeeze %dma_wait3A_154 : memref<1x16x1024xf32, #tpu.memory_space<vmem>> -> memref<16x1024xf32, #tpu.memory_space<vmem>>
      %dma_wait3A_156 = arith.constant 0 : i32
      %dma_wait3A_157 = tpu.memref_slice %arg2[%add3A_141, %dma_wait3A_156] : memref<16384x1024xf32, #tpu.memory_space<hbm>> -> memref<16x1024xf32, #tpu.memory_space<hbm>>
      tpu.wait_dma2 semaphore(%dma_wait3A_151 : memref<!tpu.dma_semaphore, #tpu.memory_space<semaphore_mem>>) src(%dma_wait3A_157 : memref<16x1024xf32, #tpu.memory_space<hbm>>) dst(%dma_wait3A_155 : memref<16x1024xf32, #tpu.memory_space<vmem>>)
      %broadcast_in_dim3A = arith.constant 15 : i32
      %broadcast_in_dim3A_158 = vector.broadcast %broadcast_in_dim3A : i32 to vector<16x1xi32>
      %broadcast_in_dim3A_159 = arith.constant 0.000000e+00 : f32
      %broadcast_in_dim3A_160 = vector.broadcast %broadcast_in_dim3A_159 : f32 to vector<16xf32>
      %broadcast_in_dim3A_161 = arith.constant 0.000000e+00 : f32
      %broadcast_in_dim3A_162 = vector.broadcast %broadcast_in_dim3A_161 : f32 to vector<16xf32>
      %broadcast_in_dim3A_163 = arith.constant 0.000000e+00 : f32
      %broadcast_in_dim3A_164 = vector.broadcast %broadcast_in_dim3A_163 : f32 to vector<16xf32>
      %broadcast_in_dim3A_165 = arith.constant 0.000000e+00 : f32
      %broadcast_in_dim3A_166 = vector.broadcast %broadcast_in_dim3A_165 : f32 to vector<16xf32>
      %scan3A_167 = arith.constant 0 : i32
      %scan3A_168 = arith.constant 64 : i32
      %scan3A_169 = arith.addi %scan3A_167, %scan3A_168 : i32
      %scan3A_170 = arith.constant 1 : i32
      %scan3A_171:4 = scf.for %scan3A_567 = %scan3A_167 to %scan3A_169 step %scan3A_170 iter_args(%scan3A_568 = %broadcast_in_dim3A_160, %scan3A_569 = %broadcast_in_dim3A_162, %scan3A_570 = %broadcast_in_dim3A_164, %scan3A_571 = %broadcast_in_dim3A_166) -> (vector<16xf32>, vector<16xf32>, vector<16xf32>, vector<16xf32>)  : i32 {
        %mul3A_572 = arith.constant 16 : i32
        %mul3A_573 = arith.muli %scan3A_567, %mul3A_572 : i32
        %get3A = arith.constant 0 : i32
        %get3A_574 = arith.constant 0 : i32
        %get3A_575 = arith.index_cast %get3A : i32 to index
        %get3A_576 = arith.index_cast %get3A_574 : i32 to index
        %get3A_577 = arith.index_cast %mul3A_573 : i32 to index
        %get3A_578 = tpu.vector_load %arg4[%get3A_575, %get3A_576, %get3A_577] {strides = array<i32>} : memref<4x16x1024xf32, #tpu.memory_space<vmem>>, vector<16xf32>,
        %broadcast_in_dim3A_579 = arith.constant true
        %broadcast_in_dim3A_580 = vector.broadcast %broadcast_in_dim3A_579 : i1 to vector<16xi1>
        %masked_cumsum3A = tpu.scan <sum>, %get3A_578 masked %broadcast_in_dim3A_580 : vector<16xf32>, vector<16xi1> -> vector<16xf32>
        %sub3A_581 = arith.subf %masked_cumsum3A, %get3A_578 : vector<16xf32>
        %add3A_582 = arith.addf %sub3A_581, %scan3A_568 : vector<16xf32>
        %mul3A_583 = arith.constant 16 : i32
        %mul3A_584 = arith.muli %scan3A_567, %mul3A_583 : i32
        %swap3A = arith.constant 0 : i32
        %swap3A_585 = arith.constant 0 : i32
        %swap3A_586 = arith.index_cast %swap3A : i32 to index
        %swap3A_587 = arith.index_cast %swap3A_585 : i32 to index
        %swap3A_588 = arith.index_cast %mul3A_584 : i32 to index
        %swap3A_589 = tpu.vector_load %arg4[%swap3A_586, %swap3A_587, %swap3A_588] {strides = array<i32>} : memref<4x16x1024xf32, #tpu.memory_space<vmem>>, vector<16xf32>,
        tpu.vector_store %arg4[%swap3A_586, %swap3A_587, %swap3A_588], %add3A_582 {strides = array<i32>} : memref<4x16x1024xf32, #tpu.memory_space<vmem>>, vector<16xf32>,
        %gather3A = vector.shape_cast %broadcast_in_dim3A_158 : vector<16x1xi32> to vector<16xi32>
        %gather3A_590 = tpu.dynamic_gather %masked_cumsum3A[%gather3A] in [0] : vector<16xf32>, vector<16xi32> -> vector<16xf32>
        %add3A_591 = arith.addf %scan3A_568, %gather3A_590 : vector<16xf32>
        %mul3A_592 = arith.constant 16 : i32
        %mul3A_593 = arith.muli %scan3A_567, %mul3A_592 : i32
        %get3A_594 = arith.constant 0 : i32
        %get3A_595 = arith.constant 1 : i32
        %get3A_596 = arith.index_cast %get3A_594 : i32 to index
        %get3A_597 = arith.index_cast %get3A_595 : i32 to index
        %get3A_598 = arith.index_cast %mul3A_593 : i32 to index
        %get3A_599 = tpu.vector_load %arg4[%get3A_596, %get3A_597, %get3A_598] {strides = array<i32>} : memref<4x16x1024xf32, #tpu.memory_space<vmem>>, vector<16xf32>,
        %broadcast_in_dim3A_600 = arith.constant true
        %broadcast_in_dim3A_601 = vector.broadcast %broadcast_in_dim3A_600 : i1 to vector<16xi1>
        %masked_cumsum3A_602 = tpu.scan <sum>, %get3A_599 masked %broadcast_in_dim3A_601 : vector<16xf32>, vector<16xi1> -> vector<16xf32>
        %sub3A_603 = arith.subf %masked_cumsum3A_602, %get3A_599 : vector<16xf32>
        %add3A_604 = arith.addf %sub3A_603, %scan3A_569 : vector<16xf32>
        %mul3A_605 = arith.constant 16 : i32
        %mul3A_606 = arith.muli %scan3A_567, %mul3A_605 : i32
        %swap3A_607 = arith.constant 0 : i32
        %swap3A_608 = arith.constant 1 : i32
        %swap3A_609 = arith.index_cast %swap3A_607 : i32 to index
        %swap3A_610 = arith.index_cast %swap3A_608 : i32 to index
        %swap3A_611 = arith.index_cast %mul3A_606 : i32 to index
        %swap3A_612 = tpu.vector_load %arg4[%swap3A_609, %swap3A_610, %swap3A_611] {strides = array<i32>} : memref<4x16x1024xf32, #tpu.memory_space<vmem>>, vector<16xf32>,
        tpu.vector_store %arg4[%swap3A_609, %swap3A_610, %swap3A_611], %add3A_604 {strides = array<i32>} : memref<4x16x1024xf32, #tpu.memory_space<vmem>>, vector<16xf32>,
        %gather3A_613 = vector.shape_cast %broadcast_in_dim3A_158 : vector<16x1xi32> to vector<16xi32>
        %gather3A_614 = tpu.dynamic_gather %masked_cumsum3A_602[%gather3A_613] in [0] : vector<16xf32>, vector<16xi32> -> vector<16xf32>
        %add3A_615 = arith.addf %scan3A_569, %gather3A_614 : vector<16xf32>
        %mul3A_616 = arith.constant 16 : i32
        %mul3A_617 = arith.muli %scan3A_567, %mul3A_616 : i32
        %get3A_618 = arith.constant 0 : i32
        %get3A_619 = arith.constant 2 : i32
        %get3A_620 = arith.index_cast %get3A_618 : i32 to index
        %get3A_621 = arith.index_cast %get3A_619 : i32 to index
        %get3A_622 = arith.index_cast %mul3A_617 : i32 to index
        %get3A_623 = tpu.vector_load %arg4[%get3A_620, %get3A_621, %get3A_622] {strides = array<i32>} : memref<4x16x1024xf32, #tpu.memory_space<vmem>>, vector<16xf32>,
        %broadcast_in_dim3A_624 = arith.constant true
        %broadcast_in_dim3A_625 = vector.broadcast %broadcast_in_dim3A_624 : i1 to vector<16xi1>
        %masked_cumsum3A_626 = tpu.scan <sum>, %get3A_623 masked %broadcast_in_dim3A_625 : vector<16xf32>, vector<16xi1> -> vector<16xf32>
        %sub3A_627 = arith.subf %masked_cumsum3A_626, %get3A_623 : vector<16xf32>
        %add3A_628 = arith.addf %sub3A_627, %scan3A_570 : vector<16xf32>
        %mul3A_629 = arith.constant 16 : i32
        %mul3A_630 = arith.muli %scan3A_567, %mul3A_629 : i32
        %swap3A_631 = arith.constant 0 : i32
        %swap3A_632 = arith.constant 2 : i32
        %swap3A_633 = arith.index_cast %swap3A_631 : i32 to index
        %swap3A_634 = arith.index_cast %swap3A_632 : i32 to index
        %swap3A_635 = arith.index_cast %mul3A_630 : i32 to index
        %swap3A_636 = tpu.vector_load %arg4[%swap3A_633, %swap3A_634, %swap3A_635] {strides = array<i32>} : memref<4x16x1024xf32, #tpu.memory_space<vmem>>, vector<16xf32>,
        tpu.vector_store %arg4[%swap3A_633, %swap3A_634, %swap3A_635], %add3A_628 {strides = array<i32>} : memref<4x16x1024xf32, #tpu.memory_space<vmem>>, vector<16xf32>,
        %gather3A_637 = vector.shape_cast %broadcast_in_dim3A_158 : vector<16x1xi32> to vector<16xi32>
        %gather3A_638 = tpu.dynamic_gather %masked_cumsum3A_626[%gather3A_637] in [0] : vector<16xf32>, vector<16xi32> -> vector<16xf32>
        %add3A_639 = arith.addf %scan3A_570, %gather3A_638 : vector<16xf32>
        %mul3A_640 = arith.constant 16 : i32
        %mul3A_641 = arith.muli %scan3A_567, %mul3A_640 : i32
        %get3A_642 = arith.constant 0 : i32
        %get3A_643 = arith.constant 3 : i32
        %get3A_644 = arith.index_cast %get3A_642 : i32 to index
        %get3A_645 = arith.index_cast %get3A_643 : i32 to index
        %get3A_646 = arith.index_cast %mul3A_641 : i32 to index
        %get3A_647 = tpu.vector_load %arg4[%get3A_644, %get3A_645, %get3A_646] {strides = array<i32>} : memref<4x16x1024xf32, #tpu.memory_space<vmem>>, vector<16xf32>,
        %broadcast_in_dim3A_648 = arith.constant true
        %broadcast_in_dim3A_649 = vector.broadcast %broadcast_in_dim3A_648 : i1 to vector<16xi1>
        %masked_cumsum3A_650 = tpu.scan <sum>, %get3A_647 masked %broadcast_in_dim3A_649 : vector<16xf32>, vector<16xi1> -> vector<16xf32>
        %sub3A_651 = arith.subf %masked_cumsum3A_650, %get3A_647 : vector<16xf32>
        %add3A_652 = arith.addf %sub3A_651, %scan3A_571 : vector<16xf32>
        %mul3A_653 = arith.constant 16 : i32
        %mul3A_654 = arith.muli %scan3A_567, %mul3A_653 : i32
        %swap3A_655 = arith.constant 0 : i32
        %swap3A_656 = arith.constant 3 : i32
        %swap3A_657 = arith.index_cast %swap3A_655 : i32 to index
        %swap3A_658 = arith.index_cast %swap3A_656 : i32 to index
        %swap3A_659 = arith.index_cast %mul3A_654 : i32 to index
        %swap3A_660 = tpu.vector_load %arg4[%swap3A_657, %swap3A_658, %swap3A_659] {strides = array<i32>} : memref<4x16x1024xf32, #tpu.memory_space<vmem>>, vector<16xf32>,
        tpu.vector_store %arg4[%swap3A_657, %swap3A_658, %swap3A_659], %add3A_652 {strides = array<i32>} : memref<4x16x1024xf32, #tpu.memory_space<vmem>>, vector<16xf32>,
        %gather3A_661 = vector.shape_cast %broadcast_in_dim3A_158 : vector<16x1xi32> to vector<16xi32>
        %gather3A_662 = tpu.dynamic_gather %masked_cumsum3A_650[%gather3A_661] in [0] : vector<16xf32>, vector<16xi32> -> vector<16xf32>
        %add3A_663 = arith.addf %scan3A_571, %gather3A_662 : vector<16xf32>
        scf.yield %add3A_591, %add3A_615, %add3A_639, %add3A_663 : vector<16xf32>, vector<16xf32>, vector<16xf32>, vector<16xf32>
      }
      %scan3A_172 = arith.constant 64 : i32
      %broadcast_in_dim3A_173 = arith.constant 0.000000e+00 : f32
      %broadcast_in_dim3A_174 = vector.broadcast %broadcast_in_dim3A_173 : f32 to vector<16xf32>
      %broadcast_in_dim3A_175 = arith.constant 0.000000e+00 : f32
      %broadcast_in_dim3A_176 = vector.broadcast %broadcast_in_dim3A_175 : f32 to vector<16xf32>
      %broadcast_in_dim3A_177 = arith.constant 0.000000e+00 : f32
      %broadcast_in_dim3A_178 = vector.broadcast %broadcast_in_dim3A_177 : f32 to vector<16xf32>
      %broadcast_in_dim3A_179 = arith.constant 0.000000e+00 : f32
      %broadcast_in_dim3A_180 = vector.broadcast %broadcast_in_dim3A_179 : f32 to vector<16xf32>
      %scan3A_181 = arith.constant 0 : i32
      %scan3A_182 = arith.constant 64 : i32
      %scan3A_183 = arith.addi %scan3A_181, %scan3A_182 : i32
      %scan3A_184 = arith.constant 1 : i32
      %scan3A_185:4 = scf.for %scan3A_567 = %scan3A_181 to %scan3A_183 step %scan3A_184 iter_args(%scan3A_568 = %broadcast_in_dim3A_174, %scan3A_569 = %broadcast_in_dim3A_176, %scan3A_570 = %broadcast_in_dim3A_178, %scan3A_571 = %broadcast_in_dim3A_180) -> (vector<16xf32>, vector<16xf32>, vector<16xf32>, vector<16xf32>)  : i32 {
        %mul3A_572 = arith.constant 16 : i32
        %mul3A_573 = arith.muli %scan3A_567, %mul3A_572 : i32
        %get3A = arith.constant 0 : i32
        %get3A_574 = arith.constant 4 : i32
        %get3A_575 = arith.index_cast %get3A : i32 to index
        %get3A_576 = arith.index_cast %get3A_574 : i32 to index
        %get3A_577 = arith.index_cast %mul3A_573 : i32 to index
        %get3A_578 = tpu.vector_load %arg4[%get3A_575, %get3A_576, %get3A_577] {strides = array<i32>} : memref<4x16x1024xf32, #tpu.memory_space<vmem>>, vector<16xf32>,
        %broadcast_in_dim3A_579 = arith.constant true
        %broadcast_in_dim3A_580 = vector.broadcast %broadcast_in_dim3A_579 : i1 to vector<16xi1>
        %masked_cumsum3A = tpu.scan <sum>, %get3A_578 masked %broadcast_in_dim3A_580 : vector<16xf32>, vector<16xi1> -> vector<16xf32>
        %sub3A_581 = arith.subf %masked_cumsum3A, %get3A_578 : vector<16xf32>
        %add3A_582 = arith.addf %sub3A_581, %scan3A_568 : vector<16xf32>
        %mul3A_583 = arith.constant 16 : i32
        %mul3A_584 = arith.muli %scan3A_567, %mul3A_583 : i32
        %swap3A = arith.constant 0 : i32
        %swap3A_585 = arith.constant 4 : i32
        %swap3A_586 = arith.index_cast %swap3A : i32 to index
        %swap3A_587 = arith.index_cast %swap3A_585 : i32 to index
        %swap3A_588 = arith.index_cast %mul3A_584 : i32 to index
        %swap3A_589 = tpu.vector_load %arg4[%swap3A_586, %swap3A_587, %swap3A_588] {strides = array<i32>} : memref<4x16x1024xf32, #tpu.memory_space<vmem>>, vector<16xf32>,
        tpu.vector_store %arg4[%swap3A_586, %swap3A_587, %swap3A_588], %add3A_582 {strides = array<i32>} : memref<4x16x1024xf32, #tpu.memory_space<vmem>>, vector<16xf32>,
        %gather3A = vector.shape_cast %broadcast_in_dim3A_158 : vector<16x1xi32> to vector<16xi32>
        %gather3A_590 = tpu.dynamic_gather %masked_cumsum3A[%gather3A] in [0] : vector<16xf32>, vector<16xi32> -> vector<16xf32>
        %add3A_591 = arith.addf %scan3A_568, %gather3A_590 : vector<16xf32>
        %mul3A_592 = arith.constant 16 : i32
        %mul3A_593 = arith.muli %scan3A_567, %mul3A_592 : i32
        %get3A_594 = arith.constant 0 : i32
        %get3A_595 = arith.constant 5 : i32
        %get3A_596 = arith.index_cast %get3A_594 : i32 to index
        %get3A_597 = arith.index_cast %get3A_595 : i32 to index
        %get3A_598 = arith.index_cast %mul3A_593 : i32 to index
        %get3A_599 = tpu.vector_load %arg4[%get3A_596, %get3A_597, %get3A_598] {strides = array<i32>} : memref<4x16x1024xf32, #tpu.memory_space<vmem>>, vector<16xf32>,
        %broadcast_in_dim3A_600 = arith.constant true
        %broadcast_in_dim3A_601 = vector.broadcast %broadcast_in_dim3A_600 : i1 to vector<16xi1>
        %masked_cumsum3A_602 = tpu.scan <sum>, %get3A_599 masked %broadcast_in_dim3A_601 : vector<16xf32>, vector<16xi1> -> vector<16xf32>
        %sub3A_603 = arith.subf %masked_cumsum3A_602, %get3A_599 : vector<16xf32>
        %add3A_604 = arith.addf %sub3A_603, %scan3A_569 : vector<16xf32>
        %mul3A_605 = arith.constant 16 : i32
        %mul3A_606 = arith.muli %scan3A_567, %mul3A_605 : i32
        %swap3A_607 = arith.constant 0 : i32
        %swap3A_608 = arith.constant 5 : i32
        %swap3A_609 = arith.index_cast %swap3A_607 : i32 to index
        %swap3A_610 = arith.index_cast %swap3A_608 : i32 to index
        %swap3A_611 = arith.index_cast %mul3A_606 : i32 to index
        %swap3A_612 = tpu.vector_load %arg4[%swap3A_609, %swap3A_610, %swap3A_611] {strides = array<i32>} : memref<4x16x1024xf32, #tpu.memory_space<vmem>>, vector<16xf32>,
        tpu.vector_store %arg4[%swap3A_609, %swap3A_610, %swap3A_611], %add3A_604 {strides = array<i32>} : memref<4x16x1024xf32, #tpu.memory_space<vmem>>, vector<16xf32>,
        %gather3A_613 = vector.shape_cast %broadcast_in_dim3A_158 : vector<16x1xi32> to vector<16xi32>
        %gather3A_614 = tpu.dynamic_gather %masked_cumsum3A_602[%gather3A_613] in [0] : vector<16xf32>, vector<16xi32> -> vector<16xf32>
        %add3A_615 = arith.addf %scan3A_569, %gather3A_614 : vector<16xf32>
        %mul3A_616 = arith.constant 16 : i32
        %mul3A_617 = arith.muli %scan3A_567, %mul3A_616 : i32
        %get3A_618 = arith.constant 0 : i32
        %get3A_619 = arith.constant 6 : i32
        %get3A_620 = arith.index_cast %get3A_618 : i32 to index
        %get3A_621 = arith.index_cast %get3A_619 : i32 to index
        %get3A_622 = arith.index_cast %mul3A_617 : i32 to index
        %get3A_623 = tpu.vector_load %arg4[%get3A_620, %get3A_621, %get3A_622] {strides = array<i32>} : memref<4x16x1024xf32, #tpu.memory_space<vmem>>, vector<16xf32>,
        %broadcast_in_dim3A_624 = arith.constant true
        %broadcast_in_dim3A_625 = vector.broadcast %broadcast_in_dim3A_624 : i1 to vector<16xi1>
        %masked_cumsum3A_626 = tpu.scan <sum>, %get3A_623 masked %broadcast_in_dim3A_625 : vector<16xf32>, vector<16xi1> -> vector<16xf32>
        %sub3A_627 = arith.subf %masked_cumsum3A_626, %get3A_623 : vector<16xf32>
        %add3A_628 = arith.addf %sub3A_627, %scan3A_570 : vector<16xf32>
        %mul3A_629 = arith.constant 16 : i32
        %mul3A_630 = arith.muli %scan3A_567, %mul3A_629 : i32
        %swap3A_631 = arith.constant 0 : i32
        %swap3A_632 = arith.constant 6 : i32
        %swap3A_633 = arith.index_cast %swap3A_631 : i32 to index
        %swap3A_634 = arith.index_cast %swap3A_632 : i32 to index
        %swap3A_635 = arith.index_cast %mul3A_630 : i32 to index
        %swap3A_636 = tpu.vector_load %arg4[%swap3A_633, %swap3A_634, %swap3A_635] {strides = array<i32>} : memref<4x16x1024xf32, #tpu.memory_space<vmem>>, vector<16xf32>,
        tpu.vector_store %arg4[%swap3A_633, %swap3A_634, %swap3A_635], %add3A_628 {strides = array<i32>} : memref<4x16x1024xf32, #tpu.memory_space<vmem>>, vector<16xf32>,
        %gather3A_637 = vector.shape_cast %broadcast_in_dim3A_158 : vector<16x1xi32> to vector<16xi32>
        %gather3A_638 = tpu.dynamic_gather %masked_cumsum3A_626[%gather3A_637] in [0] : vector<16xf32>, vector<16xi32> -> vector<16xf32>
        %add3A_639 = arith.addf %scan3A_570, %gather3A_638 : vector<16xf32>
        %mul3A_640 = arith.constant 16 : i32
        %mul3A_641 = arith.muli %scan3A_567, %mul3A_640 : i32
        %get3A_642 = arith.constant 0 : i32
        %get3A_643 = arith.constant 7 : i32
        %get3A_644 = arith.index_cast %get3A_642 : i32 to index
        %get3A_645 = arith.index_cast %get3A_643 : i32 to index
        %get3A_646 = arith.index_cast %mul3A_641 : i32 to index
        %get3A_647 = tpu.vector_load %arg4[%get3A_644, %get3A_645, %get3A_646] {strides = array<i32>} : memref<4x16x1024xf32, #tpu.memory_space<vmem>>, vector<16xf32>,
        %broadcast_in_dim3A_648 = arith.constant true
        %broadcast_in_dim3A_649 = vector.broadcast %broadcast_in_dim3A_648 : i1 to vector<16xi1>
        %masked_cumsum3A_650 = tpu.scan <sum>, %get3A_647 masked %broadcast_in_dim3A_649 : vector<16xf32>, vector<16xi1> -> vector<16xf32>
        %sub3A_651 = arith.subf %masked_cumsum3A_650, %get3A_647 : vector<16xf32>
        %add3A_652 = arith.addf %sub3A_651, %scan3A_571 : vector<16xf32>
        %mul3A_653 = arith.constant 16 : i32
        %mul3A_654 = arith.muli %scan3A_567, %mul3A_653 : i32
        %swap3A_655 = arith.constant 0 : i32
        %swap3A_656 = arith.constant 7 : i32
        %swap3A_657 = arith.index_cast %swap3A_655 : i32 to index
        %swap3A_658 = arith.index_cast %swap3A_656 : i32 to index
        %swap3A_659 = arith.index_cast %mul3A_654 : i32 to index
        %swap3A_660 = tpu.vector_load %arg4[%swap3A_657, %swap3A_658, %swap3A_659] {strides = array<i32>} : memref<4x16x1024xf32, #tpu.memory_space<vmem>>, vector<16xf32>,
        tpu.vector_store %arg4[%swap3A_657, %swap3A_658, %swap3A_659], %add3A_652 {strides = array<i32>} : memref<4x16x1024xf32, #tpu.memory_space<vmem>>, vector<16xf32>,
        %gather3A_661 = vector.shape_cast %broadcast_in_dim3A_158 : vector<16x1xi32> to vector<16xi32>
        %gather3A_662 = tpu.dynamic_gather %masked_cumsum3A_650[%gather3A_661] in [0] : vector<16xf32>, vector<16xi32> -> vector<16xf32>
        %add3A_663 = arith.addf %scan3A_571, %gather3A_662 : vector<16xf32>
        scf.yield %add3A_591, %add3A_615, %add3A_639, %add3A_663 : vector<16xf32>, vector<16xf32>, vector<16xf32>, vector<16xf32>
      }
      %scan3A_186 = arith.constant 64 : i32
      %broadcast_in_dim3A_187 = arith.constant 0.000000e+00 : f32
      %broadcast_in_dim3A_188 = vector.broadcast %broadcast_in_dim3A_187 : f32 to vector<16xf32>
      %broadcast_in_dim3A_189 = arith.constant 0.000000e+00 : f32
      %broadcast_in_dim3A_190 = vector.broadcast %broadcast_in_dim3A_189 : f32 to vector<16xf32>
      %broadcast_in_dim3A_191 = arith.constant 0.000000e+00 : f32
      %broadcast_in_dim3A_192 = vector.broadcast %broadcast_in_dim3A_191 : f32 to vector<16xf32>
      %broadcast_in_dim3A_193 = arith.constant 0.000000e+00 : f32
      %broadcast_in_dim3A_194 = vector.broadcast %broadcast_in_dim3A_193 : f32 to vector<16xf32>
      %scan3A_195 = arith.constant 0 : i32
      %scan3A_196 = arith.constant 64 : i32
      %scan3A_197 = arith.addi %scan3A_195, %scan3A_196 : i32
      %scan3A_198 = arith.constant 1 : i32
      %scan3A_199:4 = scf.for %scan3A_567 = %scan3A_195 to %scan3A_197 step %scan3A_198 iter_args(%scan3A_568 = %broadcast_in_dim3A_188, %scan3A_569 = %broadcast_in_dim3A_190, %scan3A_570 = %broadcast_in_dim3A_192, %scan3A_571 = %broadcast_in_dim3A_194) -> (vector<16xf32>, vector<16xf32>, vector<16xf32>, vector<16xf32>)  : i32 {
        %mul3A_572 = arith.constant 16 : i32
        %mul3A_573 = arith.muli %scan3A_567, %mul3A_572 : i32
        %get3A = arith.constant 0 : i32
        %get3A_574 = arith.constant 8 : i32
        %get3A_575 = arith.index_cast %get3A : i32 to index
        %get3A_576 = arith.index_cast %get3A_574 : i32 to index
        %get3A_577 = arith.index_cast %mul3A_573 : i32 to index
        %get3A_578 = tpu.vector_load %arg4[%get3A_575, %get3A_576, %get3A_577] {strides = array<i32>} : memref<4x16x1024xf32, #tpu.memory_space<vmem>>, vector<16xf32>,
        %broadcast_in_dim3A_579 = arith.constant true
        %broadcast_in_dim3A_580 = vector.broadcast %broadcast_in_dim3A_579 : i1 to vector<16xi1>
        %masked_cumsum3A = tpu.scan <sum>, %get3A_578 masked %broadcast_in_dim3A_580 : vector<16xf32>, vector<16xi1> -> vector<16xf32>
        %sub3A_581 = arith.subf %masked_cumsum3A, %get3A_578 : vector<16xf32>
        %add3A_582 = arith.addf %sub3A_581, %scan3A_568 : vector<16xf32>
        %mul3A_583 = arith.constant 16 : i32
        %mul3A_584 = arith.muli %scan3A_567, %mul3A_583 : i32
        %swap3A = arith.constant 0 : i32
        %swap3A_585 = arith.constant 8 : i32
        %swap3A_586 = arith.index_cast %swap3A : i32 to index
        %swap3A_587 = arith.index_cast %swap3A_585 : i32 to index
        %swap3A_588 = arith.index_cast %mul3A_584 : i32 to index
        %swap3A_589 = tpu.vector_load %arg4[%swap3A_586, %swap3A_587, %swap3A_588] {strides = array<i32>} : memref<4x16x1024xf32, #tpu.memory_space<vmem>>, vector<16xf32>,
        tpu.vector_store %arg4[%swap3A_586, %swap3A_587, %swap3A_588], %add3A_582 {strides = array<i32>} : memref<4x16x1024xf32, #tpu.memory_space<vmem>>, vector<16xf32>,
        %gather3A = vector.shape_cast %broadcast_in_dim3A_158 : vector<16x1xi32> to vector<16xi32>
        %gather3A_590 = tpu.dynamic_gather %masked_cumsum3A[%gather3A] in [0] : vector<16xf32>, vector<16xi32> -> vector<16xf32>
        %add3A_591 = arith.addf %scan3A_568, %gather3A_590 : vector<16xf32>
        %mul3A_592 = arith.constant 16 : i32
        %mul3A_593 = arith.muli %scan3A_567, %mul3A_592 : i32
        %get3A_594 = arith.constant 0 : i32
        %get3A_595 = arith.constant 9 : i32
        %get3A_596 = arith.index_cast %get3A_594 : i32 to index
        %get3A_597 = arith.index_cast %get3A_595 : i32 to index
        %get3A_598 = arith.index_cast %mul3A_593 : i32 to index
        %get3A_599 = tpu.vector_load %arg4[%get3A_596, %get3A_597, %get3A_598] {strides = array<i32>} : memref<4x16x1024xf32, #tpu.memory_space<vmem>>, vector<16xf32>,
        %broadcast_in_dim3A_600 = arith.constant true
        %broadcast_in_dim3A_601 = vector.broadcast %broadcast_in_dim3A_600 : i1 to vector<16xi1>
        %masked_cumsum3A_602 = tpu.scan <sum>, %get3A_599 masked %broadcast_in_dim3A_601 : vector<16xf32>, vector<16xi1> -> vector<16xf32>
        %sub3A_603 = arith.subf %masked_cumsum3A_602, %get3A_599 : vector<16xf32>
        %add3A_604 = arith.addf %sub3A_603, %scan3A_569 : vector<16xf32>
        %mul3A_605 = arith.constant 16 : i32
        %mul3A_606 = arith.muli %scan3A_567, %mul3A_605 : i32
        %swap3A_607 = arith.constant 0 : i32
        %swap3A_608 = arith.constant 9 : i32
        %swap3A_609 = arith.index_cast %swap3A_607 : i32 to index
        %swap3A_610 = arith.index_cast %swap3A_608 : i32 to index
        %swap3A_611 = arith.index_cast %mul3A_606 : i32 to index
        %swap3A_612 = tpu.vector_load %arg4[%swap3A_609, %swap3A_610, %swap3A_611] {strides = array<i32>} : memref<4x16x1024xf32, #tpu.memory_space<vmem>>, vector<16xf32>,
        tpu.vector_store %arg4[%swap3A_609, %swap3A_610, %swap3A_611], %add3A_604 {strides = array<i32>} : memref<4x16x1024xf32, #tpu.memory_space<vmem>>, vector<16xf32>,
        %gather3A_613 = vector.shape_cast %broadcast_in_dim3A_158 : vector<16x1xi32> to vector<16xi32>
        %gather3A_614 = tpu.dynamic_gather %masked_cumsum3A_602[%gather3A_613] in [0] : vector<16xf32>, vector<16xi32> -> vector<16xf32>
        %add3A_615 = arith.addf %scan3A_569, %gather3A_614 : vector<16xf32>
        %mul3A_616 = arith.constant 16 : i32
        %mul3A_617 = arith.muli %scan3A_567, %mul3A_616 : i32
        %get3A_618 = arith.constant 0 : i32
        %get3A_619 = arith.constant 10 : i32
        %get3A_620 = arith.index_cast %get3A_618 : i32 to index
        %get3A_621 = arith.index_cast %get3A_619 : i32 to index
        %get3A_622 = arith.index_cast %mul3A_617 : i32 to index
        %get3A_623 = tpu.vector_load %arg4[%get3A_620, %get3A_621, %get3A_622] {strides = array<i32>} : memref<4x16x1024xf32, #tpu.memory_space<vmem>>, vector<16xf32>,
        %broadcast_in_dim3A_624 = arith.constant true
        %broadcast_in_dim3A_625 = vector.broadcast %broadcast_in_dim3A_624 : i1 to vector<16xi1>
        %masked_cumsum3A_626 = tpu.scan <sum>, %get3A_623 masked %broadcast_in_dim3A_625 : vector<16xf32>, vector<16xi1> -> vector<16xf32>
        %sub3A_627 = arith.subf %masked_cumsum3A_626, %get3A_623 : vector<16xf32>
        %add3A_628 = arith.addf %sub3A_627, %scan3A_570 : vector<16xf32>
        %mul3A_629 = arith.constant 16 : i32
        %mul3A_630 = arith.muli %scan3A_567, %mul3A_629 : i32
        %swap3A_631 = arith.constant 0 : i32
        %swap3A_632 = arith.constant 10 : i32
        %swap3A_633 = arith.index_cast %swap3A_631 : i32 to index
        %swap3A_634 = arith.index_cast %swap3A_632 : i32 to index
        %swap3A_635 = arith.index_cast %mul3A_630 : i32 to index
        %swap3A_636 = tpu.vector_load %arg4[%swap3A_633, %swap3A_634, %swap3A_635] {strides = array<i32>} : memref<4x16x1024xf32, #tpu.memory_space<vmem>>, vector<16xf32>,
        tpu.vector_store %arg4[%swap3A_633, %swap3A_634, %swap3A_635], %add3A_628 {strides = array<i32>} : memref<4x16x1024xf32, #tpu.memory_space<vmem>>, vector<16xf32>,
        %gather3A_637 = vector.shape_cast %broadcast_in_dim3A_158 : vector<16x1xi32> to vector<16xi32>
        %gather3A_638 = tpu.dynamic_gather %masked_cumsum3A_626[%gather3A_637] in [0] : vector<16xf32>, vector<16xi32> -> vector<16xf32>
        %add3A_639 = arith.addf %scan3A_570, %gather3A_638 : vector<16xf32>
        %mul3A_640 = arith.constant 16 : i32
        %mul3A_641 = arith.muli %scan3A_567, %mul3A_640 : i32
        %get3A_642 = arith.constant 0 : i32
        %get3A_643 = arith.constant 11 : i32
        %get3A_644 = arith.index_cast %get3A_642 : i32 to index
        %get3A_645 = arith.index_cast %get3A_643 : i32 to index
        %get3A_646 = arith.index_cast %mul3A_641 : i32 to index
        %get3A_647 = tpu.vector_load %arg4[%get3A_644, %get3A_645, %get3A_646] {strides = array<i32>} : memref<4x16x1024xf32, #tpu.memory_space<vmem>>, vector<16xf32>,
        %broadcast_in_dim3A_648 = arith.constant true
        %broadcast_in_dim3A_649 = vector.broadcast %broadcast_in_dim3A_648 : i1 to vector<16xi1>
        %masked_cumsum3A_650 = tpu.scan <sum>, %get3A_647 masked %broadcast_in_dim3A_649 : vector<16xf32>, vector<16xi1> -> vector<16xf32>
        %sub3A_651 = arith.subf %masked_cumsum3A_650, %get3A_647 : vector<16xf32>
        %add3A_652 = arith.addf %sub3A_651, %scan3A_571 : vector<16xf32>
        %mul3A_653 = arith.constant 16 : i32
        %mul3A_654 = arith.muli %scan3A_567, %mul3A_653 : i32
        %swap3A_655 = arith.constant 0 : i32
        %swap3A_656 = arith.constant 11 : i32
        %swap3A_657 = arith.index_cast %swap3A_655 : i32 to index
        %swap3A_658 = arith.index_cast %swap3A_656 : i32 to index
        %swap3A_659 = arith.index_cast %mul3A_654 : i32 to index
        %swap3A_660 = tpu.vector_load %arg4[%swap3A_657, %swap3A_658, %swap3A_659] {strides = array<i32>} : memref<4x16x1024xf32, #tpu.memory_space<vmem>>, vector<16xf32>,
        tpu.vector_store %arg4[%swap3A_657, %swap3A_658, %swap3A_659], %add3A_652 {strides = array<i32>} : memref<4x16x1024xf32, #tpu.memory_space<vmem>>, vector<16xf32>,
        %gather3A_661 = vector.shape_cast %broadcast_in_dim3A_158 : vector<16x1xi32> to vector<16xi32>
        %gather3A_662 = tpu.dynamic_gather %masked_cumsum3A_650[%gather3A_661] in [0] : vector<16xf32>, vector<16xi32> -> vector<16xf32>
        %add3A_663 = arith.addf %scan3A_571, %gather3A_662 : vector<16xf32>
        scf.yield %add3A_591, %add3A_615, %add3A_639, %add3A_663 : vector<16xf32>, vector<16xf32>, vector<16xf32>, vector<16xf32>
      }
      %scan3A_200 = arith.constant 64 : i32
      %broadcast_in_dim3A_201 = arith.constant 0.000000e+00 : f32
      %broadcast_in_dim3A_202 = vector.broadcast %broadcast_in_dim3A_201 : f32 to vector<16xf32>
      %broadcast_in_dim3A_203 = arith.constant 0.000000e+00 : f32
      %broadcast_in_dim3A_204 = vector.broadcast %broadcast_in_dim3A_203 : f32 to vector<16xf32>
      %broadcast_in_dim3A_205 = arith.constant 0.000000e+00 : f32
      %broadcast_in_dim3A_206 = vector.broadcast %broadcast_in_dim3A_205 : f32 to vector<16xf32>
      %broadcast_in_dim3A_207 = arith.constant 0.000000e+00 : f32
      %broadcast_in_dim3A_208 = vector.broadcast %broadcast_in_dim3A_207 : f32 to vector<16xf32>
      %scan3A_209 = arith.constant 0 : i32
      %scan3A_210 = arith.constant 64 : i32
      %scan3A_211 = arith.addi %scan3A_209, %scan3A_210 : i32
      %scan3A_212 = arith.constant 1 : i32
      %scan3A_213:4 = scf.for %scan3A_567 = %scan3A_209 to %scan3A_211 step %scan3A_212 iter_args(%scan3A_568 = %broadcast_in_dim3A_202, %scan3A_569 = %broadcast_in_dim3A_204, %scan3A_570 = %broadcast_in_dim3A_206, %scan3A_571 = %broadcast_in_dim3A_208) -> (vector<16xf32>, vector<16xf32>, vector<16xf32>, vector<16xf32>)  : i32 {
        %mul3A_572 = arith.constant 16 : i32
        %mul3A_573 = arith.muli %scan3A_567, %mul3A_572 : i32
        %get3A = arith.constant 0 : i32
        %get3A_574 = arith.constant 12 : i32
        %get3A_575 = arith.index_cast %get3A : i32 to index
        %get3A_576 = arith.index_cast %get3A_574 : i32 to index
        %get3A_577 = arith.index_cast %mul3A_573 : i32 to index
        %get3A_578 = tpu.vector_load %arg4[%get3A_575, %get3A_576, %get3A_577] {strides = array<i32>} : memref<4x16x1024xf32, #tpu.memory_space<vmem>>, vector<16xf32>,
        %broadcast_in_dim3A_579 = arith.constant true
        %broadcast_in_dim3A_580 = vector.broadcast %broadcast_in_dim3A_579 : i1 to vector<16xi1>
        %masked_cumsum3A = tpu.scan <sum>, %get3A_578 masked %broadcast_in_dim3A_580 : vector<16xf32>, vector<16xi1> -> vector<16xf32>
        %sub3A_581 = arith.subf %masked_cumsum3A, %get3A_578 : vector<16xf32>
        %add3A_582 = arith.addf %sub3A_581, %scan3A_568 : vector<16xf32>
        %mul3A_583 = arith.constant 16 : i32
        %mul3A_584 = arith.muli %scan3A_567, %mul3A_583 : i32
        %swap3A = arith.constant 0 : i32
        %swap3A_585 = arith.constant 12 : i32
        %swap3A_586 = arith.index_cast %swap3A : i32 to index
        %swap3A_587 = arith.index_cast %swap3A_585 : i32 to index
        %swap3A_588 = arith.index_cast %mul3A_584 : i32 to index
        %swap3A_589 = tpu.vector_load %arg4[%swap3A_586, %swap3A_587, %swap3A_588] {strides = array<i32>} : memref<4x16x1024xf32, #tpu.memory_space<vmem>>, vector<16xf32>,
        tpu.vector_store %arg4[%swap3A_586, %swap3A_587, %swap3A_588], %add3A_582 {strides = array<i32>} : memref<4x16x1024xf32, #tpu.memory_space<vmem>>, vector<16xf32>,
        %gather3A = vector.shape_cast %broadcast_in_dim3A_158 : vector<16x1xi32> to vector<16xi32>
        %gather3A_590 = tpu.dynamic_gather %masked_cumsum3A[%gather3A] in [0] : vector<16xf32>, vector<16xi32> -> vector<16xf32>
        %add3A_591 = arith.addf %scan3A_568, %gather3A_590 : vector<16xf32>
        %mul3A_592 = arith.constant 16 : i32
        %mul3A_593 = arith.muli %scan3A_567, %mul3A_592 : i32
        %get3A_594 = arith.constant 0 : i32
        %get3A_595 = arith.constant 13 : i32
        %get3A_596 = arith.index_cast %get3A_594 : i32 to index
        %get3A_597 = arith.index_cast %get3A_595 : i32 to index
        %get3A_598 = arith.index_cast %mul3A_593 : i32 to index
        %get3A_599 = tpu.vector_load %arg4[%get3A_596, %get3A_597, %get3A_598] {strides = array<i32>} : memref<4x16x1024xf32, #tpu.memory_space<vmem>>, vector<16xf32>,
        %broadcast_in_dim3A_600 = arith.constant true
        %broadcast_in_dim3A_601 = vector.broadcast %broadcast_in_dim3A_600 : i1 to vector<16xi1>
        %masked_cumsum3A_602 = tpu.scan <sum>, %get3A_599 masked %broadcast_in_dim3A_601 : vector<16xf32>, vector<16xi1> -> vector<16xf32>
        %sub3A_603 = arith.subf %masked_cumsum3A_602, %get3A_599 : vector<16xf32>
        %add3A_604 = arith.addf %sub3A_603, %scan3A_569 : vector<16xf32>
        %mul3A_605 = arith.constant 16 : i32
        %mul3A_606 = arith.muli %scan3A_567, %mul3A_605 : i32
        %swap3A_607 = arith.constant 0 : i32
        %swap3A_608 = arith.constant 13 : i32
        %swap3A_609 = arith.index_cast %swap3A_607 : i32 to index
        %swap3A_610 = arith.index_cast %swap3A_608 : i32 to index
        %swap3A_611 = arith.index_cast %mul3A_606 : i32 to index
        %swap3A_612 = tpu.vector_load %arg4[%swap3A_609, %swap3A_610, %swap3A_611] {strides = array<i32>} : memref<4x16x1024xf32, #tpu.memory_space<vmem>>, vector<16xf32>,
        tpu.vector_store %arg4[%swap3A_609, %swap3A_610, %swap3A_611], %add3A_604 {strides = array<i32>} : memref<4x16x1024xf32, #tpu.memory_space<vmem>>, vector<16xf32>,
        %gather3A_613 = vector.shape_cast %broadcast_in_dim3A_158 : vector<16x1xi32> to vector<16xi32>
        %gather3A_614 = tpu.dynamic_gather %masked_cumsum3A_602[%gather3A_613] in [0] : vector<16xf32>, vector<16xi32> -> vector<16xf32>
        %add3A_615 = arith.addf %scan3A_569, %gather3A_614 : vector<16xf32>
        %mul3A_616 = arith.constant 16 : i32
        %mul3A_617 = arith.muli %scan3A_567, %mul3A_616 : i32
        %get3A_618 = arith.constant 0 : i32
        %get3A_619 = arith.constant 14 : i32
        %get3A_620 = arith.index_cast %get3A_618 : i32 to index
        %get3A_621 = arith.index_cast %get3A_619 : i32 to index
        %get3A_622 = arith.index_cast %mul3A_617 : i32 to index
        %get3A_623 = tpu.vector_load %arg4[%get3A_620, %get3A_621, %get3A_622] {strides = array<i32>} : memref<4x16x1024xf32, #tpu.memory_space<vmem>>, vector<16xf32>,
        %broadcast_in_dim3A_624 = arith.constant true
        %broadcast_in_dim3A_625 = vector.broadcast %broadcast_in_dim3A_624 : i1 to vector<16xi1>
        %masked_cumsum3A_626 = tpu.scan <sum>, %get3A_623 masked %broadcast_in_dim3A_625 : vector<16xf32>, vector<16xi1> -> vector<16xf32>
        %sub3A_627 = arith.subf %masked_cumsum3A_626, %get3A_623 : vector<16xf32>
        %add3A_628 = arith.addf %sub3A_627, %scan3A_570 : vector<16xf32>
        %mul3A_629 = arith.constant 16 : i32
        %mul3A_630 = arith.muli %scan3A_567, %mul3A_629 : i32
        %swap3A_631 = arith.constant 0 : i32
        %swap3A_632 = arith.constant 14 : i32
        %swap3A_633 = arith.index_cast %swap3A_631 : i32 to index
        %swap3A_634 = arith.index_cast %swap3A_632 : i32 to index
        %swap3A_635 = arith.index_cast %mul3A_630 : i32 to index
        %swap3A_636 = tpu.vector_load %arg4[%swap3A_633, %swap3A_634, %swap3A_635] {strides = array<i32>} : memref<4x16x1024xf32, #tpu.memory_space<vmem>>, vector<16xf32>,
        tpu.vector_store %arg4[%swap3A_633, %swap3A_634, %swap3A_635], %add3A_628 {strides = array<i32>} : memref<4x16x1024xf32, #tpu.memory_space<vmem>>, vector<16xf32>,
        %gather3A_637 = vector.shape_cast %broadcast_in_dim3A_158 : vector<16x1xi32> to vector<16xi32>
        %gather3A_638 = tpu.dynamic_gather %masked_cumsum3A_626[%gather3A_637] in [0] : vector<16xf32>, vector<16xi32> -> vector<16xf32>
        %add3A_639 = arith.addf %scan3A_570, %gather3A_638 : vector<16xf32>
        %mul3A_640 = arith.constant 16 : i32
        %mul3A_641 = arith.muli %scan3A_567, %mul3A_640 : i32
        %get3A_642 = arith.constant 0 : i32
        %get3A_643 = arith.constant 15 : i32
        %get3A_644 = arith.index_cast %get3A_642 : i32 to index
        %get3A_645 = arith.index_cast %get3A_643 : i32 to index
        %get3A_646 = arith.index_cast %mul3A_641 : i32 to index
        %get3A_647 = tpu.vector_load %arg4[%get3A_644, %get3A_645, %get3A_646] {strides = array<i32>} : memref<4x16x1024xf32, #tpu.memory_space<vmem>>, vector<16xf32>,
        %broadcast_in_dim3A_648 = arith.constant true
        %broadcast_in_dim3A_649 = vector.broadcast %broadcast_in_dim3A_648 : i1 to vector<16xi1>
        %masked_cumsum3A_650 = tpu.scan <sum>, %get3A_647 masked %broadcast_in_dim3A_649 : vector<16xf32>, vector<16xi1> -> vector<16xf32>
        %sub3A_651 = arith.subf %masked_cumsum3A_650, %get3A_647 : vector<16xf32>
        %add3A_652 = arith.addf %sub3A_651, %scan3A_571 : vector<16xf32>
        %mul3A_653 = arith.constant 16 : i32
        %mul3A_654 = arith.muli %scan3A_567, %mul3A_653 : i32
        %swap3A_655 = arith.constant 0 : i32
        %swap3A_656 = arith.constant 15 : i32
        %swap3A_657 = arith.index_cast %swap3A_655 : i32 to index
        %swap3A_658 = arith.index_cast %swap3A_656 : i32 to index
        %swap3A_659 = arith.index_cast %mul3A_654 : i32 to index
        %swap3A_660 = tpu.vector_load %arg4[%swap3A_657, %swap3A_658, %swap3A_659] {strides = array<i32>} : memref<4x16x1024xf32, #tpu.memory_space<vmem>>, vector<16xf32>,
        tpu.vector_store %arg4[%swap3A_657, %swap3A_658, %swap3A_659], %add3A_652 {strides = array<i32>} : memref<4x16x1024xf32, #tpu.memory_space<vmem>>, vector<16xf32>,
        %gather3A_661 = vector.shape_cast %broadcast_in_dim3A_158 : vector<16x1xi32> to vector<16xi32>
        %gather3A_662 = tpu.dynamic_gather %masked_cumsum3A_650[%gather3A_661] in [0] : vector<16xf32>, vector<16xi32> -> vector<16xf32>
        %add3A_663 = arith.addf %scan3A_571, %gather3A_662 : vector<16xf32>
        scf.yield %add3A_591, %add3A_615, %add3A_639, %add3A_663 : vector<16xf32>, vector<16xf32>, vector<16xf32>, vector<16xf32>
      }
      %scan3A_214 = arith.constant 64 : i32
      %mul3A_215 = arith.constant 16 : i32
      %mul3A_216 = arith.muli %add3A_138, %mul3A_215 : i32
      %add3A_217 = arith.addi %mul3A_2, %mul3A_216 : i32
      %dma_start3A_218 = arith.constant 0 : i32
      %dma_start3A_219 = arith.constant 0 : i32
      %dma_start3A_220 = arith.constant 0 : i32
      %dma_start3A_221 = arith.constant 0 : i32
      %dma_start3A_222 = tpu.memref_slice %arg4[%dma_start3A_218, %dma_start3A_220, %dma_start3A_221] : memref<4x16x1024xf32, #tpu.memory_space<vmem>> -> memref<1x16x1024xf32, #tpu.memory_space<vmem>>
      %dma_start3A_223 = tpu.memref_squeeze %dma_start3A_222 : memref<1x16x1024xf32, #tpu.memory_space<vmem>> -> memref<16x1024xf32, #tpu.memory_space<vmem>>
      %dma_start3A_224 = arith.constant 0 : i32
      %dma_start3A_225 = tpu.memref_slice %arg3[%add3A_217, %dma_start3A_224] : memref<16384x1024xf32, #tpu.memory_space<hbm>> -> memref<16x1024xf32, #tpu.memory_space<hbm>>
      %dma_start3A_226 = tpu.memref_slice %arg6[%dma_start3A_219] : memref<4x!tpu.dma_semaphore, #tpu.memory_space<semaphore_mem>> -> memref<1x!tpu.dma_semaphore, #tpu.memory_space<semaphore_mem>>
      %dma_start3A_227 = tpu.memref_squeeze %dma_start3A_226 : memref<1x!tpu.dma_semaphore, #tpu.memory_space<semaphore_mem>> -> memref<!tpu.dma_semaphore, #tpu.memory_space<semaphore_mem>>
      %dma_start3A_228 = arith.constant 0 : i32
      %dma_start3A_229 = tpu.memref_slice %arg3[%add3A_217, %dma_start3A_228] : memref<16384x1024xf32, #tpu.memory_space<hbm>> -> memref<16x1024xf32, #tpu.memory_space<hbm>>
      %dma_start3A_230 = arith.constant 0 : i32
      %dma_start3A_231 = arith.constant 0 : i32
      %dma_start3A_232 = tpu.memref_slice %arg4[%dma_start3A_218, %dma_start3A_230, %dma_start3A_231] : memref<4x16x1024xf32, #tpu.memory_space<vmem>> -> memref<1x16x1024xf32, #tpu.memory_space<vmem>>
      %dma_start3A_233 = tpu.memref_squeeze %dma_start3A_232 : memref<1x16x1024xf32, #tpu.memory_space<vmem>> -> memref<16x1024xf32, #tpu.memory_space<vmem>>
      tpu.enqueue_dma source(%dma_start3A_233 : memref<16x1024xf32, #tpu.memory_space<vmem>>) target(%dma_start3A_229 : memref<16x1024xf32, #tpu.memory_space<hbm>>) target_semaphore(%dma_start3A_227 : memref<!tpu.dma_semaphore, #tpu.memory_space<semaphore_mem>>)
      %add3A_234 = arith.constant 4 : i32
      %add3A_235 = arith.addi %add3A_138, %add3A_234 : i32
      %sub3A = arith.constant 1 : i32
      %sub3A_236 = arith.subi %add3A_235, %sub3A : i32
      %lt3A = arith.constant 32 : i32
      %lt3A_237 = arith.cmpi slt, %sub3A_236, %lt3A : i32
      %convert_element_type3A = arith.extui %lt3A_237 : i1 to i32
      %cond3A = arith.constant 0 : i32
      %cond3A_238 = arith.cmpi ne, %convert_element_type3A, %cond3A : i32
      scf.if %cond3A_238 {
        %ge3A = arith.constant 1 : i32
        %ge3A_567 = arith.cmpi sge, %add3A_138, %ge3A : i32
        %convert_element_type3A_568 = arith.extui %ge3A_567 : i1 to i32
        %cond3A_569 = arith.constant 0 : i32
        %cond3A_570 = arith.cmpi ne, %convert_element_type3A_568, %cond3A_569 : i32
        scf.if %cond3A_570 {
          %sub3A_594 = arith.constant 1 : i32
          %sub3A_595 = arith.subi %add3A_138, %sub3A_594 : i32
          %mul3A_596 = arith.constant 16 : i32
          %mul3A_597 = arith.muli %sub3A_595, %mul3A_596 : i32
          %add3A_598 = arith.addi %mul3A_2, %mul3A_597 : i32
          %dma_wait3A_599 = arith.constant 3 : i32
          %dma_wait3A_600 = arith.constant 3 : i32
          %dma_wait3A_601 = arith.constant 0 : i32
          %dma_wait3A_602 = arith.constant 0 : i32
          %dma_wait3A_603 = tpu.memref_slice %arg4[%dma_wait3A_599, %dma_wait3A_601, %dma_wait3A_602] : memref<4x16x1024xf32, #tpu.memory_space<vmem>> -> memref<1x16x1024xf32, #tpu.memory_space<vmem>>
          %dma_wait3A_604 = tpu.memref_squeeze %dma_wait3A_603 : memref<1x16x1024xf32, #tpu.memory_space<vmem>> -> memref<16x1024xf32, #tpu.memory_space<vmem>>
          %dma_wait3A_605 = arith.constant 0 : i32
          %dma_wait3A_606 = tpu.memref_slice %arg3[%add3A_598, %dma_wait3A_605] : memref<16384x1024xf32, #tpu.memory_space<hbm>> -> memref<16x1024xf32, #tpu.memory_space<hbm>>
          %dma_wait3A_607 = tpu.memref_slice %arg6[%dma_wait3A_600] : memref<4x!tpu.dma_semaphore, #tpu.memory_space<semaphore_mem>> -> memref<1x!tpu.dma_semaphore, #tpu.memory_space<semaphore_mem>>
          %dma_wait3A_608 = tpu.memref_squeeze %dma_wait3A_607 : memref<1x!tpu.dma_semaphore, #tpu.memory_space<semaphore_mem>> -> memref<!tpu.dma_semaphore, #tpu.memory_space<semaphore_mem>>
          %dma_wait3A_609 = arith.constant 0 : i32
          %dma_wait3A_610 = tpu.memref_slice %arg3[%add3A_598, %dma_wait3A_609] : memref<16384x1024xf32, #tpu.memory_space<hbm>> -> memref<16x1024xf32, #tpu.memory_space<hbm>>
          %dma_wait3A_611 = arith.constant 0 : i32
          %dma_wait3A_612 = arith.constant 0 : i32
          %dma_wait3A_613 = tpu.memref_slice %arg4[%dma_wait3A_599, %dma_wait3A_611, %dma_wait3A_612] : memref<4x16x1024xf32, #tpu.memory_space<vmem>> -> memref<1x16x1024xf32, #tpu.memory_space<vmem>>
          %dma_wait3A_614 = tpu.memref_squeeze %dma_wait3A_613 : memref<1x16x1024xf32, #tpu.memory_space<vmem>> -> memref<16x1024xf32, #tpu.memory_space<vmem>>
          tpu.wait_dma2 semaphore(%dma_wait3A_608 : memref<!tpu.dma_semaphore, #tpu.memory_space<semaphore_mem>>) src(%dma_wait3A_614 : memref<16x1024xf32, #tpu.memory_space<vmem>>) dst(%dma_wait3A_610 : memref<16x1024xf32, #tpu.memory_space<hbm>>)
        } else {
        }
        %add3A_571 = arith.constant 4 : i32
        %add3A_572 = arith.addi %add3A_138, %add3A_571 : i32
        %sub3A_573 = arith.constant 1 : i32
        %sub3A_574 = arith.subi %add3A_572, %sub3A_573 : i32
        %mul3A_575 = arith.constant 16 : i32
        %mul3A_576 = arith.muli %sub3A_574, %mul3A_575 : i32
        %add3A_577 = arith.addi %mul3A_2, %mul3A_576 : i32
        %dma_start3A_578 = arith.constant 3 : i32
        %dma_start3A_579 = arith.constant 3 : i32
        %dma_start3A_580 = arith.constant 0 : i32
        %dma_start3A_581 = arith.constant 0 : i32
        %dma_start3A_582 = tpu.memref_slice %arg4[%dma_start3A_578, %dma_start3A_580, %dma_start3A_581] : memref<4x16x1024xf32, #tpu.memory_space<vmem>> -> memref<1x16x1024xf32, #tpu.memory_space<vmem>>
        %dma_start3A_583 = tpu.memref_squeeze %dma_start3A_582 : memref<1x16x1024xf32, #tpu.memory_space<vmem>> -> memref<16x1024xf32, #tpu.memory_space<vmem>>
        %dma_start3A_584 = arith.constant 0 : i32
        %dma_start3A_585 = tpu.memref_slice %arg2[%add3A_577, %dma_start3A_584] : memref<16384x1024xf32, #tpu.memory_space<hbm>> -> memref<16x1024xf32, #tpu.memory_space<hbm>>
        %dma_start3A_586 = tpu.memref_slice %arg5[%dma_start3A_579] : memref<4x!tpu.dma_semaphore, #tpu.memory_space<semaphore_mem>> -> memref<1x!tpu.dma_semaphore, #tpu.memory_space<semaphore_mem>>
        %dma_start3A_587 = tpu.memref_squeeze %dma_start3A_586 : memref<1x!tpu.dma_semaphore, #tpu.memory_space<semaphore_mem>> -> memref<!tpu.dma_semaphore, #tpu.memory_space<semaphore_mem>>
        %dma_start3A_588 = arith.constant 0 : i32
        %dma_start3A_589 = arith.constant 0 : i32
        %dma_start3A_590 = tpu.memref_slice %arg4[%dma_start3A_578, %dma_start3A_588, %dma_start3A_589] : memref<4x16x1024xf32, #tpu.memory_space<vmem>> -> memref<1x16x1024xf32, #tpu.memory_space<vmem>>
        %dma_start3A_591 = tpu.memref_squeeze %dma_start3A_590 : memref<1x16x1024xf32, #tpu.memory_space<vmem>> -> memref<16x1024xf32, #tpu.memory_space<vmem>>
        %dma_start3A_592 = arith.constant 0 : i32
        %dma_start3A_593 = tpu.memref_slice %arg2[%add3A_577, %dma_start3A_592] : memref<16384x1024xf32, #tpu.memory_space<hbm>> -> memref<16x1024xf32, #tpu.memory_space<hbm>>
        tpu.enqueue_dma source(%dma_start3A_593 : memref<16x1024xf32, #tpu.memory_space<hbm>>) target(%dma_start3A_591 : memref<16x1024xf32, #tpu.memory_space<vmem>>) target_semaphore(%dma_start3A_587 : memref<!tpu.dma_semaphore, #tpu.memory_space<semaphore_mem>>)
      } else {
      }
      %mul3A_239 = arith.constant 4 : i32
      %mul3A_240 = arith.muli %scan3A_133, %mul3A_239 : i32
      %add3A_241 = arith.constant 1 : i32
      %add3A_242 = arith.addi %mul3A_240, %add3A_241 : i32
      %mul3A_243 = arith.constant 16 : i32
      %mul3A_244 = arith.muli %add3A_242, %mul3A_243 : i32
      %add3A_245 = arith.addi %mul3A_2, %mul3A_244 : i32
      %dma_wait3A_246 = arith.constant 1 : i32
      %dma_wait3A_247 = arith.constant 1 : i32
      %dma_wait3A_248 = arith.constant 0 : i32
      %dma_wait3A_249 = arith.constant 0 : i32
      %dma_wait3A_250 = tpu.memref_slice %arg4[%dma_wait3A_246, %dma_wait3A_248, %dma_wait3A_249] : memref<4x16x1024xf32, #tpu.memory_space<vmem>> -> memref<1x16x1024xf32, #tpu.memory_space<vmem>>
      %dma_wait3A_251 = tpu.memref_squeeze %dma_wait3A_250 : memref<1x16x1024xf32, #tpu.memory_space<vmem>> -> memref<16x1024xf32, #tpu.memory_space<vmem>>
      %dma_wait3A_252 = arith.constant 0 : i32
      %dma_wait3A_253 = tpu.memref_slice %arg2[%add3A_245, %dma_wait3A_252] : memref<16384x1024xf32, #tpu.memory_space<hbm>> -> memref<16x1024xf32, #tpu.memory_space<hbm>>
      %dma_wait3A_254 = tpu.memref_slice %arg5[%dma_wait3A_247] : memref<4x!tpu.dma_semaphore, #tpu.memory_space<semaphore_mem>> -> memref<1x!tpu.dma_semaphore, #tpu.memory_space<semaphore_mem>>
      %dma_wait3A_255 = tpu.memref_squeeze %dma_wait3A_254 : memref<1x!tpu.dma_semaphore, #tpu.memory_space<semaphore_mem>> -> memref<!tpu.dma_semaphore, #tpu.memory_space<semaphore_mem>>
      %dma_wait3A_256 = arith.constant 0 : i32
      %dma_wait3A_257 = arith.constant 0 : i32
      %dma_wait3A_258 = tpu.memref_slice %arg4[%dma_wait3A_246, %dma_wait3A_256, %dma_wait3A_257] : memref<4x16x1024xf32, #tpu.memory_space<vmem>> -> memref<1x16x1024xf32, #tpu.memory_space<vmem>>
      %dma_wait3A_259 = tpu.memref_squeeze %dma_wait3A_258 : memref<1x16x1024xf32, #tpu.memory_space<vmem>> -> memref<16x1024xf32, #tpu.memory_space<vmem>>
      %dma_wait3A_260 = arith.constant 0 : i32
      %dma_wait3A_261 = tpu.memref_slice %arg2[%add3A_245, %dma_wait3A_260] : memref<16384x1024xf32, #tpu.memory_space<hbm>> -> memref<16x1024xf32, #tpu.memory_space<hbm>>
      tpu.wait_dma2 semaphore(%dma_wait3A_255 : memref<!tpu.dma_semaphore, #tpu.memory_space<semaphore_mem>>) src(%dma_wait3A_261 : memref<16x1024xf32, #tpu.memory_space<hbm>>) dst(%dma_wait3A_259 : memref<16x1024xf32, #tpu.memory_space<vmem>>)
      %broadcast_in_dim3A_262 = arith.constant 15 : i32
      %broadcast_in_dim3A_263 = vector.broadcast %broadcast_in_dim3A_262 : i32 to vector<16x1xi32>
      %broadcast_in_dim3A_264 = arith.constant 0.000000e+00 : f32
      %broadcast_in_dim3A_265 = vector.broadcast %broadcast_in_dim3A_264 : f32 to vector<16xf32>
      %broadcast_in_dim3A_266 = arith.constant 0.000000e+00 : f32
      %broadcast_in_dim3A_267 = vector.broadcast %broadcast_in_dim3A_266 : f32 to vector<16xf32>
      %broadcast_in_dim3A_268 = arith.constant 0.000000e+00 : f32
      %broadcast_in_dim3A_269 = vector.broadcast %broadcast_in_dim3A_268 : f32 to vector<16xf32>
      %broadcast_in_dim3A_270 = arith.constant 0.000000e+00 : f32
      %broadcast_in_dim3A_271 = vector.broadcast %broadcast_in_dim3A_270 : f32 to vector<16xf32>
      %scan3A_272 = arith.constant 0 : i32
      %scan3A_273 = arith.constant 64 : i32
      %scan3A_274 = arith.addi %scan3A_272, %scan3A_273 : i32
      %scan3A_275 = arith.constant 1 : i32
      %scan3A_276:4 = scf.for %scan3A_567 = %scan3A_272 to %scan3A_274 step %scan3A_275 iter_args(%scan3A_568 = %broadcast_in_dim3A_265, %scan3A_569 = %broadcast_in_dim3A_267, %scan3A_570 = %broadcast_in_dim3A_269, %scan3A_571 = %broadcast_in_dim3A_271) -> (vector<16xf32>, vector<16xf32>, vector<16xf32>, vector<16xf32>)  : i32 {
        %mul3A_572 = arith.constant 16 : i32
        %mul3A_573 = arith.muli %scan3A_567, %mul3A_572 : i32
        %get3A = arith.constant 1 : i32
        %get3A_574 = arith.constant 0 : i32
        %get3A_575 = arith.index_cast %get3A : i32 to index
        %get3A_576 = arith.index_cast %get3A_574 : i32 to index
        %get3A_577 = arith.index_cast %mul3A_573 : i32 to index
        %get3A_578 = tpu.vector_load %arg4[%get3A_575, %get3A_576, %get3A_577] {strides = array<i32>} : memref<4x16x1024xf32, #tpu.memory_space<vmem>>, vector<16xf32>,
        %broadcast_in_dim3A_579 = arith.constant true
        %broadcast_in_dim3A_580 = vector.broadcast %broadcast_in_dim3A_579 : i1 to vector<16xi1>
        %masked_cumsum3A = tpu.scan <sum>, %get3A_578 masked %broadcast_in_dim3A_580 : vector<16xf32>, vector<16xi1> -> vector<16xf32>
        %sub3A_581 = arith.subf %masked_cumsum3A, %get3A_578 : vector<16xf32>
        %add3A_582 = arith.addf %sub3A_581, %scan3A_568 : vector<16xf32>
        %mul3A_583 = arith.constant 16 : i32
        %mul3A_584 = arith.muli %scan3A_567, %mul3A_583 : i32
        %swap3A = arith.constant 1 : i32
        %swap3A_585 = arith.constant 0 : i32
        %swap3A_586 = arith.index_cast %swap3A : i32 to index
        %swap3A_587 = arith.index_cast %swap3A_585 : i32 to index
        %swap3A_588 = arith.index_cast %mul3A_584 : i32 to index
        %swap3A_589 = tpu.vector_load %arg4[%swap3A_586, %swap3A_587, %swap3A_588] {strides = array<i32>} : memref<4x16x1024xf32, #tpu.memory_space<vmem>>, vector<16xf32>,
        tpu.vector_store %arg4[%swap3A_586, %swap3A_587, %swap3A_588], %add3A_582 {strides = array<i32>} : memref<4x16x1024xf32, #tpu.memory_space<vmem>>, vector<16xf32>,
        %gather3A = vector.shape_cast %broadcast_in_dim3A_263 : vector<16x1xi32> to vector<16xi32>
        %gather3A_590 = tpu.dynamic_gather %masked_cumsum3A[%gather3A] in [0] : vector<16xf32>, vector<16xi32> -> vector<16xf32>
        %add3A_591 = arith.addf %scan3A_568, %gather3A_590 : vector<16xf32>
        %mul3A_592 = arith.constant 16 : i32
        %mul3A_593 = arith.muli %scan3A_567, %mul3A_592 : i32
        %get3A_594 = arith.constant 1 : i32
        %get3A_595 = arith.constant 1 : i32
        %get3A_596 = arith.index_cast %get3A_594 : i32 to index
        %get3A_597 = arith.index_cast %get3A_595 : i32 to index
        %get3A_598 = arith.index_cast %mul3A_593 : i32 to index
        %get3A_599 = tpu.vector_load %arg4[%get3A_596, %get3A_597, %get3A_598] {strides = array<i32>} : memref<4x16x1024xf32, #tpu.memory_space<vmem>>, vector<16xf32>,
        %broadcast_in_dim3A_600 = arith.constant true
        %broadcast_in_dim3A_601 = vector.broadcast %broadcast_in_dim3A_600 : i1 to vector<16xi1>
        %masked_cumsum3A_602 = tpu.scan <sum>, %get3A_599 masked %broadcast_in_dim3A_601 : vector<16xf32>, vector<16xi1> -> vector<16xf32>
        %sub3A_603 = arith.subf %masked_cumsum3A_602, %get3A_599 : vector<16xf32>
        %add3A_604 = arith.addf %sub3A_603, %scan3A_569 : vector<16xf32>
        %mul3A_605 = arith.constant 16 : i32
        %mul3A_606 = arith.muli %scan3A_567, %mul3A_605 : i32
        %swap3A_607 = arith.constant 1 : i32
        %swap3A_608 = arith.constant 1 : i32
        %swap3A_609 = arith.index_cast %swap3A_607 : i32 to index
        %swap3A_610 = arith.index_cast %swap3A_608 : i32 to index
        %swap3A_611 = arith.index_cast %mul3A_606 : i32 to index
        %swap3A_612 = tpu.vector_load %arg4[%swap3A_609, %swap3A_610, %swap3A_611] {strides = array<i32>} : memref<4x16x1024xf32, #tpu.memory_space<vmem>>, vector<16xf32>,
        tpu.vector_store %arg4[%swap3A_609, %swap3A_610, %swap3A_611], %add3A_604 {strides = array<i32>} : memref<4x16x1024xf32, #tpu.memory_space<vmem>>, vector<16xf32>,
        %gather3A_613 = vector.shape_cast %broadcast_in_dim3A_263 : vector<16x1xi32> to vector<16xi32>
        %gather3A_614 = tpu.dynamic_gather %masked_cumsum3A_602[%gather3A_613] in [0] : vector<16xf32>, vector<16xi32> -> vector<16xf32>
        %add3A_615 = arith.addf %scan3A_569, %gather3A_614 : vector<16xf32>
        %mul3A_616 = arith.constant 16 : i32
        %mul3A_617 = arith.muli %scan3A_567, %mul3A_616 : i32
        %get3A_618 = arith.constant 1 : i32
        %get3A_619 = arith.constant 2 : i32
        %get3A_620 = arith.index_cast %get3A_618 : i32 to index
        %get3A_621 = arith.index_cast %get3A_619 : i32 to index
        %get3A_622 = arith.index_cast %mul3A_617 : i32 to index
        %get3A_623 = tpu.vector_load %arg4[%get3A_620, %get3A_621, %get3A_622] {strides = array<i32>} : memref<4x16x1024xf32, #tpu.memory_space<vmem>>, vector<16xf32>,
        %broadcast_in_dim3A_624 = arith.constant true
        %broadcast_in_dim3A_625 = vector.broadcast %broadcast_in_dim3A_624 : i1 to vector<16xi1>
        %masked_cumsum3A_626 = tpu.scan <sum>, %get3A_623 masked %broadcast_in_dim3A_625 : vector<16xf32>, vector<16xi1> -> vector<16xf32>
        %sub3A_627 = arith.subf %masked_cumsum3A_626, %get3A_623 : vector<16xf32>
        %add3A_628 = arith.addf %sub3A_627, %scan3A_570 : vector<16xf32>
        %mul3A_629 = arith.constant 16 : i32
        %mul3A_630 = arith.muli %scan3A_567, %mul3A_629 : i32
        %swap3A_631 = arith.constant 1 : i32
        %swap3A_632 = arith.constant 2 : i32
        %swap3A_633 = arith.index_cast %swap3A_631 : i32 to index
        %swap3A_634 = arith.index_cast %swap3A_632 : i32 to index
        %swap3A_635 = arith.index_cast %mul3A_630 : i32 to index
        %swap3A_636 = tpu.vector_load %arg4[%swap3A_633, %swap3A_634, %swap3A_635] {strides = array<i32>} : memref<4x16x1024xf32, #tpu.memory_space<vmem>>, vector<16xf32>,
        tpu.vector_store %arg4[%swap3A_633, %swap3A_634, %swap3A_635], %add3A_628 {strides = array<i32>} : memref<4x16x1024xf32, #tpu.memory_space<vmem>>, vector<16xf32>,
        %gather3A_637 = vector.shape_cast %broadcast_in_dim3A_263 : vector<16x1xi32> to vector<16xi32>
        %gather3A_638 = tpu.dynamic_gather %masked_cumsum3A_626[%gather3A_637] in [0] : vector<16xf32>, vector<16xi32> -> vector<16xf32>
        %add3A_639 = arith.addf %scan3A_570, %gather3A_638 : vector<16xf32>
        %mul3A_640 = arith.constant 16 : i32
        %mul3A_641 = arith.muli %scan3A_567, %mul3A_640 : i32
        %get3A_642 = arith.constant 1 : i32
        %get3A_643 = arith.constant 3 : i32
        %get3A_644 = arith.index_cast %get3A_642 : i32 to index
        %get3A_645 = arith.index_cast %get3A_643 : i32 to index
        %get3A_646 = arith.index_cast %mul3A_641 : i32 to index
        %get3A_647 = tpu.vector_load %arg4[%get3A_644, %get3A_645, %get3A_646] {strides = array<i32>} : memref<4x16x1024xf32, #tpu.memory_space<vmem>>, vector<16xf32>,
        %broadcast_in_dim3A_648 = arith.constant true
        %broadcast_in_dim3A_649 = vector.broadcast %broadcast_in_dim3A_648 : i1 to vector<16xi1>
        %masked_cumsum3A_650 = tpu.scan <sum>, %get3A_647 masked %broadcast_in_dim3A_649 : vector<16xf32>, vector<16xi1> -> vector<16xf32>
        %sub3A_651 = arith.subf %masked_cumsum3A_650, %get3A_647 : vector<16xf32>
        %add3A_652 = arith.addf %sub3A_651, %scan3A_571 : vector<16xf32>
        %mul3A_653 = arith.constant 16 : i32
        %mul3A_654 = arith.muli %scan3A_567, %mul3A_653 : i32
        %swap3A_655 = arith.constant 1 : i32
        %swap3A_656 = arith.constant 3 : i32
        %swap3A_657 = arith.index_cast %swap3A_655 : i32 to index
        %swap3A_658 = arith.index_cast %swap3A_656 : i32 to index
        %swap3A_659 = arith.index_cast %mul3A_654 : i32 to index
        %swap3A_660 = tpu.vector_load %arg4[%swap3A_657, %swap3A_658, %swap3A_659] {strides = array<i32>} : memref<4x16x1024xf32, #tpu.memory_space<vmem>>, vector<16xf32>,
        tpu.vector_store %arg4[%swap3A_657, %swap3A_658, %swap3A_659], %add3A_652 {strides = array<i32>} : memref<4x16x1024xf32, #tpu.memory_space<vmem>>, vector<16xf32>,
        %gather3A_661 = vector.shape_cast %broadcast_in_dim3A_263 : vector<16x1xi32> to vector<16xi32>
        %gather3A_662 = tpu.dynamic_gather %masked_cumsum3A_650[%gather3A_661] in [0] : vector<16xf32>, vector<16xi32> -> vector<16xf32>
        %add3A_663 = arith.addf %scan3A_571, %gather3A_662 : vector<16xf32>
        scf.yield %add3A_591, %add3A_615, %add3A_639, %add3A_663 : vector<16xf32>, vector<16xf32>, vector<16xf32>, vector<16xf32>
      }
      %scan3A_277 = arith.constant 64 : i32
      %broadcast_in_dim3A_278 = arith.constant 0.000000e+00 : f32
      %broadcast_in_dim3A_279 = vector.broadcast %broadcast_in_dim3A_278 : f32 to vector<16xf32>
      %broadcast_in_dim3A_280 = arith.constant 0.000000e+00 : f32
      %broadcast_in_dim3A_281 = vector.broadcast %broadcast_in_dim3A_280 : f32 to vector<16xf32>
      %broadcast_in_dim3A_282 = arith.constant 0.000000e+00 : f32
      %broadcast_in_dim3A_283 = vector.broadcast %broadcast_in_dim3A_282 : f32 to vector<16xf32>
      %broadcast_in_dim3A_284 = arith.constant 0.000000e+00 : f32
      %broadcast_in_dim3A_285 = vector.broadcast %broadcast_in_dim3A_284 : f32 to vector<16xf32>
      %scan3A_286 = arith.constant 0 : i32
      %scan3A_287 = arith.constant 64 : i32
      %scan3A_288 = arith.addi %scan3A_286, %scan3A_287 : i32
      %scan3A_289 = arith.constant 1 : i32
      %scan3A_290:4 = scf.for %scan3A_567 = %scan3A_286 to %scan3A_288 step %scan3A_289 iter_args(%scan3A_568 = %broadcast_in_dim3A_279, %scan3A_569 = %broadcast_in_dim3A_281, %scan3A_570 = %broadcast_in_dim3A_283, %scan3A_571 = %broadcast_in_dim3A_285) -> (vector<16xf32>, vector<16xf32>, vector<16xf32>, vector<16xf32>)  : i32 {
        %mul3A_572 = arith.constant 16 : i32
        %mul3A_573 = arith.muli %scan3A_567, %mul3A_572 : i32
        %get3A = arith.constant 1 : i32
        %get3A_574 = arith.constant 4 : i32
        %get3A_575 = arith.index_cast %get3A : i32 to index
        %get3A_576 = arith.index_cast %get3A_574 : i32 to index
        %get3A_577 = arith.index_cast %mul3A_573 : i32 to index
        %get3A_578 = tpu.vector_load %arg4[%get3A_575, %get3A_576, %get3A_577] {strides = array<i32>} : memref<4x16x1024xf32, #tpu.memory_space<vmem>>, vector<16xf32>,
        %broadcast_in_dim3A_579 = arith.constant true
        %broadcast_in_dim3A_580 = vector.broadcast %broadcast_in_dim3A_579 : i1 to vector<16xi1>
        %masked_cumsum3A = tpu.scan <sum>, %get3A_578 masked %broadcast_in_dim3A_580 : vector<16xf32>, vector<16xi1> -> vector<16xf32>
        %sub3A_581 = arith.subf %masked_cumsum3A, %get3A_578 : vector<16xf32>
        %add3A_582 = arith.addf %sub3A_581, %scan3A_568 : vector<16xf32>
        %mul3A_583 = arith.constant 16 : i32
        %mul3A_584 = arith.muli %scan3A_567, %mul3A_583 : i32
        %swap3A = arith.constant 1 : i32
        %swap3A_585 = arith.constant 4 : i32
        %swap3A_586 = arith.index_cast %swap3A : i32 to index
        %swap3A_587 = arith.index_cast %swap3A_585 : i32 to index
        %swap3A_588 = arith.index_cast %mul3A_584 : i32 to index
        %swap3A_589 = tpu.vector_load %arg4[%swap3A_586, %swap3A_587, %swap3A_588] {strides = array<i32>} : memref<4x16x1024xf32, #tpu.memory_space<vmem>>, vector<16xf32>,
        tpu.vector_store %arg4[%swap3A_586, %swap3A_587, %swap3A_588], %add3A_582 {strides = array<i32>} : memref<4x16x1024xf32, #tpu.memory_space<vmem>>, vector<16xf32>,
        %gather3A = vector.shape_cast %broadcast_in_dim3A_263 : vector<16x1xi32> to vector<16xi32>
        %gather3A_590 = tpu.dynamic_gather %masked_cumsum3A[%gather3A] in [0] : vector<16xf32>, vector<16xi32> -> vector<16xf32>
        %add3A_591 = arith.addf %scan3A_568, %gather3A_590 : vector<16xf32>
        %mul3A_592 = arith.constant 16 : i32
        %mul3A_593 = arith.muli %scan3A_567, %mul3A_592 : i32
        %get3A_594 = arith.constant 1 : i32
        %get3A_595 = arith.constant 5 : i32
        %get3A_596 = arith.index_cast %get3A_594 : i32 to index
        %get3A_597 = arith.index_cast %get3A_595 : i32 to index
        %get3A_598 = arith.index_cast %mul3A_593 : i32 to index
        %get3A_599 = tpu.vector_load %arg4[%get3A_596, %get3A_597, %get3A_598] {strides = array<i32>} : memref<4x16x1024xf32, #tpu.memory_space<vmem>>, vector<16xf32>,
        %broadcast_in_dim3A_600 = arith.constant true
        %broadcast_in_dim3A_601 = vector.broadcast %broadcast_in_dim3A_600 : i1 to vector<16xi1>
        %masked_cumsum3A_602 = tpu.scan <sum>, %get3A_599 masked %broadcast_in_dim3A_601 : vector<16xf32>, vector<16xi1> -> vector<16xf32>
        %sub3A_603 = arith.subf %masked_cumsum3A_602, %get3A_599 : vector<16xf32>
        %add3A_604 = arith.addf %sub3A_603, %scan3A_569 : vector<16xf32>
        %mul3A_605 = arith.constant 16 : i32
        %mul3A_606 = arith.muli %scan3A_567, %mul3A_605 : i32
        %swap3A_607 = arith.constant 1 : i32
        %swap3A_608 = arith.constant 5 : i32
        %swap3A_609 = arith.index_cast %swap3A_607 : i32 to index
        %swap3A_610 = arith.index_cast %swap3A_608 : i32 to index
        %swap3A_611 = arith.index_cast %mul3A_606 : i32 to index
        %swap3A_612 = tpu.vector_load %arg4[%swap3A_609, %swap3A_610, %swap3A_611] {strides = array<i32>} : memref<4x16x1024xf32, #tpu.memory_space<vmem>>, vector<16xf32>,
        tpu.vector_store %arg4[%swap3A_609, %swap3A_610, %swap3A_611], %add3A_604 {strides = array<i32>} : memref<4x16x1024xf32, #tpu.memory_space<vmem>>, vector<16xf32>,
        %gather3A_613 = vector.shape_cast %broadcast_in_dim3A_263 : vector<16x1xi32> to vector<16xi32>
        %gather3A_614 = tpu.dynamic_gather %masked_cumsum3A_602[%gather3A_613] in [0] : vector<16xf32>, vector<16xi32> -> vector<16xf32>
        %add3A_615 = arith.addf %scan3A_569, %gather3A_614 : vector<16xf32>
        %mul3A_616 = arith.constant 16 : i32
        %mul3A_617 = arith.muli %scan3A_567, %mul3A_616 : i32
        %get3A_618 = arith.constant 1 : i32
        %get3A_619 = arith.constant 6 : i32
        %get3A_620 = arith.index_cast %get3A_618 : i32 to index
        %get3A_621 = arith.index_cast %get3A_619 : i32 to index
        %get3A_622 = arith.index_cast %mul3A_617 : i32 to index
        %get3A_623 = tpu.vector_load %arg4[%get3A_620, %get3A_621, %get3A_622] {strides = array<i32>} : memref<4x16x1024xf32, #tpu.memory_space<vmem>>, vector<16xf32>,
        %broadcast_in_dim3A_624 = arith.constant true
        %broadcast_in_dim3A_625 = vector.broadcast %broadcast_in_dim3A_624 : i1 to vector<16xi1>
        %masked_cumsum3A_626 = tpu.scan <sum>, %get3A_623 masked %broadcast_in_dim3A_625 : vector<16xf32>, vector<16xi1> -> vector<16xf32>
        %sub3A_627 = arith.subf %masked_cumsum3A_626, %get3A_623 : vector<16xf32>
        %add3A_628 = arith.addf %sub3A_627, %scan3A_570 : vector<16xf32>
        %mul3A_629 = arith.constant 16 : i32
        %mul3A_630 = arith.muli %scan3A_567, %mul3A_629 : i32
        %swap3A_631 = arith.constant 1 : i32
        %swap3A_632 = arith.constant 6 : i32
        %swap3A_633 = arith.index_cast %swap3A_631 : i32 to index
        %swap3A_634 = arith.index_cast %swap3A_632 : i32 to index
        %swap3A_635 = arith.index_cast %mul3A_630 : i32 to index
        %swap3A_636 = tpu.vector_load %arg4[%swap3A_633, %swap3A_634, %swap3A_635] {strides = array<i32>} : memref<4x16x1024xf32, #tpu.memory_space<vmem>>, vector<16xf32>,
        tpu.vector_store %arg4[%swap3A_633, %swap3A_634, %swap3A_635], %add3A_628 {strides = array<i32>} : memref<4x16x1024xf32, #tpu.memory_space<vmem>>, vector<16xf32>,
        %gather3A_637 = vector.shape_cast %broadcast_in_dim3A_263 : vector<16x1xi32> to vector<16xi32>
        %gather3A_638 = tpu.dynamic_gather %masked_cumsum3A_626[%gather3A_637] in [0] : vector<16xf32>, vector<16xi32> -> vector<16xf32>
        %add3A_639 = arith.addf %scan3A_570, %gather3A_638 : vector<16xf32>
        %mul3A_640 = arith.constant 16 : i32
        %mul3A_641 = arith.muli %scan3A_567, %mul3A_640 : i32
        %get3A_642 = arith.constant 1 : i32
        %get3A_643 = arith.constant 7 : i32
        %get3A_644 = arith.index_cast %get3A_642 : i32 to index
        %get3A_645 = arith.index_cast %get3A_643 : i32 to index
        %get3A_646 = arith.index_cast %mul3A_641 : i32 to index
        %get3A_647 = tpu.vector_load %arg4[%get3A_644, %get3A_645, %get3A_646] {strides = array<i32>} : memref<4x16x1024xf32, #tpu.memory_space<vmem>>, vector<16xf32>,
        %broadcast_in_dim3A_648 = arith.constant true
        %broadcast_in_dim3A_649 = vector.broadcast %broadcast_in_dim3A_648 : i1 to vector<16xi1>
        %masked_cumsum3A_650 = tpu.scan <sum>, %get3A_647 masked %broadcast_in_dim3A_649 : vector<16xf32>, vector<16xi1> -> vector<16xf32>
        %sub3A_651 = arith.subf %masked_cumsum3A_650, %get3A_647 : vector<16xf32>
        %add3A_652 = arith.addf %sub3A_651, %scan3A_571 : vector<16xf32>
        %mul3A_653 = arith.constant 16 : i32
        %mul3A_654 = arith.muli %scan3A_567, %mul3A_653 : i32
        %swap3A_655 = arith.constant 1 : i32
        %swap3A_656 = arith.constant 7 : i32
        %swap3A_657 = arith.index_cast %swap3A_655 : i32 to index
        %swap3A_658 = arith.index_cast %swap3A_656 : i32 to index
        %swap3A_659 = arith.index_cast %mul3A_654 : i32 to index
        %swap3A_660 = tpu.vector_load %arg4[%swap3A_657, %swap3A_658, %swap3A_659] {strides = array<i32>} : memref<4x16x1024xf32, #tpu.memory_space<vmem>>, vector<16xf32>,
        tpu.vector_store %arg4[%swap3A_657, %swap3A_658, %swap3A_659], %add3A_652 {strides = array<i32>} : memref<4x16x1024xf32, #tpu.memory_space<vmem>>, vector<16xf32>,
        %gather3A_661 = vector.shape_cast %broadcast_in_dim3A_263 : vector<16x1xi32> to vector<16xi32>
        %gather3A_662 = tpu.dynamic_gather %masked_cumsum3A_650[%gather3A_661] in [0] : vector<16xf32>, vector<16xi32> -> vector<16xf32>
        %add3A_663 = arith.addf %scan3A_571, %gather3A_662 : vector<16xf32>
        scf.yield %add3A_591, %add3A_615, %add3A_639, %add3A_663 : vector<16xf32>, vector<16xf32>, vector<16xf32>, vector<16xf32>
      }
      %scan3A_291 = arith.constant 64 : i32
      %broadcast_in_dim3A_292 = arith.constant 0.000000e+00 : f32
      %broadcast_in_dim3A_293 = vector.broadcast %broadcast_in_dim3A_292 : f32 to vector<16xf32>
      %broadcast_in_dim3A_294 = arith.constant 0.000000e+00 : f32
      %broadcast_in_dim3A_295 = vector.broadcast %broadcast_in_dim3A_294 : f32 to vector<16xf32>
      %broadcast_in_dim3A_296 = arith.constant 0.000000e+00 : f32
      %broadcast_in_dim3A_297 = vector.broadcast %broadcast_in_dim3A_296 : f32 to vector<16xf32>
      %broadcast_in_dim3A_298 = arith.constant 0.000000e+00 : f32
      %broadcast_in_dim3A_299 = vector.broadcast %broadcast_in_dim3A_298 : f32 to vector<16xf32>
      %scan3A_300 = arith.constant 0 : i32
      %scan3A_301 = arith.constant 64 : i32
      %scan3A_302 = arith.addi %scan3A_300, %scan3A_301 : i32
      %scan3A_303 = arith.constant 1 : i32
      %scan3A_304:4 = scf.for %scan3A_567 = %scan3A_300 to %scan3A_302 step %scan3A_303 iter_args(%scan3A_568 = %broadcast_in_dim3A_293, %scan3A_569 = %broadcast_in_dim3A_295, %scan3A_570 = %broadcast_in_dim3A_297, %scan3A_571 = %broadcast_in_dim3A_299) -> (vector<16xf32>, vector<16xf32>, vector<16xf32>, vector<16xf32>)  : i32 {
        %mul3A_572 = arith.constant 16 : i32
        %mul3A_573 = arith.muli %scan3A_567, %mul3A_572 : i32
        %get3A = arith.constant 1 : i32
        %get3A_574 = arith.constant 8 : i32
        %get3A_575 = arith.index_cast %get3A : i32 to index
        %get3A_576 = arith.index_cast %get3A_574 : i32 to index
        %get3A_577 = arith.index_cast %mul3A_573 : i32 to index
        %get3A_578 = tpu.vector_load %arg4[%get3A_575, %get3A_576, %get3A_577] {strides = array<i32>} : memref<4x16x1024xf32, #tpu.memory_space<vmem>>, vector<16xf32>,
        %broadcast_in_dim3A_579 = arith.constant true
        %broadcast_in_dim3A_580 = vector.broadcast %broadcast_in_dim3A_579 : i1 to vector<16xi1>
        %masked_cumsum3A = tpu.scan <sum>, %get3A_578 masked %broadcast_in_dim3A_580 : vector<16xf32>, vector<16xi1> -> vector<16xf32>
        %sub3A_581 = arith.subf %masked_cumsum3A, %get3A_578 : vector<16xf32>
        %add3A_582 = arith.addf %sub3A_581, %scan3A_568 : vector<16xf32>
        %mul3A_583 = arith.constant 16 : i32
        %mul3A_584 = arith.muli %scan3A_567, %mul3A_583 : i32
        %swap3A = arith.constant 1 : i32
        %swap3A_585 = arith.constant 8 : i32
        %swap3A_586 = arith.index_cast %swap3A : i32 to index
        %swap3A_587 = arith.index_cast %swap3A_585 : i32 to index
        %swap3A_588 = arith.index_cast %mul3A_584 : i32 to index
        %swap3A_589 = tpu.vector_load %arg4[%swap3A_586, %swap3A_587, %swap3A_588] {strides = array<i32>} : memref<4x16x1024xf32, #tpu.memory_space<vmem>>, vector<16xf32>,
        tpu.vector_store %arg4[%swap3A_586, %swap3A_587, %swap3A_588], %add3A_582 {strides = array<i32>} : memref<4x16x1024xf32, #tpu.memory_space<vmem>>, vector<16xf32>,
        %gather3A = vector.shape_cast %broadcast_in_dim3A_263 : vector<16x1xi32> to vector<16xi32>
        %gather3A_590 = tpu.dynamic_gather %masked_cumsum3A[%gather3A] in [0] : vector<16xf32>, vector<16xi32> -> vector<16xf32>
        %add3A_591 = arith.addf %scan3A_568, %gather3A_590 : vector<16xf32>
        %mul3A_592 = arith.constant 16 : i32
        %mul3A_593 = arith.muli %scan3A_567, %mul3A_592 : i32
        %get3A_594 = arith.constant 1 : i32
        %get3A_595 = arith.constant 9 : i32
        %get3A_596 = arith.index_cast %get3A_594 : i32 to index
        %get3A_597 = arith.index_cast %get3A_595 : i32 to index
        %get3A_598 = arith.index_cast %mul3A_593 : i32 to index
        %get3A_599 = tpu.vector_load %arg4[%get3A_596, %get3A_597, %get3A_598] {strides = array<i32>} : memref<4x16x1024xf32, #tpu.memory_space<vmem>>, vector<16xf32>,
        %broadcast_in_dim3A_600 = arith.constant true
        %broadcast_in_dim3A_601 = vector.broadcast %broadcast_in_dim3A_600 : i1 to vector<16xi1>
        %masked_cumsum3A_602 = tpu.scan <sum>, %get3A_599 masked %broadcast_in_dim3A_601 : vector<16xf32>, vector<16xi1> -> vector<16xf32>
        %sub3A_603 = arith.subf %masked_cumsum3A_602, %get3A_599 : vector<16xf32>
        %add3A_604 = arith.addf %sub3A_603, %scan3A_569 : vector<16xf32>
        %mul3A_605 = arith.constant 16 : i32
        %mul3A_606 = arith.muli %scan3A_567, %mul3A_605 : i32
        %swap3A_607 = arith.constant 1 : i32
        %swap3A_608 = arith.constant 9 : i32
        %swap3A_609 = arith.index_cast %swap3A_607 : i32 to index
        %swap3A_610 = arith.index_cast %swap3A_608 : i32 to index
        %swap3A_611 = arith.index_cast %mul3A_606 : i32 to index
        %swap3A_612 = tpu.vector_load %arg4[%swap3A_609, %swap3A_610, %swap3A_611] {strides = array<i32>} : memref<4x16x1024xf32, #tpu.memory_space<vmem>>, vector<16xf32>,
        tpu.vector_store %arg4[%swap3A_609, %swap3A_610, %swap3A_611], %add3A_604 {strides = array<i32>} : memref<4x16x1024xf32, #tpu.memory_space<vmem>>, vector<16xf32>,
        %gather3A_613 = vector.shape_cast %broadcast_in_dim3A_263 : vector<16x1xi32> to vector<16xi32>
        %gather3A_614 = tpu.dynamic_gather %masked_cumsum3A_602[%gather3A_613] in [0] : vector<16xf32>, vector<16xi32> -> vector<16xf32>
        %add3A_615 = arith.addf %scan3A_569, %gather3A_614 : vector<16xf32>
        %mul3A_616 = arith.constant 16 : i32
        %mul3A_617 = arith.muli %scan3A_567, %mul3A_616 : i32
        %get3A_618 = arith.constant 1 : i32
        %get3A_619 = arith.constant 10 : i32
        %get3A_620 = arith.index_cast %get3A_618 : i32 to index
        %get3A_621 = arith.index_cast %get3A_619 : i32 to index
        %get3A_622 = arith.index_cast %mul3A_617 : i32 to index
        %get3A_623 = tpu.vector_load %arg4[%get3A_620, %get3A_621, %get3A_622] {strides = array<i32>} : memref<4x16x1024xf32, #tpu.memory_space<vmem>>, vector<16xf32>,
        %broadcast_in_dim3A_624 = arith.constant true
        %broadcast_in_dim3A_625 = vector.broadcast %broadcast_in_dim3A_624 : i1 to vector<16xi1>
        %masked_cumsum3A_626 = tpu.scan <sum>, %get3A_623 masked %broadcast_in_dim3A_625 : vector<16xf32>, vector<16xi1> -> vector<16xf32>
        %sub3A_627 = arith.subf %masked_cumsum3A_626, %get3A_623 : vector<16xf32>
        %add3A_628 = arith.addf %sub3A_627, %scan3A_570 : vector<16xf32>
        %mul3A_629 = arith.constant 16 : i32
        %mul3A_630 = arith.muli %scan3A_567, %mul3A_629 : i32
        %swap3A_631 = arith.constant 1 : i32
        %swap3A_632 = arith.constant 10 : i32
        %swap3A_633 = arith.index_cast %swap3A_631 : i32 to index
        %swap3A_634 = arith.index_cast %swap3A_632 : i32 to index
        %swap3A_635 = arith.index_cast %mul3A_630 : i32 to index
        %swap3A_636 = tpu.vector_load %arg4[%swap3A_633, %swap3A_634, %swap3A_635] {strides = array<i32>} : memref<4x16x1024xf32, #tpu.memory_space<vmem>>, vector<16xf32>,
        tpu.vector_store %arg4[%swap3A_633, %swap3A_634, %swap3A_635], %add3A_628 {strides = array<i32>} : memref<4x16x1024xf32, #tpu.memory_space<vmem>>, vector<16xf32>,
        %gather3A_637 = vector.shape_cast %broadcast_in_dim3A_263 : vector<16x1xi32> to vector<16xi32>
        %gather3A_638 = tpu.dynamic_gather %masked_cumsum3A_626[%gather3A_637] in [0] : vector<16xf32>, vector<16xi32> -> vector<16xf32>
        %add3A_639 = arith.addf %scan3A_570, %gather3A_638 : vector<16xf32>
        %mul3A_640 = arith.constant 16 : i32
        %mul3A_641 = arith.muli %scan3A_567, %mul3A_640 : i32
        %get3A_642 = arith.constant 1 : i32
        %get3A_643 = arith.constant 11 : i32
        %get3A_644 = arith.index_cast %get3A_642 : i32 to index
        %get3A_645 = arith.index_cast %get3A_643 : i32 to index
        %get3A_646 = arith.index_cast %mul3A_641 : i32 to index
        %get3A_647 = tpu.vector_load %arg4[%get3A_644, %get3A_645, %get3A_646] {strides = array<i32>} : memref<4x16x1024xf32, #tpu.memory_space<vmem>>, vector<16xf32>,
        %broadcast_in_dim3A_648 = arith.constant true
        %broadcast_in_dim3A_649 = vector.broadcast %broadcast_in_dim3A_648 : i1 to vector<16xi1>
        %masked_cumsum3A_650 = tpu.scan <sum>, %get3A_647 masked %broadcast_in_dim3A_649 : vector<16xf32>, vector<16xi1> -> vector<16xf32>
        %sub3A_651 = arith.subf %masked_cumsum3A_650, %get3A_647 : vector<16xf32>
        %add3A_652 = arith.addf %sub3A_651, %scan3A_571 : vector<16xf32>
        %mul3A_653 = arith.constant 16 : i32
        %mul3A_654 = arith.muli %scan3A_567, %mul3A_653 : i32
        %swap3A_655 = arith.constant 1 : i32
        %swap3A_656 = arith.constant 11 : i32
        %swap3A_657 = arith.index_cast %swap3A_655 : i32 to index
        %swap3A_658 = arith.index_cast %swap3A_656 : i32 to index
        %swap3A_659 = arith.index_cast %mul3A_654 : i32 to index
        %swap3A_660 = tpu.vector_load %arg4[%swap3A_657, %swap3A_658, %swap3A_659] {strides = array<i32>} : memref<4x16x1024xf32, #tpu.memory_space<vmem>>, vector<16xf32>,
        tpu.vector_store %arg4[%swap3A_657, %swap3A_658, %swap3A_659], %add3A_652 {strides = array<i32>} : memref<4x16x1024xf32, #tpu.memory_space<vmem>>, vector<16xf32>,
        %gather3A_661 = vector.shape_cast %broadcast_in_dim3A_263 : vector<16x1xi32> to vector<16xi32>
        %gather3A_662 = tpu.dynamic_gather %masked_cumsum3A_650[%gather3A_661] in [0] : vector<16xf32>, vector<16xi32> -> vector<16xf32>
        %add3A_663 = arith.addf %scan3A_571, %gather3A_662 : vector<16xf32>
        scf.yield %add3A_591, %add3A_615, %add3A_639, %add3A_663 : vector<16xf32>, vector<16xf32>, vector<16xf32>, vector<16xf32>
      }
      %scan3A_305 = arith.constant 64 : i32
      %broadcast_in_dim3A_306 = arith.constant 0.000000e+00 : f32
      %broadcast_in_dim3A_307 = vector.broadcast %broadcast_in_dim3A_306 : f32 to vector<16xf32>
      %broadcast_in_dim3A_308 = arith.constant 0.000000e+00 : f32
      %broadcast_in_dim3A_309 = vector.broadcast %broadcast_in_dim3A_308 : f32 to vector<16xf32>
      %broadcast_in_dim3A_310 = arith.constant 0.000000e+00 : f32
      %broadcast_in_dim3A_311 = vector.broadcast %broadcast_in_dim3A_310 : f32 to vector<16xf32>
      %broadcast_in_dim3A_312 = arith.constant 0.000000e+00 : f32
      %broadcast_in_dim3A_313 = vector.broadcast %broadcast_in_dim3A_312 : f32 to vector<16xf32>
      %scan3A_314 = arith.constant 0 : i32
      %scan3A_315 = arith.constant 64 : i32
      %scan3A_316 = arith.addi %scan3A_314, %scan3A_315 : i32
      %scan3A_317 = arith.constant 1 : i32
      %scan3A_318:4 = scf.for %scan3A_567 = %scan3A_314 to %scan3A_316 step %scan3A_317 iter_args(%scan3A_568 = %broadcast_in_dim3A_307, %scan3A_569 = %broadcast_in_dim3A_309, %scan3A_570 = %broadcast_in_dim3A_311, %scan3A_571 = %broadcast_in_dim3A_313) -> (vector<16xf32>, vector<16xf32>, vector<16xf32>, vector<16xf32>)  : i32 {
        %mul3A_572 = arith.constant 16 : i32
        %mul3A_573 = arith.muli %scan3A_567, %mul3A_572 : i32
        %get3A = arith.constant 1 : i32
        %get3A_574 = arith.constant 12 : i32
        %get3A_575 = arith.index_cast %get3A : i32 to index
        %get3A_576 = arith.index_cast %get3A_574 : i32 to index
        %get3A_577 = arith.index_cast %mul3A_573 : i32 to index
        %get3A_578 = tpu.vector_load %arg4[%get3A_575, %get3A_576, %get3A_577] {strides = array<i32>} : memref<4x16x1024xf32, #tpu.memory_space<vmem>>, vector<16xf32>,
        %broadcast_in_dim3A_579 = arith.constant true
        %broadcast_in_dim3A_580 = vector.broadcast %broadcast_in_dim3A_579 : i1 to vector<16xi1>
        %masked_cumsum3A = tpu.scan <sum>, %get3A_578 masked %broadcast_in_dim3A_580 : vector<16xf32>, vector<16xi1> -> vector<16xf32>
        %sub3A_581 = arith.subf %masked_cumsum3A, %get3A_578 : vector<16xf32>
        %add3A_582 = arith.addf %sub3A_581, %scan3A_568 : vector<16xf32>
        %mul3A_583 = arith.constant 16 : i32
        %mul3A_584 = arith.muli %scan3A_567, %mul3A_583 : i32
        %swap3A = arith.constant 1 : i32
        %swap3A_585 = arith.constant 12 : i32
        %swap3A_586 = arith.index_cast %swap3A : i32 to index
        %swap3A_587 = arith.index_cast %swap3A_585 : i32 to index
        %swap3A_588 = arith.index_cast %mul3A_584 : i32 to index
        %swap3A_589 = tpu.vector_load %arg4[%swap3A_586, %swap3A_587, %swap3A_588] {strides = array<i32>} : memref<4x16x1024xf32, #tpu.memory_space<vmem>>, vector<16xf32>,
        tpu.vector_store %arg4[%swap3A_586, %swap3A_587, %swap3A_588], %add3A_582 {strides = array<i32>} : memref<4x16x1024xf32, #tpu.memory_space<vmem>>, vector<16xf32>,
        %gather3A = vector.shape_cast %broadcast_in_dim3A_263 : vector<16x1xi32> to vector<16xi32>
        %gather3A_590 = tpu.dynamic_gather %masked_cumsum3A[%gather3A] in [0] : vector<16xf32>, vector<16xi32> -> vector<16xf32>
        %add3A_591 = arith.addf %scan3A_568, %gather3A_590 : vector<16xf32>
        %mul3A_592 = arith.constant 16 : i32
        %mul3A_593 = arith.muli %scan3A_567, %mul3A_592 : i32
        %get3A_594 = arith.constant 1 : i32
        %get3A_595 = arith.constant 13 : i32
        %get3A_596 = arith.index_cast %get3A_594 : i32 to index
        %get3A_597 = arith.index_cast %get3A_595 : i32 to index
        %get3A_598 = arith.index_cast %mul3A_593 : i32 to index
        %get3A_599 = tpu.vector_load %arg4[%get3A_596, %get3A_597, %get3A_598] {strides = array<i32>} : memref<4x16x1024xf32, #tpu.memory_space<vmem>>, vector<16xf32>,
        %broadcast_in_dim3A_600 = arith.constant true
        %broadcast_in_dim3A_601 = vector.broadcast %broadcast_in_dim3A_600 : i1 to vector<16xi1>
        %masked_cumsum3A_602 = tpu.scan <sum>, %get3A_599 masked %broadcast_in_dim3A_601 : vector<16xf32>, vector<16xi1> -> vector<16xf32>
        %sub3A_603 = arith.subf %masked_cumsum3A_602, %get3A_599 : vector<16xf32>
        %add3A_604 = arith.addf %sub3A_603, %scan3A_569 : vector<16xf32>
        %mul3A_605 = arith.constant 16 : i32
        %mul3A_606 = arith.muli %scan3A_567, %mul3A_605 : i32
        %swap3A_607 = arith.constant 1 : i32
        %swap3A_608 = arith.constant 13 : i32
        %swap3A_609 = arith.index_cast %swap3A_607 : i32 to index
        %swap3A_610 = arith.index_cast %swap3A_608 : i32 to index
        %swap3A_611 = arith.index_cast %mul3A_606 : i32 to index
        %swap3A_612 = tpu.vector_load %arg4[%swap3A_609, %swap3A_610, %swap3A_611] {strides = array<i32>} : memref<4x16x1024xf32, #tpu.memory_space<vmem>>, vector<16xf32>,
        tpu.vector_store %arg4[%swap3A_609, %swap3A_610, %swap3A_611], %add3A_604 {strides = array<i32>} : memref<4x16x1024xf32, #tpu.memory_space<vmem>>, vector<16xf32>,
        %gather3A_613 = vector.shape_cast %broadcast_in_dim3A_263 : vector<16x1xi32> to vector<16xi32>
        %gather3A_614 = tpu.dynamic_gather %masked_cumsum3A_602[%gather3A_613] in [0] : vector<16xf32>, vector<16xi32> -> vector<16xf32>
        %add3A_615 = arith.addf %scan3A_569, %gather3A_614 : vector<16xf32>
        %mul3A_616 = arith.constant 16 : i32
        %mul3A_617 = arith.muli %scan3A_567, %mul3A_616 : i32
        %get3A_618 = arith.constant 1 : i32
        %get3A_619 = arith.constant 14 : i32
        %get3A_620 = arith.index_cast %get3A_618 : i32 to index
        %get3A_621 = arith.index_cast %get3A_619 : i32 to index
        %get3A_622 = arith.index_cast %mul3A_617 : i32 to index
        %get3A_623 = tpu.vector_load %arg4[%get3A_620, %get3A_621, %get3A_622] {strides = array<i32>} : memref<4x16x1024xf32, #tpu.memory_space<vmem>>, vector<16xf32>,
        %broadcast_in_dim3A_624 = arith.constant true
        %broadcast_in_dim3A_625 = vector.broadcast %broadcast_in_dim3A_624 : i1 to vector<16xi1>
        %masked_cumsum3A_626 = tpu.scan <sum>, %get3A_623 masked %broadcast_in_dim3A_625 : vector<16xf32>, vector<16xi1> -> vector<16xf32>
        %sub3A_627 = arith.subf %masked_cumsum3A_626, %get3A_623 : vector<16xf32>
        %add3A_628 = arith.addf %sub3A_627, %scan3A_570 : vector<16xf32>
        %mul3A_629 = arith.constant 16 : i32
        %mul3A_630 = arith.muli %scan3A_567, %mul3A_629 : i32
        %swap3A_631 = arith.constant 1 : i32
        %swap3A_632 = arith.constant 14 : i32
        %swap3A_633 = arith.index_cast %swap3A_631 : i32 to index
        %swap3A_634 = arith.index_cast %swap3A_632 : i32 to index
        %swap3A_635 = arith.index_cast %mul3A_630 : i32 to index
        %swap3A_636 = tpu.vector_load %arg4[%swap3A_633, %swap3A_634, %swap3A_635] {strides = array<i32>} : memref<4x16x1024xf32, #tpu.memory_space<vmem>>, vector<16xf32>,
        tpu.vector_store %arg4[%swap3A_633, %swap3A_634, %swap3A_635], %add3A_628 {strides = array<i32>} : memref<4x16x1024xf32, #tpu.memory_space<vmem>>, vector<16xf32>,
        %gather3A_637 = vector.shape_cast %broadcast_in_dim3A_263 : vector<16x1xi32> to vector<16xi32>
        %gather3A_638 = tpu.dynamic_gather %masked_cumsum3A_626[%gather3A_637] in [0] : vector<16xf32>, vector<16xi32> -> vector<16xf32>
        %add3A_639 = arith.addf %scan3A_570, %gather3A_638 : vector<16xf32>
        %mul3A_640 = arith.constant 16 : i32
        %mul3A_641 = arith.muli %scan3A_567, %mul3A_640 : i32
        %get3A_642 = arith.constant 1 : i32
        %get3A_643 = arith.constant 15 : i32
        %get3A_644 = arith.index_cast %get3A_642 : i32 to index
        %get3A_645 = arith.index_cast %get3A_643 : i32 to index
        %get3A_646 = arith.index_cast %mul3A_641 : i32 to index
        %get3A_647 = tpu.vector_load %arg4[%get3A_644, %get3A_645, %get3A_646] {strides = array<i32>} : memref<4x16x1024xf32, #tpu.memory_space<vmem>>, vector<16xf32>,
        %broadcast_in_dim3A_648 = arith.constant true
        %broadcast_in_dim3A_649 = vector.broadcast %broadcast_in_dim3A_648 : i1 to vector<16xi1>
        %masked_cumsum3A_650 = tpu.scan <sum>, %get3A_647 masked %broadcast_in_dim3A_649 : vector<16xf32>, vector<16xi1> -> vector<16xf32>
        %sub3A_651 = arith.subf %masked_cumsum3A_650, %get3A_647 : vector<16xf32>
        %add3A_652 = arith.addf %sub3A_651, %scan3A_571 : vector<16xf32>
        %mul3A_653 = arith.constant 16 : i32
        %mul3A_654 = arith.muli %scan3A_567, %mul3A_653 : i32
        %swap3A_655 = arith.constant 1 : i32
        %swap3A_656 = arith.constant 15 : i32
        %swap3A_657 = arith.index_cast %swap3A_655 : i32 to index
        %swap3A_658 = arith.index_cast %swap3A_656 : i32 to index
        %swap3A_659 = arith.index_cast %mul3A_654 : i32 to index
        %swap3A_660 = tpu.vector_load %arg4[%swap3A_657, %swap3A_658, %swap3A_659] {strides = array<i32>} : memref<4x16x1024xf32, #tpu.memory_space<vmem>>, vector<16xf32>,
        tpu.vector_store %arg4[%swap3A_657, %swap3A_658, %swap3A_659], %add3A_652 {strides = array<i32>} : memref<4x16x1024xf32, #tpu.memory_space<vmem>>, vector<16xf32>,
        %gather3A_661 = vector.shape_cast %broadcast_in_dim3A_263 : vector<16x1xi32> to vector<16xi32>
        %gather3A_662 = tpu.dynamic_gather %masked_cumsum3A_650[%gather3A_661] in [0] : vector<16xf32>, vector<16xi32> -> vector<16xf32>
        %add3A_663 = arith.addf %scan3A_571, %gather3A_662 : vector<16xf32>
        scf.yield %add3A_591, %add3A_615, %add3A_639, %add3A_663 : vector<16xf32>, vector<16xf32>, vector<16xf32>, vector<16xf32>
      }
      %scan3A_319 = arith.constant 64 : i32
      %mul3A_320 = arith.constant 16 : i32
      %mul3A_321 = arith.muli %add3A_242, %mul3A_320 : i32
      %add3A_322 = arith.addi %mul3A_2, %mul3A_321 : i32
      %dma_start3A_323 = arith.constant 1 : i32
      %dma_start3A_324 = arith.constant 1 : i32
      %dma_start3A_325 = arith.constant 0 : i32
      %dma_start3A_326 = arith.constant 0 : i32
      %dma_start3A_327 = tpu.memref_slice %arg4[%dma_start3A_323, %dma_start3A_325, %dma_start3A_326] : memref<4x16x1024xf32, #tpu.memory_space<vmem>> -> memref<1x16x1024xf32, #tpu.memory_space<vmem>>
      %dma_start3A_328 = tpu.memref_squeeze %dma_start3A_327 : memref<1x16x1024xf32, #tpu.memory_space<vmem>> -> memref<16x1024xf32, #tpu.memory_space<vmem>>
      %dma_start3A_329 = arith.constant 0 : i32
      %dma_start3A_330 = tpu.memref_slice %arg3[%add3A_322, %dma_start3A_329] : memref<16384x1024xf32, #tpu.memory_space<hbm>> -> memref<16x1024xf32, #tpu.memory_space<hbm>>
      %dma_start3A_331 = tpu.memref_slice %arg6[%dma_start3A_324] : memref<4x!tpu.dma_semaphore, #tpu.memory_space<semaphore_mem>> -> memref<1x!tpu.dma_semaphore, #tpu.memory_space<semaphore_mem>>
      %dma_start3A_332 = tpu.memref_squeeze %dma_start3A_331 : memref<1x!tpu.dma_semaphore, #tpu.memory_space<semaphore_mem>> -> memref<!tpu.dma_semaphore, #tpu.memory_space<semaphore_mem>>
      %dma_start3A_333 = arith.constant 0 : i32
      %dma_start3A_334 = tpu.memref_slice %arg3[%add3A_322, %dma_start3A_333] : memref<16384x1024xf32, #tpu.memory_space<hbm>> -> memref<16x1024xf32, #tpu.memory_space<hbm>>
      %dma_start3A_335 = arith.constant 0 : i32
      %dma_start3A_336 = arith.constant 0 : i32
      %dma_start3A_337 = tpu.memref_slice %arg4[%dma_start3A_323, %dma_start3A_335, %dma_start3A_336] : memref<4x16x1024xf32, #tpu.memory_space<vmem>> -> memref<1x16x1024xf32, #tpu.memory_space<vmem>>
      %dma_start3A_338 = tpu.memref_squeeze %dma_start3A_337 : memref<1x16x1024xf32, #tpu.memory_space<vmem>> -> memref<16x1024xf32, #tpu.memory_space<vmem>>
      tpu.enqueue_dma source(%dma_start3A_338 : memref<16x1024xf32, #tpu.memory_space<vmem>>) target(%dma_start3A_334 : memref<16x1024xf32, #tpu.memory_space<hbm>>) target_semaphore(%dma_start3A_332 : memref<!tpu.dma_semaphore, #tpu.memory_space<semaphore_mem>>)
      %add3A_339 = arith.constant 4 : i32
      %add3A_340 = arith.addi %add3A_242, %add3A_339 : i32
      %sub3A_341 = arith.constant 1 : i32
      %sub3A_342 = arith.subi %add3A_340, %sub3A_341 : i32
      %lt3A_343 = arith.constant 32 : i32
      %lt3A_344 = arith.cmpi slt, %sub3A_342, %lt3A_343 : i32
      %convert_element_type3A_345 = arith.extui %lt3A_344 : i1 to i32
      %cond3A_346 = arith.constant 0 : i32
      %cond3A_347 = arith.cmpi ne, %convert_element_type3A_345, %cond3A_346 : i32
      scf.if %cond3A_347 {
        %ge3A = arith.constant 1 : i32
        %ge3A_567 = arith.cmpi sge, %add3A_242, %ge3A : i32
        %convert_element_type3A_568 = arith.extui %ge3A_567 : i1 to i32
        %cond3A_569 = arith.constant 0 : i32
        %cond3A_570 = arith.cmpi ne, %convert_element_type3A_568, %cond3A_569 : i32
        scf.if %cond3A_570 {
          %sub3A_594 = arith.constant 1 : i32
          %sub3A_595 = arith.subi %add3A_242, %sub3A_594 : i32
          %mul3A_596 = arith.constant 16 : i32
          %mul3A_597 = arith.muli %sub3A_595, %mul3A_596 : i32
          %add3A_598 = arith.addi %mul3A_2, %mul3A_597 : i32
          %dma_wait3A_599 = arith.constant 0 : i32
          %dma_wait3A_600 = arith.constant 0 : i32
          %dma_wait3A_601 = arith.constant 0 : i32
          %dma_wait3A_602 = arith.constant 0 : i32
          %dma_wait3A_603 = tpu.memref_slice %arg4[%dma_wait3A_599, %dma_wait3A_601, %dma_wait3A_602] : memref<4x16x1024xf32, #tpu.memory_space<vmem>> -> memref<1x16x1024xf32, #tpu.memory_space<vmem>>
          %dma_wait3A_604 = tpu.memref_squeeze %dma_wait3A_603 : memref<1x16x1024xf32, #tpu.memory_space<vmem>> -> memref<16x1024xf32, #tpu.memory_space<vmem>>
          %dma_wait3A_605 = arith.constant 0 : i32
          %dma_wait3A_606 = tpu.memref_slice %arg3[%add3A_598, %dma_wait3A_605] : memref<16384x1024xf32, #tpu.memory_space<hbm>> -> memref<16x1024xf32, #tpu.memory_space<hbm>>
          %dma_wait3A_607 = tpu.memref_slice %arg6[%dma_wait3A_600] : memref<4x!tpu.dma_semaphore, #tpu.memory_space<semaphore_mem>> -> memref<1x!tpu.dma_semaphore, #tpu.memory_space<semaphore_mem>>
          %dma_wait3A_608 = tpu.memref_squeeze %dma_wait3A_607 : memref<1x!tpu.dma_semaphore, #tpu.memory_space<semaphore_mem>> -> memref<!tpu.dma_semaphore, #tpu.memory_space<semaphore_mem>>
          %dma_wait3A_609 = arith.constant 0 : i32
          %dma_wait3A_610 = tpu.memref_slice %arg3[%add3A_598, %dma_wait3A_609] : memref<16384x1024xf32, #tpu.memory_space<hbm>> -> memref<16x1024xf32, #tpu.memory_space<hbm>>
          %dma_wait3A_611 = arith.constant 0 : i32
          %dma_wait3A_612 = arith.constant 0 : i32
          %dma_wait3A_613 = tpu.memref_slice %arg4[%dma_wait3A_599, %dma_wait3A_611, %dma_wait3A_612] : memref<4x16x1024xf32, #tpu.memory_space<vmem>> -> memref<1x16x1024xf32, #tpu.memory_space<vmem>>
          %dma_wait3A_614 = tpu.memref_squeeze %dma_wait3A_613 : memref<1x16x1024xf32, #tpu.memory_space<vmem>> -> memref<16x1024xf32, #tpu.memory_space<vmem>>
          tpu.wait_dma2 semaphore(%dma_wait3A_608 : memref<!tpu.dma_semaphore, #tpu.memory_space<semaphore_mem>>) src(%dma_wait3A_614 : memref<16x1024xf32, #tpu.memory_space<vmem>>) dst(%dma_wait3A_610 : memref<16x1024xf32, #tpu.memory_space<hbm>>)
        } else {
        }
        %add3A_571 = arith.constant 4 : i32
        %add3A_572 = arith.addi %add3A_242, %add3A_571 : i32
        %sub3A_573 = arith.constant 1 : i32
        %sub3A_574 = arith.subi %add3A_572, %sub3A_573 : i32
        %mul3A_575 = arith.constant 16 : i32
        %mul3A_576 = arith.muli %sub3A_574, %mul3A_575 : i32
        %add3A_577 = arith.addi %mul3A_2, %mul3A_576 : i32
        %dma_start3A_578 = arith.constant 0 : i32
        %dma_start3A_579 = arith.constant 0 : i32
        %dma_start3A_580 = arith.constant 0 : i32
        %dma_start3A_581 = arith.constant 0 : i32
        %dma_start3A_582 = tpu.memref_slice %arg4[%dma_start3A_578, %dma_start3A_580, %dma_start3A_581] : memref<4x16x1024xf32, #tpu.memory_space<vmem>> -> memref<1x16x1024xf32, #tpu.memory_space<vmem>>
        %dma_start3A_583 = tpu.memref_squeeze %dma_start3A_582 : memref<1x16x1024xf32, #tpu.memory_space<vmem>> -> memref<16x1024xf32, #tpu.memory_space<vmem>>
        %dma_start3A_584 = arith.constant 0 : i32
        %dma_start3A_585 = tpu.memref_slice %arg2[%add3A_577, %dma_start3A_584] : memref<16384x1024xf32, #tpu.memory_space<hbm>> -> memref<16x1024xf32, #tpu.memory_space<hbm>>
        %dma_start3A_586 = tpu.memref_slice %arg5[%dma_start3A_579] : memref<4x!tpu.dma_semaphore, #tpu.memory_space<semaphore_mem>> -> memref<1x!tpu.dma_semaphore, #tpu.memory_space<semaphore_mem>>
        %dma_start3A_587 = tpu.memref_squeeze %dma_start3A_586 : memref<1x!tpu.dma_semaphore, #tpu.memory_space<semaphore_mem>> -> memref<!tpu.dma_semaphore, #tpu.memory_space<semaphore_mem>>
        %dma_start3A_588 = arith.constant 0 : i32
        %dma_start3A_589 = arith.constant 0 : i32
        %dma_start3A_590 = tpu.memref_slice %arg4[%dma_start3A_578, %dma_start3A_588, %dma_start3A_589] : memref<4x16x1024xf32, #tpu.memory_space<vmem>> -> memref<1x16x1024xf32, #tpu.memory_space<vmem>>
        %dma_start3A_591 = tpu.memref_squeeze %dma_start3A_590 : memref<1x16x1024xf32, #tpu.memory_space<vmem>> -> memref<16x1024xf32, #tpu.memory_space<vmem>>
        %dma_start3A_592 = arith.constant 0 : i32
        %dma_start3A_593 = tpu.memref_slice %arg2[%add3A_577, %dma_start3A_592] : memref<16384x1024xf32, #tpu.memory_space<hbm>> -> memref<16x1024xf32, #tpu.memory_space<hbm>>
        tpu.enqueue_dma source(%dma_start3A_593 : memref<16x1024xf32, #tpu.memory_space<hbm>>) target(%dma_start3A_591 : memref<16x1024xf32, #tpu.memory_space<vmem>>) target_semaphore(%dma_start3A_587 : memref<!tpu.dma_semaphore, #tpu.memory_space<semaphore_mem>>)
      } else {
      }
      %mul3A_348 = arith.constant 4 : i32
      %mul3A_349 = arith.muli %scan3A_133, %mul3A_348 : i32
      %add3A_350 = arith.constant 2 : i32
      %add3A_351 = arith.addi %mul3A_349, %add3A_350 : i32
      %mul3A_352 = arith.constant 16 : i32
      %mul3A_353 = arith.muli %add3A_351, %mul3A_352 : i32
      %add3A_354 = arith.addi %mul3A_2, %mul3A_353 : i32
      %dma_wait3A_355 = arith.constant 2 : i32
      %dma_wait3A_356 = arith.constant 2 : i32
      %dma_wait3A_357 = arith.constant 0 : i32
      %dma_wait3A_358 = arith.constant 0 : i32
      %dma_wait3A_359 = tpu.memref_slice %arg4[%dma_wait3A_355, %dma_wait3A_357, %dma_wait3A_358] : memref<4x16x1024xf32, #tpu.memory_space<vmem>> -> memref<1x16x1024xf32, #tpu.memory_space<vmem>>
      %dma_wait3A_360 = tpu.memref_squeeze %dma_wait3A_359 : memref<1x16x1024xf32, #tpu.memory_space<vmem>> -> memref<16x1024xf32, #tpu.memory_space<vmem>>
      %dma_wait3A_361 = arith.constant 0 : i32
      %dma_wait3A_362 = tpu.memref_slice %arg2[%add3A_354, %dma_wait3A_361] : memref<16384x1024xf32, #tpu.memory_space<hbm>> -> memref<16x1024xf32, #tpu.memory_space<hbm>>
      %dma_wait3A_363 = tpu.memref_slice %arg5[%dma_wait3A_356] : memref<4x!tpu.dma_semaphore, #tpu.memory_space<semaphore_mem>> -> memref<1x!tpu.dma_semaphore, #tpu.memory_space<semaphore_mem>>
      %dma_wait3A_364 = tpu.memref_squeeze %dma_wait3A_363 : memref<1x!tpu.dma_semaphore, #tpu.memory_space<semaphore_mem>> -> memref<!tpu.dma_semaphore, #tpu.memory_space<semaphore_mem>>
      %dma_wait3A_365 = arith.constant 0 : i32
      %dma_wait3A_366 = arith.constant 0 : i32
      %dma_wait3A_367 = tpu.memref_slice %arg4[%dma_wait3A_355, %dma_wait3A_365, %dma_wait3A_366] : memref<4x16x1024xf32, #tpu.memory_space<vmem>> -> memref<1x16x1024xf32, #tpu.memory_space<vmem>>
      %dma_wait3A_368 = tpu.memref_squeeze %dma_wait3A_367 : memref<1x16x1024xf32, #tpu.memory_space<vmem>> -> memref<16x1024xf32, #tpu.memory_space<vmem>>
      %dma_wait3A_369 = arith.constant 0 : i32
      %dma_wait3A_370 = tpu.memref_slice %arg2[%add3A_354, %dma_wait3A_369] : memref<16384x1024xf32, #tpu.memory_space<hbm>> -> memref<16x1024xf32, #tpu.memory_space<hbm>>
      tpu.wait_dma2 semaphore(%dma_wait3A_364 : memref<!tpu.dma_semaphore, #tpu.memory_space<semaphore_mem>>) src(%dma_wait3A_370 : memref<16x1024xf32, #tpu.memory_space<hbm>>) dst(%dma_wait3A_368 : memref<16x1024xf32, #tpu.memory_space<vmem>>)
      %broadcast_in_dim3A_371 = arith.constant 15 : i32
      %broadcast_in_dim3A_372 = vector.broadcast %broadcast_in_dim3A_371 : i32 to vector<16x1xi32>
      %broadcast_in_dim3A_373 = arith.constant 0.000000e+00 : f32
      %broadcast_in_dim3A_374 = vector.broadcast %broadcast_in_dim3A_373 : f32 to vector<16xf32>
      %broadcast_in_dim3A_375 = arith.constant 0.000000e+00 : f32
      %broadcast_in_dim3A_376 = vector.broadcast %broadcast_in_dim3A_375 : f32 to vector<16xf32>
      %broadcast_in_dim3A_377 = arith.constant 0.000000e+00 : f32
      %broadcast_in_dim3A_378 = vector.broadcast %broadcast_in_dim3A_377 : f32 to vector<16xf32>
      %broadcast_in_dim3A_379 = arith.constant 0.000000e+00 : f32
      %broadcast_in_dim3A_380 = vector.broadcast %broadcast_in_dim3A_379 : f32 to vector<16xf32>
      %scan3A_381 = arith.constant 0 : i32
      %scan3A_382 = arith.constant 64 : i32
      %scan3A_383 = arith.addi %scan3A_381, %scan3A_382 : i32
      %scan3A_384 = arith.constant 1 : i32
      %scan3A_385:4 = scf.for %scan3A_567 = %scan3A_381 to %scan3A_383 step %scan3A_384 iter_args(%scan3A_568 = %broadcast_in_dim3A_374, %scan3A_569 = %broadcast_in_dim3A_376, %scan3A_570 = %broadcast_in_dim3A_378, %scan3A_571 = %broadcast_in_dim3A_380) -> (vector<16xf32>, vector<16xf32>, vector<16xf32>, vector<16xf32>)  : i32 {
        %mul3A_572 = arith.constant 16 : i32
        %mul3A_573 = arith.muli %scan3A_567, %mul3A_572 : i32
        %get3A = arith.constant 2 : i32
        %get3A_574 = arith.constant 0 : i32
        %get3A_575 = arith.index_cast %get3A : i32 to index
        %get3A_576 = arith.index_cast %get3A_574 : i32 to index
        %get3A_577 = arith.index_cast %mul3A_573 : i32 to index
        %get3A_578 = tpu.vector_load %arg4[%get3A_575, %get3A_576, %get3A_577] {strides = array<i32>} : memref<4x16x1024xf32, #tpu.memory_space<vmem>>, vector<16xf32>,
        %broadcast_in_dim3A_579 = arith.constant true
        %broadcast_in_dim3A_580 = vector.broadcast %broadcast_in_dim3A_579 : i1 to vector<16xi1>
        %masked_cumsum3A = tpu.scan <sum>, %get3A_578 masked %broadcast_in_dim3A_580 : vector<16xf32>, vector<16xi1> -> vector<16xf32>
        %sub3A_581 = arith.subf %masked_cumsum3A, %get3A_578 : vector<16xf32>
        %add3A_582 = arith.addf %sub3A_581, %scan3A_568 : vector<16xf32>
        %mul3A_583 = arith.constant 16 : i32
        %mul3A_584 = arith.muli %scan3A_567, %mul3A_583 : i32
        %swap3A = arith.constant 2 : i32
        %swap3A_585 = arith.constant 0 : i32
        %swap3A_586 = arith.index_cast %swap3A : i32 to index
        %swap3A_587 = arith.index_cast %swap3A_585 : i32 to index
        %swap3A_588 = arith.index_cast %mul3A_584 : i32 to index
        %swap3A_589 = tpu.vector_load %arg4[%swap3A_586, %swap3A_587, %swap3A_588] {strides = array<i32>} : memref<4x16x1024xf32, #tpu.memory_space<vmem>>, vector<16xf32>,
        tpu.vector_store %arg4[%swap3A_586, %swap3A_587, %swap3A_588], %add3A_582 {strides = array<i32>} : memref<4x16x1024xf32, #tpu.memory_space<vmem>>, vector<16xf32>,
        %gather3A = vector.shape_cast %broadcast_in_dim3A_372 : vector<16x1xi32> to vector<16xi32>
        %gather3A_590 = tpu.dynamic_gather %masked_cumsum3A[%gather3A] in [0] : vector<16xf32>, vector<16xi32> -> vector<16xf32>
        %add3A_591 = arith.addf %scan3A_568, %gather3A_590 : vector<16xf32>
        %mul3A_592 = arith.constant 16 : i32
        %mul3A_593 = arith.muli %scan3A_567, %mul3A_592 : i32
        %get3A_594 = arith.constant 2 : i32
        %get3A_595 = arith.constant 1 : i32
        %get3A_596 = arith.index_cast %get3A_594 : i32 to index
        %get3A_597 = arith.index_cast %get3A_595 : i32 to index
        %get3A_598 = arith.index_cast %mul3A_593 : i32 to index
        %get3A_599 = tpu.vector_load %arg4[%get3A_596, %get3A_597, %get3A_598] {strides = array<i32>} : memref<4x16x1024xf32, #tpu.memory_space<vmem>>, vector<16xf32>,
        %broadcast_in_dim3A_600 = arith.constant true
        %broadcast_in_dim3A_601 = vector.broadcast %broadcast_in_dim3A_600 : i1 to vector<16xi1>
        %masked_cumsum3A_602 = tpu.scan <sum>, %get3A_599 masked %broadcast_in_dim3A_601 : vector<16xf32>, vector<16xi1> -> vector<16xf32>
        %sub3A_603 = arith.subf %masked_cumsum3A_602, %get3A_599 : vector<16xf32>
        %add3A_604 = arith.addf %sub3A_603, %scan3A_569 : vector<16xf32>
        %mul3A_605 = arith.constant 16 : i32
        %mul3A_606 = arith.muli %scan3A_567, %mul3A_605 : i32
        %swap3A_607 = arith.constant 2 : i32
        %swap3A_608 = arith.constant 1 : i32
        %swap3A_609 = arith.index_cast %swap3A_607 : i32 to index
        %swap3A_610 = arith.index_cast %swap3A_608 : i32 to index
        %swap3A_611 = arith.index_cast %mul3A_606 : i32 to index
        %swap3A_612 = tpu.vector_load %arg4[%swap3A_609, %swap3A_610, %swap3A_611] {strides = array<i32>} : memref<4x16x1024xf32, #tpu.memory_space<vmem>>, vector<16xf32>,
        tpu.vector_store %arg4[%swap3A_609, %swap3A_610, %swap3A_611], %add3A_604 {strides = array<i32>} : memref<4x16x1024xf32, #tpu.memory_space<vmem>>, vector<16xf32>,
        %gather3A_613 = vector.shape_cast %broadcast_in_dim3A_372 : vector<16x1xi32> to vector<16xi32>
        %gather3A_614 = tpu.dynamic_gather %masked_cumsum3A_602[%gather3A_613] in [0] : vector<16xf32>, vector<16xi32> -> vector<16xf32>
        %add3A_615 = arith.addf %scan3A_569, %gather3A_614 : vector<16xf32>
        %mul3A_616 = arith.constant 16 : i32
        %mul3A_617 = arith.muli %scan3A_567, %mul3A_616 : i32
        %get3A_618 = arith.constant 2 : i32
        %get3A_619 = arith.constant 2 : i32
        %get3A_620 = arith.index_cast %get3A_618 : i32 to index
        %get3A_621 = arith.index_cast %get3A_619 : i32 to index
        %get3A_622 = arith.index_cast %mul3A_617 : i32 to index
        %get3A_623 = tpu.vector_load %arg4[%get3A_620, %get3A_621, %get3A_622] {strides = array<i32>} : memref<4x16x1024xf32, #tpu.memory_space<vmem>>, vector<16xf32>,
        %broadcast_in_dim3A_624 = arith.constant true
        %broadcast_in_dim3A_625 = vector.broadcast %broadcast_in_dim3A_624 : i1 to vector<16xi1>
        %masked_cumsum3A_626 = tpu.scan <sum>, %get3A_623 masked %broadcast_in_dim3A_625 : vector<16xf32>, vector<16xi1> -> vector<16xf32>
        %sub3A_627 = arith.subf %masked_cumsum3A_626, %get3A_623 : vector<16xf32>
        %add3A_628 = arith.addf %sub3A_627, %scan3A_570 : vector<16xf32>
        %mul3A_629 = arith.constant 16 : i32
        %mul3A_630 = arith.muli %scan3A_567, %mul3A_629 : i32
        %swap3A_631 = arith.constant 2 : i32
        %swap3A_632 = arith.constant 2 : i32
        %swap3A_633 = arith.index_cast %swap3A_631 : i32 to index
        %swap3A_634 = arith.index_cast %swap3A_632 : i32 to index
        %swap3A_635 = arith.index_cast %mul3A_630 : i32 to index
        %swap3A_636 = tpu.vector_load %arg4[%swap3A_633, %swap3A_634, %swap3A_635] {strides = array<i32>} : memref<4x16x1024xf32, #tpu.memory_space<vmem>>, vector<16xf32>,
        tpu.vector_store %arg4[%swap3A_633, %swap3A_634, %swap3A_635], %add3A_628 {strides = array<i32>} : memref<4x16x1024xf32, #tpu.memory_space<vmem>>, vector<16xf32>,
        %gather3A_637 = vector.shape_cast %broadcast_in_dim3A_372 : vector<16x1xi32> to vector<16xi32>
        %gather3A_638 = tpu.dynamic_gather %masked_cumsum3A_626[%gather3A_637] in [0] : vector<16xf32>, vector<16xi32> -> vector<16xf32>
        %add3A_639 = arith.addf %scan3A_570, %gather3A_638 : vector<16xf32>
        %mul3A_640 = arith.constant 16 : i32
        %mul3A_641 = arith.muli %scan3A_567, %mul3A_640 : i32
        %get3A_642 = arith.constant 2 : i32
        %get3A_643 = arith.constant 3 : i32
        %get3A_644 = arith.index_cast %get3A_642 : i32 to index
        %get3A_645 = arith.index_cast %get3A_643 : i32 to index
        %get3A_646 = arith.index_cast %mul3A_641 : i32 to index
        %get3A_647 = tpu.vector_load %arg4[%get3A_644, %get3A_645, %get3A_646] {strides = array<i32>} : memref<4x16x1024xf32, #tpu.memory_space<vmem>>, vector<16xf32>,
        %broadcast_in_dim3A_648 = arith.constant true
        %broadcast_in_dim3A_649 = vector.broadcast %broadcast_in_dim3A_648 : i1 to vector<16xi1>
        %masked_cumsum3A_650 = tpu.scan <sum>, %get3A_647 masked %broadcast_in_dim3A_649 : vector<16xf32>, vector<16xi1> -> vector<16xf32>
        %sub3A_651 = arith.subf %masked_cumsum3A_650, %get3A_647 : vector<16xf32>
        %add3A_652 = arith.addf %sub3A_651, %scan3A_571 : vector<16xf32>
        %mul3A_653 = arith.constant 16 : i32
        %mul3A_654 = arith.muli %scan3A_567, %mul3A_653 : i32
        %swap3A_655 = arith.constant 2 : i32
        %swap3A_656 = arith.constant 3 : i32
        %swap3A_657 = arith.index_cast %swap3A_655 : i32 to index
        %swap3A_658 = arith.index_cast %swap3A_656 : i32 to index
        %swap3A_659 = arith.index_cast %mul3A_654 : i32 to index
        %swap3A_660 = tpu.vector_load %arg4[%swap3A_657, %swap3A_658, %swap3A_659] {strides = array<i32>} : memref<4x16x1024xf32, #tpu.memory_space<vmem>>, vector<16xf32>,
        tpu.vector_store %arg4[%swap3A_657, %swap3A_658, %swap3A_659], %add3A_652 {strides = array<i32>} : memref<4x16x1024xf32, #tpu.memory_space<vmem>>, vector<16xf32>,
        %gather3A_661 = vector.shape_cast %broadcast_in_dim3A_372 : vector<16x1xi32> to vector<16xi32>
        %gather3A_662 = tpu.dynamic_gather %masked_cumsum3A_650[%gather3A_661] in [0] : vector<16xf32>, vector<16xi32> -> vector<16xf32>
        %add3A_663 = arith.addf %scan3A_571, %gather3A_662 : vector<16xf32>
        scf.yield %add3A_591, %add3A_615, %add3A_639, %add3A_663 : vector<16xf32>, vector<16xf32>, vector<16xf32>, vector<16xf32>
      }
      %scan3A_386 = arith.constant 64 : i32
      %broadcast_in_dim3A_387 = arith.constant 0.000000e+00 : f32
      %broadcast_in_dim3A_388 = vector.broadcast %broadcast_in_dim3A_387 : f32 to vector<16xf32>
      %broadcast_in_dim3A_389 = arith.constant 0.000000e+00 : f32
      %broadcast_in_dim3A_390 = vector.broadcast %broadcast_in_dim3A_389 : f32 to vector<16xf32>
      %broadcast_in_dim3A_391 = arith.constant 0.000000e+00 : f32
      %broadcast_in_dim3A_392 = vector.broadcast %broadcast_in_dim3A_391 : f32 to vector<16xf32>
      %broadcast_in_dim3A_393 = arith.constant 0.000000e+00 : f32
      %broadcast_in_dim3A_394 = vector.broadcast %broadcast_in_dim3A_393 : f32 to vector<16xf32>
      %scan3A_395 = arith.constant 0 : i32
      %scan3A_396 = arith.constant 64 : i32
      %scan3A_397 = arith.addi %scan3A_395, %scan3A_396 : i32
      %scan3A_398 = arith.constant 1 : i32
      %scan3A_399:4 = scf.for %scan3A_567 = %scan3A_395 to %scan3A_397 step %scan3A_398 iter_args(%scan3A_568 = %broadcast_in_dim3A_388, %scan3A_569 = %broadcast_in_dim3A_390, %scan3A_570 = %broadcast_in_dim3A_392, %scan3A_571 = %broadcast_in_dim3A_394) -> (vector<16xf32>, vector<16xf32>, vector<16xf32>, vector<16xf32>)  : i32 {
        %mul3A_572 = arith.constant 16 : i32
        %mul3A_573 = arith.muli %scan3A_567, %mul3A_572 : i32
        %get3A = arith.constant 2 : i32
        %get3A_574 = arith.constant 4 : i32
        %get3A_575 = arith.index_cast %get3A : i32 to index
        %get3A_576 = arith.index_cast %get3A_574 : i32 to index
        %get3A_577 = arith.index_cast %mul3A_573 : i32 to index
        %get3A_578 = tpu.vector_load %arg4[%get3A_575, %get3A_576, %get3A_577] {strides = array<i32>} : memref<4x16x1024xf32, #tpu.memory_space<vmem>>, vector<16xf32>,
        %broadcast_in_dim3A_579 = arith.constant true
        %broadcast_in_dim3A_580 = vector.broadcast %broadcast_in_dim3A_579 : i1 to vector<16xi1>
        %masked_cumsum3A = tpu.scan <sum>, %get3A_578 masked %broadcast_in_dim3A_580 : vector<16xf32>, vector<16xi1> -> vector<16xf32>
        %sub3A_581 = arith.subf %masked_cumsum3A, %get3A_578 : vector<16xf32>
        %add3A_582 = arith.addf %sub3A_581, %scan3A_568 : vector<16xf32>
        %mul3A_583 = arith.constant 16 : i32
        %mul3A_584 = arith.muli %scan3A_567, %mul3A_583 : i32
        %swap3A = arith.constant 2 : i32
        %swap3A_585 = arith.constant 4 : i32
        %swap3A_586 = arith.index_cast %swap3A : i32 to index
        %swap3A_587 = arith.index_cast %swap3A_585 : i32 to index
        %swap3A_588 = arith.index_cast %mul3A_584 : i32 to index
        %swap3A_589 = tpu.vector_load %arg4[%swap3A_586, %swap3A_587, %swap3A_588] {strides = array<i32>} : memref<4x16x1024xf32, #tpu.memory_space<vmem>>, vector<16xf32>,
        tpu.vector_store %arg4[%swap3A_586, %swap3A_587, %swap3A_588], %add3A_582 {strides = array<i32>} : memref<4x16x1024xf32, #tpu.memory_space<vmem>>, vector<16xf32>,
        %gather3A = vector.shape_cast %broadcast_in_dim3A_372 : vector<16x1xi32> to vector<16xi32>
        %gather3A_590 = tpu.dynamic_gather %masked_cumsum3A[%gather3A] in [0] : vector<16xf32>, vector<16xi32> -> vector<16xf32>
        %add3A_591 = arith.addf %scan3A_568, %gather3A_590 : vector<16xf32>
        %mul3A_592 = arith.constant 16 : i32
        %mul3A_593 = arith.muli %scan3A_567, %mul3A_592 : i32
        %get3A_594 = arith.constant 2 : i32
        %get3A_595 = arith.constant 5 : i32
        %get3A_596 = arith.index_cast %get3A_594 : i32 to index
        %get3A_597 = arith.index_cast %get3A_595 : i32 to index
        %get3A_598 = arith.index_cast %mul3A_593 : i32 to index
        %get3A_599 = tpu.vector_load %arg4[%get3A_596, %get3A_597, %get3A_598] {strides = array<i32>} : memref<4x16x1024xf32, #tpu.memory_space<vmem>>, vector<16xf32>,
        %broadcast_in_dim3A_600 = arith.constant true
        %broadcast_in_dim3A_601 = vector.broadcast %broadcast_in_dim3A_600 : i1 to vector<16xi1>
        %masked_cumsum3A_602 = tpu.scan <sum>, %get3A_599 masked %broadcast_in_dim3A_601 : vector<16xf32>, vector<16xi1> -> vector<16xf32>
        %sub3A_603 = arith.subf %masked_cumsum3A_602, %get3A_599 : vector<16xf32>
        %add3A_604 = arith.addf %sub3A_603, %scan3A_569 : vector<16xf32>
        %mul3A_605 = arith.constant 16 : i32
        %mul3A_606 = arith.muli %scan3A_567, %mul3A_605 : i32
        %swap3A_607 = arith.constant 2 : i32
        %swap3A_608 = arith.constant 5 : i32
        %swap3A_609 = arith.index_cast %swap3A_607 : i32 to index
        %swap3A_610 = arith.index_cast %swap3A_608 : i32 to index
        %swap3A_611 = arith.index_cast %mul3A_606 : i32 to index
        %swap3A_612 = tpu.vector_load %arg4[%swap3A_609, %swap3A_610, %swap3A_611] {strides = array<i32>} : memref<4x16x1024xf32, #tpu.memory_space<vmem>>, vector<16xf32>,
        tpu.vector_store %arg4[%swap3A_609, %swap3A_610, %swap3A_611], %add3A_604 {strides = array<i32>} : memref<4x16x1024xf32, #tpu.memory_space<vmem>>, vector<16xf32>,
        %gather3A_613 = vector.shape_cast %broadcast_in_dim3A_372 : vector<16x1xi32> to vector<16xi32>
        %gather3A_614 = tpu.dynamic_gather %masked_cumsum3A_602[%gather3A_613] in [0] : vector<16xf32>, vector<16xi32> -> vector<16xf32>
        %add3A_615 = arith.addf %scan3A_569, %gather3A_614 : vector<16xf32>
        %mul3A_616 = arith.constant 16 : i32
        %mul3A_617 = arith.muli %scan3A_567, %mul3A_616 : i32
        %get3A_618 = arith.constant 2 : i32
        %get3A_619 = arith.constant 6 : i32
        %get3A_620 = arith.index_cast %get3A_618 : i32 to index
        %get3A_621 = arith.index_cast %get3A_619 : i32 to index
        %get3A_622 = arith.index_cast %mul3A_617 : i32 to index
        %get3A_623 = tpu.vector_load %arg4[%get3A_620, %get3A_621, %get3A_622] {strides = array<i32>} : memref<4x16x1024xf32, #tpu.memory_space<vmem>>, vector<16xf32>,
        %broadcast_in_dim3A_624 = arith.constant true
        %broadcast_in_dim3A_625 = vector.broadcast %broadcast_in_dim3A_624 : i1 to vector<16xi1>
        %masked_cumsum3A_626 = tpu.scan <sum>, %get3A_623 masked %broadcast_in_dim3A_625 : vector<16xf32>, vector<16xi1> -> vector<16xf32>
        %sub3A_627 = arith.subf %masked_cumsum3A_626, %get3A_623 : vector<16xf32>
        %add3A_628 = arith.addf %sub3A_627, %scan3A_570 : vector<16xf32>
        %mul3A_629 = arith.constant 16 : i32
        %mul3A_630 = arith.muli %scan3A_567, %mul3A_629 : i32
        %swap3A_631 = arith.constant 2 : i32
        %swap3A_632 = arith.constant 6 : i32
        %swap3A_633 = arith.index_cast %swap3A_631 : i32 to index
        %swap3A_634 = arith.index_cast %swap3A_632 : i32 to index
        %swap3A_635 = arith.index_cast %mul3A_630 : i32 to index
        %swap3A_636 = tpu.vector_load %arg4[%swap3A_633, %swap3A_634, %swap3A_635] {strides = array<i32>} : memref<4x16x1024xf32, #tpu.memory_space<vmem>>, vector<16xf32>,
        tpu.vector_store %arg4[%swap3A_633, %swap3A_634, %swap3A_635], %add3A_628 {strides = array<i32>} : memref<4x16x1024xf32, #tpu.memory_space<vmem>>, vector<16xf32>,
        %gather3A_637 = vector.shape_cast %broadcast_in_dim3A_372 : vector<16x1xi32> to vector<16xi32>
        %gather3A_638 = tpu.dynamic_gather %masked_cumsum3A_626[%gather3A_637] in [0] : vector<16xf32>, vector<16xi32> -> vector<16xf32>
        %add3A_639 = arith.addf %scan3A_570, %gather3A_638 : vector<16xf32>
        %mul3A_640 = arith.constant 16 : i32
        %mul3A_641 = arith.muli %scan3A_567, %mul3A_640 : i32
        %get3A_642 = arith.constant 2 : i32
        %get3A_643 = arith.constant 7 : i32
        %get3A_644 = arith.index_cast %get3A_642 : i32 to index
        %get3A_645 = arith.index_cast %get3A_643 : i32 to index
        %get3A_646 = arith.index_cast %mul3A_641 : i32 to index
        %get3A_647 = tpu.vector_load %arg4[%get3A_644, %get3A_645, %get3A_646] {strides = array<i32>} : memref<4x16x1024xf32, #tpu.memory_space<vmem>>, vector<16xf32>,
        %broadcast_in_dim3A_648 = arith.constant true
        %broadcast_in_dim3A_649 = vector.broadcast %broadcast_in_dim3A_648 : i1 to vector<16xi1>
        %masked_cumsum3A_650 = tpu.scan <sum>, %get3A_647 masked %broadcast_in_dim3A_649 : vector<16xf32>, vector<16xi1> -> vector<16xf32>
        %sub3A_651 = arith.subf %masked_cumsum3A_650, %get3A_647 : vector<16xf32>
        %add3A_652 = arith.addf %sub3A_651, %scan3A_571 : vector<16xf32>
        %mul3A_653 = arith.constant 16 : i32
        %mul3A_654 = arith.muli %scan3A_567, %mul3A_653 : i32
        %swap3A_655 = arith.constant 2 : i32
        %swap3A_656 = arith.constant 7 : i32
        %swap3A_657 = arith.index_cast %swap3A_655 : i32 to index
        %swap3A_658 = arith.index_cast %swap3A_656 : i32 to index
        %swap3A_659 = arith.index_cast %mul3A_654 : i32 to index
        %swap3A_660 = tpu.vector_load %arg4[%swap3A_657, %swap3A_658, %swap3A_659] {strides = array<i32>} : memref<4x16x1024xf32, #tpu.memory_space<vmem>>, vector<16xf32>,
        tpu.vector_store %arg4[%swap3A_657, %swap3A_658, %swap3A_659], %add3A_652 {strides = array<i32>} : memref<4x16x1024xf32, #tpu.memory_space<vmem>>, vector<16xf32>,
        %gather3A_661 = vector.shape_cast %broadcast_in_dim3A_372 : vector<16x1xi32> to vector<16xi32>
        %gather3A_662 = tpu.dynamic_gather %masked_cumsum3A_650[%gather3A_661] in [0] : vector<16xf32>, vector<16xi32> -> vector<16xf32>
        %add3A_663 = arith.addf %scan3A_571, %gather3A_662 : vector<16xf32>
        scf.yield %add3A_591, %add3A_615, %add3A_639, %add3A_663 : vector<16xf32>, vector<16xf32>, vector<16xf32>, vector<16xf32>
      }
      %scan3A_400 = arith.constant 64 : i32
      %broadcast_in_dim3A_401 = arith.constant 0.000000e+00 : f32
      %broadcast_in_dim3A_402 = vector.broadcast %broadcast_in_dim3A_401 : f32 to vector<16xf32>
      %broadcast_in_dim3A_403 = arith.constant 0.000000e+00 : f32
      %broadcast_in_dim3A_404 = vector.broadcast %broadcast_in_dim3A_403 : f32 to vector<16xf32>
      %broadcast_in_dim3A_405 = arith.constant 0.000000e+00 : f32
      %broadcast_in_dim3A_406 = vector.broadcast %broadcast_in_dim3A_405 : f32 to vector<16xf32>
      %broadcast_in_dim3A_407 = arith.constant 0.000000e+00 : f32
      %broadcast_in_dim3A_408 = vector.broadcast %broadcast_in_dim3A_407 : f32 to vector<16xf32>
      %scan3A_409 = arith.constant 0 : i32
      %scan3A_410 = arith.constant 64 : i32
      %scan3A_411 = arith.addi %scan3A_409, %scan3A_410 : i32
      %scan3A_412 = arith.constant 1 : i32
      %scan3A_413:4 = scf.for %scan3A_567 = %scan3A_409 to %scan3A_411 step %scan3A_412 iter_args(%scan3A_568 = %broadcast_in_dim3A_402, %scan3A_569 = %broadcast_in_dim3A_404, %scan3A_570 = %broadcast_in_dim3A_406, %scan3A_571 = %broadcast_in_dim3A_408) -> (vector<16xf32>, vector<16xf32>, vector<16xf32>, vector<16xf32>)  : i32 {
        %mul3A_572 = arith.constant 16 : i32
        %mul3A_573 = arith.muli %scan3A_567, %mul3A_572 : i32
        %get3A = arith.constant 2 : i32
        %get3A_574 = arith.constant 8 : i32
        %get3A_575 = arith.index_cast %get3A : i32 to index
        %get3A_576 = arith.index_cast %get3A_574 : i32 to index
        %get3A_577 = arith.index_cast %mul3A_573 : i32 to index
        %get3A_578 = tpu.vector_load %arg4[%get3A_575, %get3A_576, %get3A_577] {strides = array<i32>} : memref<4x16x1024xf32, #tpu.memory_space<vmem>>, vector<16xf32>,
        %broadcast_in_dim3A_579 = arith.constant true
        %broadcast_in_dim3A_580 = vector.broadcast %broadcast_in_dim3A_579 : i1 to vector<16xi1>
        %masked_cumsum3A = tpu.scan <sum>, %get3A_578 masked %broadcast_in_dim3A_580 : vector<16xf32>, vector<16xi1> -> vector<16xf32>
        %sub3A_581 = arith.subf %masked_cumsum3A, %get3A_578 : vector<16xf32>
        %add3A_582 = arith.addf %sub3A_581, %scan3A_568 : vector<16xf32>
        %mul3A_583 = arith.constant 16 : i32
        %mul3A_584 = arith.muli %scan3A_567, %mul3A_583 : i32
        %swap3A = arith.constant 2 : i32
        %swap3A_585 = arith.constant 8 : i32
        %swap3A_586 = arith.index_cast %swap3A : i32 to index
        %swap3A_587 = arith.index_cast %swap3A_585 : i32 to index
        %swap3A_588 = arith.index_cast %mul3A_584 : i32 to index
        %swap3A_589 = tpu.vector_load %arg4[%swap3A_586, %swap3A_587, %swap3A_588] {strides = array<i32>} : memref<4x16x1024xf32, #tpu.memory_space<vmem>>, vector<16xf32>,
        tpu.vector_store %arg4[%swap3A_586, %swap3A_587, %swap3A_588], %add3A_582 {strides = array<i32>} : memref<4x16x1024xf32, #tpu.memory_space<vmem>>, vector<16xf32>,
        %gather3A = vector.shape_cast %broadcast_in_dim3A_372 : vector<16x1xi32> to vector<16xi32>
        %gather3A_590 = tpu.dynamic_gather %masked_cumsum3A[%gather3A] in [0] : vector<16xf32>, vector<16xi32> -> vector<16xf32>
        %add3A_591 = arith.addf %scan3A_568, %gather3A_590 : vector<16xf32>
        %mul3A_592 = arith.constant 16 : i32
        %mul3A_593 = arith.muli %scan3A_567, %mul3A_592 : i32
        %get3A_594 = arith.constant 2 : i32
        %get3A_595 = arith.constant 9 : i32
        %get3A_596 = arith.index_cast %get3A_594 : i32 to index
        %get3A_597 = arith.index_cast %get3A_595 : i32 to index
        %get3A_598 = arith.index_cast %mul3A_593 : i32 to index
        %get3A_599 = tpu.vector_load %arg4[%get3A_596, %get3A_597, %get3A_598] {strides = array<i32>} : memref<4x16x1024xf32, #tpu.memory_space<vmem>>, vector<16xf32>,
        %broadcast_in_dim3A_600 = arith.constant true
        %broadcast_in_dim3A_601 = vector.broadcast %broadcast_in_dim3A_600 : i1 to vector<16xi1>
        %masked_cumsum3A_602 = tpu.scan <sum>, %get3A_599 masked %broadcast_in_dim3A_601 : vector<16xf32>, vector<16xi1> -> vector<16xf32>
        %sub3A_603 = arith.subf %masked_cumsum3A_602, %get3A_599 : vector<16xf32>
        %add3A_604 = arith.addf %sub3A_603, %scan3A_569 : vector<16xf32>
        %mul3A_605 = arith.constant 16 : i32
        %mul3A_606 = arith.muli %scan3A_567, %mul3A_605 : i32
        %swap3A_607 = arith.constant 2 : i32
        %swap3A_608 = arith.constant 9 : i32
        %swap3A_609 = arith.index_cast %swap3A_607 : i32 to index
        %swap3A_610 = arith.index_cast %swap3A_608 : i32 to index
        %swap3A_611 = arith.index_cast %mul3A_606 : i32 to index
        %swap3A_612 = tpu.vector_load %arg4[%swap3A_609, %swap3A_610, %swap3A_611] {strides = array<i32>} : memref<4x16x1024xf32, #tpu.memory_space<vmem>>, vector<16xf32>,
        tpu.vector_store %arg4[%swap3A_609, %swap3A_610, %swap3A_611], %add3A_604 {strides = array<i32>} : memref<4x16x1024xf32, #tpu.memory_space<vmem>>, vector<16xf32>,
        %gather3A_613 = vector.shape_cast %broadcast_in_dim3A_372 : vector<16x1xi32> to vector<16xi32>
        %gather3A_614 = tpu.dynamic_gather %masked_cumsum3A_602[%gather3A_613] in [0] : vector<16xf32>, vector<16xi32> -> vector<16xf32>
        %add3A_615 = arith.addf %scan3A_569, %gather3A_614 : vector<16xf32>
        %mul3A_616 = arith.constant 16 : i32
        %mul3A_617 = arith.muli %scan3A_567, %mul3A_616 : i32
        %get3A_618 = arith.constant 2 : i32
        %get3A_619 = arith.constant 10 : i32
        %get3A_620 = arith.index_cast %get3A_618 : i32 to index
        %get3A_621 = arith.index_cast %get3A_619 : i32 to index
        %get3A_622 = arith.index_cast %mul3A_617 : i32 to index
        %get3A_623 = tpu.vector_load %arg4[%get3A_620, %get3A_621, %get3A_622] {strides = array<i32>} : memref<4x16x1024xf32, #tpu.memory_space<vmem>>, vector<16xf32>,
        %broadcast_in_dim3A_624 = arith.constant true
        %broadcast_in_dim3A_625 = vector.broadcast %broadcast_in_dim3A_624 : i1 to vector<16xi1>
        %masked_cumsum3A_626 = tpu.scan <sum>, %get3A_623 masked %broadcast_in_dim3A_625 : vector<16xf32>, vector<16xi1> -> vector<16xf32>
        %sub3A_627 = arith.subf %masked_cumsum3A_626, %get3A_623 : vector<16xf32>
        %add3A_628 = arith.addf %sub3A_627, %scan3A_570 : vector<16xf32>
        %mul3A_629 = arith.constant 16 : i32
        %mul3A_630 = arith.muli %scan3A_567, %mul3A_629 : i32
        %swap3A_631 = arith.constant 2 : i32
        %swap3A_632 = arith.constant 10 : i32
        %swap3A_633 = arith.index_cast %swap3A_631 : i32 to index
        %swap3A_634 = arith.index_cast %swap3A_632 : i32 to index
        %swap3A_635 = arith.index_cast %mul3A_630 : i32 to index
        %swap3A_636 = tpu.vector_load %arg4[%swap3A_633, %swap3A_634, %swap3A_635] {strides = array<i32>} : memref<4x16x1024xf32, #tpu.memory_space<vmem>>, vector<16xf32>,
        tpu.vector_store %arg4[%swap3A_633, %swap3A_634, %swap3A_635], %add3A_628 {strides = array<i32>} : memref<4x16x1024xf32, #tpu.memory_space<vmem>>, vector<16xf32>,
        %gather3A_637 = vector.shape_cast %broadcast_in_dim3A_372 : vector<16x1xi32> to vector<16xi32>
        %gather3A_638 = tpu.dynamic_gather %masked_cumsum3A_626[%gather3A_637] in [0] : vector<16xf32>, vector<16xi32> -> vector<16xf32>
        %add3A_639 = arith.addf %scan3A_570, %gather3A_638 : vector<16xf32>
        %mul3A_640 = arith.constant 16 : i32
        %mul3A_641 = arith.muli %scan3A_567, %mul3A_640 : i32
        %get3A_642 = arith.constant 2 : i32
        %get3A_643 = arith.constant 11 : i32
        %get3A_644 = arith.index_cast %get3A_642 : i32 to index
        %get3A_645 = arith.index_cast %get3A_643 : i32 to index
        %get3A_646 = arith.index_cast %mul3A_641 : i32 to index
        %get3A_647 = tpu.vector_load %arg4[%get3A_644, %get3A_645, %get3A_646] {strides = array<i32>} : memref<4x16x1024xf32, #tpu.memory_space<vmem>>, vector<16xf32>,
        %broadcast_in_dim3A_648 = arith.constant true
        %broadcast_in_dim3A_649 = vector.broadcast %broadcast_in_dim3A_648 : i1 to vector<16xi1>
        %masked_cumsum3A_650 = tpu.scan <sum>, %get3A_647 masked %broadcast_in_dim3A_649 : vector<16xf32>, vector<16xi1> -> vector<16xf32>
        %sub3A_651 = arith.subf %masked_cumsum3A_650, %get3A_647 : vector<16xf32>
        %add3A_652 = arith.addf %sub3A_651, %scan3A_571 : vector<16xf32>
        %mul3A_653 = arith.constant 16 : i32
        %mul3A_654 = arith.muli %scan3A_567, %mul3A_653 : i32
        %swap3A_655 = arith.constant 2 : i32
        %swap3A_656 = arith.constant 11 : i32
        %swap3A_657 = arith.index_cast %swap3A_655 : i32 to index
        %swap3A_658 = arith.index_cast %swap3A_656 : i32 to index
        %swap3A_659 = arith.index_cast %mul3A_654 : i32 to index
        %swap3A_660 = tpu.vector_load %arg4[%swap3A_657, %swap3A_658, %swap3A_659] {strides = array<i32>} : memref<4x16x1024xf32, #tpu.memory_space<vmem>>, vector<16xf32>,
        tpu.vector_store %arg4[%swap3A_657, %swap3A_658, %swap3A_659], %add3A_652 {strides = array<i32>} : memref<4x16x1024xf32, #tpu.memory_space<vmem>>, vector<16xf32>,
        %gather3A_661 = vector.shape_cast %broadcast_in_dim3A_372 : vector<16x1xi32> to vector<16xi32>
        %gather3A_662 = tpu.dynamic_gather %masked_cumsum3A_650[%gather3A_661] in [0] : vector<16xf32>, vector<16xi32> -> vector<16xf32>
        %add3A_663 = arith.addf %scan3A_571, %gather3A_662 : vector<16xf32>
        scf.yield %add3A_591, %add3A_615, %add3A_639, %add3A_663 : vector<16xf32>, vector<16xf32>, vector<16xf32>, vector<16xf32>
      }
      %scan3A_414 = arith.constant 64 : i32
      %broadcast_in_dim3A_415 = arith.constant 0.000000e+00 : f32
      %broadcast_in_dim3A_416 = vector.broadcast %broadcast_in_dim3A_415 : f32 to vector<16xf32>
      %broadcast_in_dim3A_417 = arith.constant 0.000000e+00 : f32
      %broadcast_in_dim3A_418 = vector.broadcast %broadcast_in_dim3A_417 : f32 to vector<16xf32>
      %broadcast_in_dim3A_419 = arith.constant 0.000000e+00 : f32
      %broadcast_in_dim3A_420 = vector.broadcast %broadcast_in_dim3A_419 : f32 to vector<16xf32>
      %broadcast_in_dim3A_421 = arith.constant 0.000000e+00 : f32
      %broadcast_in_dim3A_422 = vector.broadcast %broadcast_in_dim3A_421 : f32 to vector<16xf32>
      %scan3A_423 = arith.constant 0 : i32
      %scan3A_424 = arith.constant 64 : i32
      %scan3A_425 = arith.addi %scan3A_423, %scan3A_424 : i32
      %scan3A_426 = arith.constant 1 : i32
      %scan3A_427:4 = scf.for %scan3A_567 = %scan3A_423 to %scan3A_425 step %scan3A_426 iter_args(%scan3A_568 = %broadcast_in_dim3A_416, %scan3A_569 = %broadcast_in_dim3A_418, %scan3A_570 = %broadcast_in_dim3A_420, %scan3A_571 = %broadcast_in_dim3A_422) -> (vector<16xf32>, vector<16xf32>, vector<16xf32>, vector<16xf32>)  : i32 {
        %mul3A_572 = arith.constant 16 : i32
        %mul3A_573 = arith.muli %scan3A_567, %mul3A_572 : i32
        %get3A = arith.constant 2 : i32
        %get3A_574 = arith.constant 12 : i32
        %get3A_575 = arith.index_cast %get3A : i32 to index
        %get3A_576 = arith.index_cast %get3A_574 : i32 to index
        %get3A_577 = arith.index_cast %mul3A_573 : i32 to index
        %get3A_578 = tpu.vector_load %arg4[%get3A_575, %get3A_576, %get3A_577] {strides = array<i32>} : memref<4x16x1024xf32, #tpu.memory_space<vmem>>, vector<16xf32>,
        %broadcast_in_dim3A_579 = arith.constant true
        %broadcast_in_dim3A_580 = vector.broadcast %broadcast_in_dim3A_579 : i1 to vector<16xi1>
        %masked_cumsum3A = tpu.scan <sum>, %get3A_578 masked %broadcast_in_dim3A_580 : vector<16xf32>, vector<16xi1> -> vector<16xf32>
        %sub3A_581 = arith.subf %masked_cumsum3A, %get3A_578 : vector<16xf32>
        %add3A_582 = arith.addf %sub3A_581, %scan3A_568 : vector<16xf32>
        %mul3A_583 = arith.constant 16 : i32
        %mul3A_584 = arith.muli %scan3A_567, %mul3A_583 : i32
        %swap3A = arith.constant 2 : i32
        %swap3A_585 = arith.constant 12 : i32
        %swap3A_586 = arith.index_cast %swap3A : i32 to index
        %swap3A_587 = arith.index_cast %swap3A_585 : i32 to index
        %swap3A_588 = arith.index_cast %mul3A_584 : i32 to index
        %swap3A_589 = tpu.vector_load %arg4[%swap3A_586, %swap3A_587, %swap3A_588] {strides = array<i32>} : memref<4x16x1024xf32, #tpu.memory_space<vmem>>, vector<16xf32>,
        tpu.vector_store %arg4[%swap3A_586, %swap3A_587, %swap3A_588], %add3A_582 {strides = array<i32>} : memref<4x16x1024xf32, #tpu.memory_space<vmem>>, vector<16xf32>,
        %gather3A = vector.shape_cast %broadcast_in_dim3A_372 : vector<16x1xi32> to vector<16xi32>
        %gather3A_590 = tpu.dynamic_gather %masked_cumsum3A[%gather3A] in [0] : vector<16xf32>, vector<16xi32> -> vector<16xf32>
        %add3A_591 = arith.addf %scan3A_568, %gather3A_590 : vector<16xf32>
        %mul3A_592 = arith.constant 16 : i32
        %mul3A_593 = arith.muli %scan3A_567, %mul3A_592 : i32
        %get3A_594 = arith.constant 2 : i32
        %get3A_595 = arith.constant 13 : i32
        %get3A_596 = arith.index_cast %get3A_594 : i32 to index
        %get3A_597 = arith.index_cast %get3A_595 : i32 to index
        %get3A_598 = arith.index_cast %mul3A_593 : i32 to index
        %get3A_599 = tpu.vector_load %arg4[%get3A_596, %get3A_597, %get3A_598] {strides = array<i32>} : memref<4x16x1024xf32, #tpu.memory_space<vmem>>, vector<16xf32>,
        %broadcast_in_dim3A_600 = arith.constant true
        %broadcast_in_dim3A_601 = vector.broadcast %broadcast_in_dim3A_600 : i1 to vector<16xi1>
        %masked_cumsum3A_602 = tpu.scan <sum>, %get3A_599 masked %broadcast_in_dim3A_601 : vector<16xf32>, vector<16xi1> -> vector<16xf32>
        %sub3A_603 = arith.subf %masked_cumsum3A_602, %get3A_599 : vector<16xf32>
        %add3A_604 = arith.addf %sub3A_603, %scan3A_569 : vector<16xf32>
        %mul3A_605 = arith.constant 16 : i32
        %mul3A_606 = arith.muli %scan3A_567, %mul3A_605 : i32
        %swap3A_607 = arith.constant 2 : i32
        %swap3A_608 = arith.constant 13 : i32
        %swap3A_609 = arith.index_cast %swap3A_607 : i32 to index
        %swap3A_610 = arith.index_cast %swap3A_608 : i32 to index
        %swap3A_611 = arith.index_cast %mul3A_606 : i32 to index
        %swap3A_612 = tpu.vector_load %arg4[%swap3A_609, %swap3A_610, %swap3A_611] {strides = array<i32>} : memref<4x16x1024xf32, #tpu.memory_space<vmem>>, vector<16xf32>,
        tpu.vector_store %arg4[%swap3A_609, %swap3A_610, %swap3A_611], %add3A_604 {strides = array<i32>} : memref<4x16x1024xf32, #tpu.memory_space<vmem>>, vector<16xf32>,
        %gather3A_613 = vector.shape_cast %broadcast_in_dim3A_372 : vector<16x1xi32> to vector<16xi32>
        %gather3A_614 = tpu.dynamic_gather %masked_cumsum3A_602[%gather3A_613] in [0] : vector<16xf32>, vector<16xi32> -> vector<16xf32>
        %add3A_615 = arith.addf %scan3A_569, %gather3A_614 : vector<16xf32>
        %mul3A_616 = arith.constant 16 : i32
        %mul3A_617 = arith.muli %scan3A_567, %mul3A_616 : i32
        %get3A_618 = arith.constant 2 : i32
        %get3A_619 = arith.constant 14 : i32
        %get3A_620 = arith.index_cast %get3A_618 : i32 to index
        %get3A_621 = arith.index_cast %get3A_619 : i32 to index
        %get3A_622 = arith.index_cast %mul3A_617 : i32 to index
        %get3A_623 = tpu.vector_load %arg4[%get3A_620, %get3A_621, %get3A_622] {strides = array<i32>} : memref<4x16x1024xf32, #tpu.memory_space<vmem>>, vector<16xf32>,
        %broadcast_in_dim3A_624 = arith.constant true
        %broadcast_in_dim3A_625 = vector.broadcast %broadcast_in_dim3A_624 : i1 to vector<16xi1>
        %masked_cumsum3A_626 = tpu.scan <sum>, %get3A_623 masked %broadcast_in_dim3A_625 : vector<16xf32>, vector<16xi1> -> vector<16xf32>
        %sub3A_627 = arith.subf %masked_cumsum3A_626, %get3A_623 : vector<16xf32>
        %add3A_628 = arith.addf %sub3A_627, %scan3A_570 : vector<16xf32>
        %mul3A_629 = arith.constant 16 : i32
        %mul3A_630 = arith.muli %scan3A_567, %mul3A_629 : i32
        %swap3A_631 = arith.constant 2 : i32
        %swap3A_632 = arith.constant 14 : i32
        %swap3A_633 = arith.index_cast %swap3A_631 : i32 to index
        %swap3A_634 = arith.index_cast %swap3A_632 : i32 to index
        %swap3A_635 = arith.index_cast %mul3A_630 : i32 to index
        %swap3A_636 = tpu.vector_load %arg4[%swap3A_633, %swap3A_634, %swap3A_635] {strides = array<i32>} : memref<4x16x1024xf32, #tpu.memory_space<vmem>>, vector<16xf32>,
        tpu.vector_store %arg4[%swap3A_633, %swap3A_634, %swap3A_635], %add3A_628 {strides = array<i32>} : memref<4x16x1024xf32, #tpu.memory_space<vmem>>, vector<16xf32>,
        %gather3A_637 = vector.shape_cast %broadcast_in_dim3A_372 : vector<16x1xi32> to vector<16xi32>
        %gather3A_638 = tpu.dynamic_gather %masked_cumsum3A_626[%gather3A_637] in [0] : vector<16xf32>, vector<16xi32> -> vector<16xf32>
        %add3A_639 = arith.addf %scan3A_570, %gather3A_638 : vector<16xf32>
        %mul3A_640 = arith.constant 16 : i32
        %mul3A_641 = arith.muli %scan3A_567, %mul3A_640 : i32
        %get3A_642 = arith.constant 2 : i32
        %get3A_643 = arith.constant 15 : i32
        %get3A_644 = arith.index_cast %get3A_642 : i32 to index
        %get3A_645 = arith.index_cast %get3A_643 : i32 to index
        %get3A_646 = arith.index_cast %mul3A_641 : i32 to index
        %get3A_647 = tpu.vector_load %arg4[%get3A_644, %get3A_645, %get3A_646] {strides = array<i32>} : memref<4x16x1024xf32, #tpu.memory_space<vmem>>, vector<16xf32>,
        %broadcast_in_dim3A_648 = arith.constant true
        %broadcast_in_dim3A_649 = vector.broadcast %broadcast_in_dim3A_648 : i1 to vector<16xi1>
        %masked_cumsum3A_650 = tpu.scan <sum>, %get3A_647 masked %broadcast_in_dim3A_649 : vector<16xf32>, vector<16xi1> -> vector<16xf32>
        %sub3A_651 = arith.subf %masked_cumsum3A_650, %get3A_647 : vector<16xf32>
        %add3A_652 = arith.addf %sub3A_651, %scan3A_571 : vector<16xf32>
        %mul3A_653 = arith.constant 16 : i32
        %mul3A_654 = arith.muli %scan3A_567, %mul3A_653 : i32
        %swap3A_655 = arith.constant 2 : i32
        %swap3A_656 = arith.constant 15 : i32
        %swap3A_657 = arith.index_cast %swap3A_655 : i32 to index
        %swap3A_658 = arith.index_cast %swap3A_656 : i32 to index
        %swap3A_659 = arith.index_cast %mul3A_654 : i32 to index
        %swap3A_660 = tpu.vector_load %arg4[%swap3A_657, %swap3A_658, %swap3A_659] {strides = array<i32>} : memref<4x16x1024xf32, #tpu.memory_space<vmem>>, vector<16xf32>,
        tpu.vector_store %arg4[%swap3A_657, %swap3A_658, %swap3A_659], %add3A_652 {strides = array<i32>} : memref<4x16x1024xf32, #tpu.memory_space<vmem>>, vector<16xf32>,
        %gather3A_661 = vector.shape_cast %broadcast_in_dim3A_372 : vector<16x1xi32> to vector<16xi32>
        %gather3A_662 = tpu.dynamic_gather %masked_cumsum3A_650[%gather3A_661] in [0] : vector<16xf32>, vector<16xi32> -> vector<16xf32>
        %add3A_663 = arith.addf %scan3A_571, %gather3A_662 : vector<16xf32>
        scf.yield %add3A_591, %add3A_615, %add3A_639, %add3A_663 : vector<16xf32>, vector<16xf32>, vector<16xf32>, vector<16xf32>
      }
      %scan3A_428 = arith.constant 64 : i32
      %mul3A_429 = arith.constant 16 : i32
      %mul3A_430 = arith.muli %add3A_351, %mul3A_429 : i32
      %add3A_431 = arith.addi %mul3A_2, %mul3A_430 : i32
      %dma_start3A_432 = arith.constant 2 : i32
      %dma_start3A_433 = arith.constant 2 : i32
      %dma_start3A_434 = arith.constant 0 : i32
      %dma_start3A_435 = arith.constant 0 : i32
      %dma_start3A_436 = tpu.memref_slice %arg4[%dma_start3A_432, %dma_start3A_434, %dma_start3A_435] : memref<4x16x1024xf32, #tpu.memory_space<vmem>> -> memref<1x16x1024xf32, #tpu.memory_space<vmem>>
      %dma_start3A_437 = tpu.memref_squeeze %dma_start3A_436 : memref<1x16x1024xf32, #tpu.memory_space<vmem>> -> memref<16x1024xf32, #tpu.memory_space<vmem>>
      %dma_start3A_438 = arith.constant 0 : i32
      %dma_start3A_439 = tpu.memref_slice %arg3[%add3A_431, %dma_start3A_438] : memref<16384x1024xf32, #tpu.memory_space<hbm>> -> memref<16x1024xf32, #tpu.memory_space<hbm>>
      %dma_start3A_440 = tpu.memref_slice %arg6[%dma_start3A_433] : memref<4x!tpu.dma_semaphore, #tpu.memory_space<semaphore_mem>> -> memref<1x!tpu.dma_semaphore, #tpu.memory_space<semaphore_mem>>
      %dma_start3A_441 = tpu.memref_squeeze %dma_start3A_440 : memref<1x!tpu.dma_semaphore, #tpu.memory_space<semaphore_mem>> -> memref<!tpu.dma_semaphore, #tpu.memory_space<semaphore_mem>>
      %dma_start3A_442 = arith.constant 0 : i32
      %dma_start3A_443 = tpu.memref_slice %arg3[%add3A_431, %dma_start3A_442] : memref<16384x1024xf32, #tpu.memory_space<hbm>> -> memref<16x1024xf32, #tpu.memory_space<hbm>>
      %dma_start3A_444 = arith.constant 0 : i32
      %dma_start3A_445 = arith.constant 0 : i32
      %dma_start3A_446 = tpu.memref_slice %arg4[%dma_start3A_432, %dma_start3A_444, %dma_start3A_445] : memref<4x16x1024xf32, #tpu.memory_space<vmem>> -> memref<1x16x1024xf32, #tpu.memory_space<vmem>>
      %dma_start3A_447 = tpu.memref_squeeze %dma_start3A_446 : memref<1x16x1024xf32, #tpu.memory_space<vmem>> -> memref<16x1024xf32, #tpu.memory_space<vmem>>
      tpu.enqueue_dma source(%dma_start3A_447 : memref<16x1024xf32, #tpu.memory_space<vmem>>) target(%dma_start3A_443 : memref<16x1024xf32, #tpu.memory_space<hbm>>) target_semaphore(%dma_start3A_441 : memref<!tpu.dma_semaphore, #tpu.memory_space<semaphore_mem>>)
      %add3A_448 = arith.constant 4 : i32
      %add3A_449 = arith.addi %add3A_351, %add3A_448 : i32
      %sub3A_450 = arith.constant 1 : i32
      %sub3A_451 = arith.subi %add3A_449, %sub3A_450 : i32
      %lt3A_452 = arith.constant 32 : i32
      %lt3A_453 = arith.cmpi slt, %sub3A_451, %lt3A_452 : i32
      %convert_element_type3A_454 = arith.extui %lt3A_453 : i1 to i32
      %cond3A_455 = arith.constant 0 : i32
      %cond3A_456 = arith.cmpi ne, %convert_element_type3A_454, %cond3A_455 : i32
      scf.if %cond3A_456 {
        %ge3A = arith.constant 1 : i32
        %ge3A_567 = arith.cmpi sge, %add3A_351, %ge3A : i32
        %convert_element_type3A_568 = arith.extui %ge3A_567 : i1 to i32
        %cond3A_569 = arith.constant 0 : i32
        %cond3A_570 = arith.cmpi ne, %convert_element_type3A_568, %cond3A_569 : i32
        scf.if %cond3A_570 {
          %sub3A_594 = arith.constant 1 : i32
          %sub3A_595 = arith.subi %add3A_351, %sub3A_594 : i32
          %mul3A_596 = arith.constant 16 : i32
          %mul3A_597 = arith.muli %sub3A_595, %mul3A_596 : i32
          %add3A_598 = arith.addi %mul3A_2, %mul3A_597 : i32
          %dma_wait3A_599 = arith.constant 1 : i32
          %dma_wait3A_600 = arith.constant 1 : i32
          %dma_wait3A_601 = arith.constant 0 : i32
          %dma_wait3A_602 = arith.constant 0 : i32
          %dma_wait3A_603 = tpu.memref_slice %arg4[%dma_wait3A_599, %dma_wait3A_601, %dma_wait3A_602] : memref<4x16x1024xf32, #tpu.memory_space<vmem>> -> memref<1x16x1024xf32, #tpu.memory_space<vmem>>
          %dma_wait3A_604 = tpu.memref_squeeze %dma_wait3A_603 : memref<1x16x1024xf32, #tpu.memory_space<vmem>> -> memref<16x1024xf32, #tpu.memory_space<vmem>>
          %dma_wait3A_605 = arith.constant 0 : i32
          %dma_wait3A_606 = tpu.memref_slice %arg3[%add3A_598, %dma_wait3A_605] : memref<16384x1024xf32, #tpu.memory_space<hbm>> -> memref<16x1024xf32, #tpu.memory_space<hbm>>
          %dma_wait3A_607 = tpu.memref_slice %arg6[%dma_wait3A_600] : memref<4x!tpu.dma_semaphore, #tpu.memory_space<semaphore_mem>> -> memref<1x!tpu.dma_semaphore, #tpu.memory_space<semaphore_mem>>
          %dma_wait3A_608 = tpu.memref_squeeze %dma_wait3A_607 : memref<1x!tpu.dma_semaphore, #tpu.memory_space<semaphore_mem>> -> memref<!tpu.dma_semaphore, #tpu.memory_space<semaphore_mem>>
          %dma_wait3A_609 = arith.constant 0 : i32
          %dma_wait3A_610 = tpu.memref_slice %arg3[%add3A_598, %dma_wait3A_609] : memref<16384x1024xf32, #tpu.memory_space<hbm>> -> memref<16x1024xf32, #tpu.memory_space<hbm>>
          %dma_wait3A_611 = arith.constant 0 : i32
          %dma_wait3A_612 = arith.constant 0 : i32
          %dma_wait3A_613 = tpu.memref_slice %arg4[%dma_wait3A_599, %dma_wait3A_611, %dma_wait3A_612] : memref<4x16x1024xf32, #tpu.memory_space<vmem>> -> memref<1x16x1024xf32, #tpu.memory_space<vmem>>
          %dma_wait3A_614 = tpu.memref_squeeze %dma_wait3A_613 : memref<1x16x1024xf32, #tpu.memory_space<vmem>> -> memref<16x1024xf32, #tpu.memory_space<vmem>>
          tpu.wait_dma2 semaphore(%dma_wait3A_608 : memref<!tpu.dma_semaphore, #tpu.memory_space<semaphore_mem>>) src(%dma_wait3A_614 : memref<16x1024xf32, #tpu.memory_space<vmem>>) dst(%dma_wait3A_610 : memref<16x1024xf32, #tpu.memory_space<hbm>>)
        } else {
        }
        %add3A_571 = arith.constant 4 : i32
        %add3A_572 = arith.addi %add3A_351, %add3A_571 : i32
        %sub3A_573 = arith.constant 1 : i32
        %sub3A_574 = arith.subi %add3A_572, %sub3A_573 : i32
        %mul3A_575 = arith.constant 16 : i32
        %mul3A_576 = arith.muli %sub3A_574, %mul3A_575 : i32
        %add3A_577 = arith.addi %mul3A_2, %mul3A_576 : i32
        %dma_start3A_578 = arith.constant 1 : i32
        %dma_start3A_579 = arith.constant 1 : i32
        %dma_start3A_580 = arith.constant 0 : i32
        %dma_start3A_581 = arith.constant 0 : i32
        %dma_start3A_582 = tpu.memref_slice %arg4[%dma_start3A_578, %dma_start3A_580, %dma_start3A_581] : memref<4x16x1024xf32, #tpu.memory_space<vmem>> -> memref<1x16x1024xf32, #tpu.memory_space<vmem>>
        %dma_start3A_583 = tpu.memref_squeeze %dma_start3A_582 : memref<1x16x1024xf32, #tpu.memory_space<vmem>> -> memref<16x1024xf32, #tpu.memory_space<vmem>>
        %dma_start3A_584 = arith.constant 0 : i32
        %dma_start3A_585 = tpu.memref_slice %arg2[%add3A_577, %dma_start3A_584] : memref<16384x1024xf32, #tpu.memory_space<hbm>> -> memref<16x1024xf32, #tpu.memory_space<hbm>>
        %dma_start3A_586 = tpu.memref_slice %arg5[%dma_start3A_579] : memref<4x!tpu.dma_semaphore, #tpu.memory_space<semaphore_mem>> -> memref<1x!tpu.dma_semaphore, #tpu.memory_space<semaphore_mem>>
        %dma_start3A_587 = tpu.memref_squeeze %dma_start3A_586 : memref<1x!tpu.dma_semaphore, #tpu.memory_space<semaphore_mem>> -> memref<!tpu.dma_semaphore, #tpu.memory_space<semaphore_mem>>
        %dma_start3A_588 = arith.constant 0 : i32
        %dma_start3A_589 = arith.constant 0 : i32
        %dma_start3A_590 = tpu.memref_slice %arg4[%dma_start3A_578, %dma_start3A_588, %dma_start3A_589] : memref<4x16x1024xf32, #tpu.memory_space<vmem>> -> memref<1x16x1024xf32, #tpu.memory_space<vmem>>
        %dma_start3A_591 = tpu.memref_squeeze %dma_start3A_590 : memref<1x16x1024xf32, #tpu.memory_space<vmem>> -> memref<16x1024xf32, #tpu.memory_space<vmem>>
        %dma_start3A_592 = arith.constant 0 : i32
        %dma_start3A_593 = tpu.memref_slice %arg2[%add3A_577, %dma_start3A_592] : memref<16384x1024xf32, #tpu.memory_space<hbm>> -> memref<16x1024xf32, #tpu.memory_space<hbm>>
        tpu.enqueue_dma source(%dma_start3A_593 : memref<16x1024xf32, #tpu.memory_space<hbm>>) target(%dma_start3A_591 : memref<16x1024xf32, #tpu.memory_space<vmem>>) target_semaphore(%dma_start3A_587 : memref<!tpu.dma_semaphore, #tpu.memory_space<semaphore_mem>>)
      } else {
      }
      %mul3A_457 = arith.constant 4 : i32
      %mul3A_458 = arith.muli %scan3A_133, %mul3A_457 : i32
      %add3A_459 = arith.constant 3 : i32
      %add3A_460 = arith.addi %mul3A_458, %add3A_459 : i32
      %mul3A_461 = arith.constant 16 : i32
      %mul3A_462 = arith.muli %add3A_460, %mul3A_461 : i32
      %add3A_463 = arith.addi %mul3A_2, %mul3A_462 : i32
      %dma_wait3A_464 = arith.constant 3 : i32
      %dma_wait3A_465 = arith.constant 3 : i32
      %dma_wait3A_466 = arith.constant 0 : i32
      %dma_wait3A_467 = arith.constant 0 : i32
      %dma_wait3A_468 = tpu.memref_slice %arg4[%dma_wait3A_464, %dma_wait3A_466, %dma_wait3A_467] : memref<4x16x1024xf32, #tpu.memory_space<vmem>> -> memref<1x16x1024xf32, #tpu.memory_space<vmem>>
      %dma_wait3A_469 = tpu.memref_squeeze %dma_wait3A_468 : memref<1x16x1024xf32, #tpu.memory_space<vmem>> -> memref<16x1024xf32, #tpu.memory_space<vmem>>
      %dma_wait3A_470 = arith.constant 0 : i32
      %dma_wait3A_471 = tpu.memref_slice %arg2[%add3A_463, %dma_wait3A_470] : memref<16384x1024xf32, #tpu.memory_space<hbm>> -> memref<16x1024xf32, #tpu.memory_space<hbm>>
      %dma_wait3A_472 = tpu.memref_slice %arg5[%dma_wait3A_465] : memref<4x!tpu.dma_semaphore, #tpu.memory_space<semaphore_mem>> -> memref<1x!tpu.dma_semaphore, #tpu.memory_space<semaphore_mem>>
      %dma_wait3A_473 = tpu.memref_squeeze %dma_wait3A_472 : memref<1x!tpu.dma_semaphore, #tpu.memory_space<semaphore_mem>> -> memref<!tpu.dma_semaphore, #tpu.memory_space<semaphore_mem>>
      %dma_wait3A_474 = arith.constant 0 : i32
      %dma_wait3A_475 = arith.constant 0 : i32
      %dma_wait3A_476 = tpu.memref_slice %arg4[%dma_wait3A_464, %dma_wait3A_474, %dma_wait3A_475] : memref<4x16x1024xf32, #tpu.memory_space<vmem>> -> memref<1x16x1024xf32, #tpu.memory_space<vmem>>
      %dma_wait3A_477 = tpu.memref_squeeze %dma_wait3A_476 : memref<1x16x1024xf32, #tpu.memory_space<vmem>> -> memref<16x1024xf32, #tpu.memory_space<vmem>>
      %dma_wait3A_478 = arith.constant 0 : i32
      %dma_wait3A_479 = tpu.memref_slice %arg2[%add3A_463, %dma_wait3A_478] : memref<16384x1024xf32, #tpu.memory_space<hbm>> -> memref<16x1024xf32, #tpu.memory_space<hbm>>
      tpu.wait_dma2 semaphore(%dma_wait3A_473 : memref<!tpu.dma_semaphore, #tpu.memory_space<semaphore_mem>>) src(%dma_wait3A_479 : memref<16x1024xf32, #tpu.memory_space<hbm>>) dst(%dma_wait3A_477 : memref<16x1024xf32, #tpu.memory_space<vmem>>)
      %broadcast_in_dim3A_480 = arith.constant 15 : i32
      %broadcast_in_dim3A_481 = vector.broadcast %broadcast_in_dim3A_480 : i32 to vector<16x1xi32>
      %broadcast_in_dim3A_482 = arith.constant 0.000000e+00 : f32
      %broadcast_in_dim3A_483 = vector.broadcast %broadcast_in_dim3A_482 : f32 to vector<16xf32>
      %broadcast_in_dim3A_484 = arith.constant 0.000000e+00 : f32
      %broadcast_in_dim3A_485 = vector.broadcast %broadcast_in_dim3A_484 : f32 to vector<16xf32>
      %broadcast_in_dim3A_486 = arith.constant 0.000000e+00 : f32
      %broadcast_in_dim3A_487 = vector.broadcast %broadcast_in_dim3A_486 : f32 to vector<16xf32>
      %broadcast_in_dim3A_488 = arith.constant 0.000000e+00 : f32
      %broadcast_in_dim3A_489 = vector.broadcast %broadcast_in_dim3A_488 : f32 to vector<16xf32>
      %scan3A_490 = arith.constant 0 : i32
      %scan3A_491 = arith.constant 64 : i32
      %scan3A_492 = arith.addi %scan3A_490, %scan3A_491 : i32
      %scan3A_493 = arith.constant 1 : i32
      %scan3A_494:4 = scf.for %scan3A_567 = %scan3A_490 to %scan3A_492 step %scan3A_493 iter_args(%scan3A_568 = %broadcast_in_dim3A_483, %scan3A_569 = %broadcast_in_dim3A_485, %scan3A_570 = %broadcast_in_dim3A_487, %scan3A_571 = %broadcast_in_dim3A_489) -> (vector<16xf32>, vector<16xf32>, vector<16xf32>, vector<16xf32>)  : i32 {
        %mul3A_572 = arith.constant 16 : i32
        %mul3A_573 = arith.muli %scan3A_567, %mul3A_572 : i32
        %get3A = arith.constant 3 : i32
        %get3A_574 = arith.constant 0 : i32
        %get3A_575 = arith.index_cast %get3A : i32 to index
        %get3A_576 = arith.index_cast %get3A_574 : i32 to index
        %get3A_577 = arith.index_cast %mul3A_573 : i32 to index
        %get3A_578 = tpu.vector_load %arg4[%get3A_575, %get3A_576, %get3A_577] {strides = array<i32>} : memref<4x16x1024xf32, #tpu.memory_space<vmem>>, vector<16xf32>,
        %broadcast_in_dim3A_579 = arith.constant true
        %broadcast_in_dim3A_580 = vector.broadcast %broadcast_in_dim3A_579 : i1 to vector<16xi1>
        %masked_cumsum3A = tpu.scan <sum>, %get3A_578 masked %broadcast_in_dim3A_580 : vector<16xf32>, vector<16xi1> -> vector<16xf32>
        %sub3A_581 = arith.subf %masked_cumsum3A, %get3A_578 : vector<16xf32>
        %add3A_582 = arith.addf %sub3A_581, %scan3A_568 : vector<16xf32>
        %mul3A_583 = arith.constant 16 : i32
        %mul3A_584 = arith.muli %scan3A_567, %mul3A_583 : i32
        %swap3A = arith.constant 3 : i32
        %swap3A_585 = arith.constant 0 : i32
        %swap3A_586 = arith.index_cast %swap3A : i32 to index
        %swap3A_587 = arith.index_cast %swap3A_585 : i32 to index
        %swap3A_588 = arith.index_cast %mul3A_584 : i32 to index
        %swap3A_589 = tpu.vector_load %arg4[%swap3A_586, %swap3A_587, %swap3A_588] {strides = array<i32>} : memref<4x16x1024xf32, #tpu.memory_space<vmem>>, vector<16xf32>,
        tpu.vector_store %arg4[%swap3A_586, %swap3A_587, %swap3A_588], %add3A_582 {strides = array<i32>} : memref<4x16x1024xf32, #tpu.memory_space<vmem>>, vector<16xf32>,
        %gather3A = vector.shape_cast %broadcast_in_dim3A_481 : vector<16x1xi32> to vector<16xi32>
        %gather3A_590 = tpu.dynamic_gather %masked_cumsum3A[%gather3A] in [0] : vector<16xf32>, vector<16xi32> -> vector<16xf32>
        %add3A_591 = arith.addf %scan3A_568, %gather3A_590 : vector<16xf32>
        %mul3A_592 = arith.constant 16 : i32
        %mul3A_593 = arith.muli %scan3A_567, %mul3A_592 : i32
        %get3A_594 = arith.constant 3 : i32
        %get3A_595 = arith.constant 1 : i32
        %get3A_596 = arith.index_cast %get3A_594 : i32 to index
        %get3A_597 = arith.index_cast %get3A_595 : i32 to index
        %get3A_598 = arith.index_cast %mul3A_593 : i32 to index
        %get3A_599 = tpu.vector_load %arg4[%get3A_596, %get3A_597, %get3A_598] {strides = array<i32>} : memref<4x16x1024xf32, #tpu.memory_space<vmem>>, vector<16xf32>,
        %broadcast_in_dim3A_600 = arith.constant true
        %broadcast_in_dim3A_601 = vector.broadcast %broadcast_in_dim3A_600 : i1 to vector<16xi1>
        %masked_cumsum3A_602 = tpu.scan <sum>, %get3A_599 masked %broadcast_in_dim3A_601 : vector<16xf32>, vector<16xi1> -> vector<16xf32>
        %sub3A_603 = arith.subf %masked_cumsum3A_602, %get3A_599 : vector<16xf32>
        %add3A_604 = arith.addf %sub3A_603, %scan3A_569 : vector<16xf32>
        %mul3A_605 = arith.constant 16 : i32
        %mul3A_606 = arith.muli %scan3A_567, %mul3A_605 : i32
        %swap3A_607 = arith.constant 3 : i32
        %swap3A_608 = arith.constant 1 : i32
        %swap3A_609 = arith.index_cast %swap3A_607 : i32 to index
        %swap3A_610 = arith.index_cast %swap3A_608 : i32 to index
        %swap3A_611 = arith.index_cast %mul3A_606 : i32 to index
        %swap3A_612 = tpu.vector_load %arg4[%swap3A_609, %swap3A_610, %swap3A_611] {strides = array<i32>} : memref<4x16x1024xf32, #tpu.memory_space<vmem>>, vector<16xf32>,
        tpu.vector_store %arg4[%swap3A_609, %swap3A_610, %swap3A_611], %add3A_604 {strides = array<i32>} : memref<4x16x1024xf32, #tpu.memory_space<vmem>>, vector<16xf32>,
        %gather3A_613 = vector.shape_cast %broadcast_in_dim3A_481 : vector<16x1xi32> to vector<16xi32>
        %gather3A_614 = tpu.dynamic_gather %masked_cumsum3A_602[%gather3A_613] in [0] : vector<16xf32>, vector<16xi32> -> vector<16xf32>
        %add3A_615 = arith.addf %scan3A_569, %gather3A_614 : vector<16xf32>
        %mul3A_616 = arith.constant 16 : i32
        %mul3A_617 = arith.muli %scan3A_567, %mul3A_616 : i32
        %get3A_618 = arith.constant 3 : i32
        %get3A_619 = arith.constant 2 : i32
        %get3A_620 = arith.index_cast %get3A_618 : i32 to index
        %get3A_621 = arith.index_cast %get3A_619 : i32 to index
        %get3A_622 = arith.index_cast %mul3A_617 : i32 to index
        %get3A_623 = tpu.vector_load %arg4[%get3A_620, %get3A_621, %get3A_622] {strides = array<i32>} : memref<4x16x1024xf32, #tpu.memory_space<vmem>>, vector<16xf32>,
        %broadcast_in_dim3A_624 = arith.constant true
        %broadcast_in_dim3A_625 = vector.broadcast %broadcast_in_dim3A_624 : i1 to vector<16xi1>
        %masked_cumsum3A_626 = tpu.scan <sum>, %get3A_623 masked %broadcast_in_dim3A_625 : vector<16xf32>, vector<16xi1> -> vector<16xf32>
        %sub3A_627 = arith.subf %masked_cumsum3A_626, %get3A_623 : vector<16xf32>
        %add3A_628 = arith.addf %sub3A_627, %scan3A_570 : vector<16xf32>
        %mul3A_629 = arith.constant 16 : i32
        %mul3A_630 = arith.muli %scan3A_567, %mul3A_629 : i32
        %swap3A_631 = arith.constant 3 : i32
        %swap3A_632 = arith.constant 2 : i32
        %swap3A_633 = arith.index_cast %swap3A_631 : i32 to index
        %swap3A_634 = arith.index_cast %swap3A_632 : i32 to index
        %swap3A_635 = arith.index_cast %mul3A_630 : i32 to index
        %swap3A_636 = tpu.vector_load %arg4[%swap3A_633, %swap3A_634, %swap3A_635] {strides = array<i32>} : memref<4x16x1024xf32, #tpu.memory_space<vmem>>, vector<16xf32>,
        tpu.vector_store %arg4[%swap3A_633, %swap3A_634, %swap3A_635], %add3A_628 {strides = array<i32>} : memref<4x16x1024xf32, #tpu.memory_space<vmem>>, vector<16xf32>,
        %gather3A_637 = vector.shape_cast %broadcast_in_dim3A_481 : vector<16x1xi32> to vector<16xi32>
        %gather3A_638 = tpu.dynamic_gather %masked_cumsum3A_626[%gather3A_637] in [0] : vector<16xf32>, vector<16xi32> -> vector<16xf32>
        %add3A_639 = arith.addf %scan3A_570, %gather3A_638 : vector<16xf32>
        %mul3A_640 = arith.constant 16 : i32
        %mul3A_641 = arith.muli %scan3A_567, %mul3A_640 : i32
        %get3A_642 = arith.constant 3 : i32
        %get3A_643 = arith.constant 3 : i32
        %get3A_644 = arith.index_cast %get3A_642 : i32 to index
        %get3A_645 = arith.index_cast %get3A_643 : i32 to index
        %get3A_646 = arith.index_cast %mul3A_641 : i32 to index
        %get3A_647 = tpu.vector_load %arg4[%get3A_644, %get3A_645, %get3A_646] {strides = array<i32>} : memref<4x16x1024xf32, #tpu.memory_space<vmem>>, vector<16xf32>,
        %broadcast_in_dim3A_648 = arith.constant true
        %broadcast_in_dim3A_649 = vector.broadcast %broadcast_in_dim3A_648 : i1 to vector<16xi1>
        %masked_cumsum3A_650 = tpu.scan <sum>, %get3A_647 masked %broadcast_in_dim3A_649 : vector<16xf32>, vector<16xi1> -> vector<16xf32>
        %sub3A_651 = arith.subf %masked_cumsum3A_650, %get3A_647 : vector<16xf32>
        %add3A_652 = arith.addf %sub3A_651, %scan3A_571 : vector<16xf32>
        %mul3A_653 = arith.constant 16 : i32
        %mul3A_654 = arith.muli %scan3A_567, %mul3A_653 : i32
        %swap3A_655 = arith.constant 3 : i32
        %swap3A_656 = arith.constant 3 : i32
        %swap3A_657 = arith.index_cast %swap3A_655 : i32 to index
        %swap3A_658 = arith.index_cast %swap3A_656 : i32 to index
        %swap3A_659 = arith.index_cast %mul3A_654 : i32 to index
        %swap3A_660 = tpu.vector_load %arg4[%swap3A_657, %swap3A_658, %swap3A_659] {strides = array<i32>} : memref<4x16x1024xf32, #tpu.memory_space<vmem>>, vector<16xf32>,
        tpu.vector_store %arg4[%swap3A_657, %swap3A_658, %swap3A_659], %add3A_652 {strides = array<i32>} : memref<4x16x1024xf32, #tpu.memory_space<vmem>>, vector<16xf32>,
        %gather3A_661 = vector.shape_cast %broadcast_in_dim3A_481 : vector<16x1xi32> to vector<16xi32>
        %gather3A_662 = tpu.dynamic_gather %masked_cumsum3A_650[%gather3A_661] in [0] : vector<16xf32>, vector<16xi32> -> vector<16xf32>
        %add3A_663 = arith.addf %scan3A_571, %gather3A_662 : vector<16xf32>
        scf.yield %add3A_591, %add3A_615, %add3A_639, %add3A_663 : vector<16xf32>, vector<16xf32>, vector<16xf32>, vector<16xf32>
      }
      %scan3A_495 = arith.constant 64 : i32
      %broadcast_in_dim3A_496 = arith.constant 0.000000e+00 : f32
      %broadcast_in_dim3A_497 = vector.broadcast %broadcast_in_dim3A_496 : f32 to vector<16xf32>
      %broadcast_in_dim3A_498 = arith.constant 0.000000e+00 : f32
      %broadcast_in_dim3A_499 = vector.broadcast %broadcast_in_dim3A_498 : f32 to vector<16xf32>
      %broadcast_in_dim3A_500 = arith.constant 0.000000e+00 : f32
      %broadcast_in_dim3A_501 = vector.broadcast %broadcast_in_dim3A_500 : f32 to vector<16xf32>
      %broadcast_in_dim3A_502 = arith.constant 0.000000e+00 : f32
      %broadcast_in_dim3A_503 = vector.broadcast %broadcast_in_dim3A_502 : f32 to vector<16xf32>
      %scan3A_504 = arith.constant 0 : i32
      %scan3A_505 = arith.constant 64 : i32
      %scan3A_506 = arith.addi %scan3A_504, %scan3A_505 : i32
      %scan3A_507 = arith.constant 1 : i32
      %scan3A_508:4 = scf.for %scan3A_567 = %scan3A_504 to %scan3A_506 step %scan3A_507 iter_args(%scan3A_568 = %broadcast_in_dim3A_497, %scan3A_569 = %broadcast_in_dim3A_499, %scan3A_570 = %broadcast_in_dim3A_501, %scan3A_571 = %broadcast_in_dim3A_503) -> (vector<16xf32>, vector<16xf32>, vector<16xf32>, vector<16xf32>)  : i32 {
        %mul3A_572 = arith.constant 16 : i32
        %mul3A_573 = arith.muli %scan3A_567, %mul3A_572 : i32
        %get3A = arith.constant 3 : i32
        %get3A_574 = arith.constant 4 : i32
        %get3A_575 = arith.index_cast %get3A : i32 to index
        %get3A_576 = arith.index_cast %get3A_574 : i32 to index
        %get3A_577 = arith.index_cast %mul3A_573 : i32 to index
        %get3A_578 = tpu.vector_load %arg4[%get3A_575, %get3A_576, %get3A_577] {strides = array<i32>} : memref<4x16x1024xf32, #tpu.memory_space<vmem>>, vector<16xf32>,
        %broadcast_in_dim3A_579 = arith.constant true
        %broadcast_in_dim3A_580 = vector.broadcast %broadcast_in_dim3A_579 : i1 to vector<16xi1>
        %masked_cumsum3A = tpu.scan <sum>, %get3A_578 masked %broadcast_in_dim3A_580 : vector<16xf32>, vector<16xi1> -> vector<16xf32>
        %sub3A_581 = arith.subf %masked_cumsum3A, %get3A_578 : vector<16xf32>
        %add3A_582 = arith.addf %sub3A_581, %scan3A_568 : vector<16xf32>
        %mul3A_583 = arith.constant 16 : i32
        %mul3A_584 = arith.muli %scan3A_567, %mul3A_583 : i32
        %swap3A = arith.constant 3 : i32
        %swap3A_585 = arith.constant 4 : i32
        %swap3A_586 = arith.index_cast %swap3A : i32 to index
        %swap3A_587 = arith.index_cast %swap3A_585 : i32 to index
        %swap3A_588 = arith.index_cast %mul3A_584 : i32 to index
        %swap3A_589 = tpu.vector_load %arg4[%swap3A_586, %swap3A_587, %swap3A_588] {strides = array<i32>} : memref<4x16x1024xf32, #tpu.memory_space<vmem>>, vector<16xf32>,
        tpu.vector_store %arg4[%swap3A_586, %swap3A_587, %swap3A_588], %add3A_582 {strides = array<i32>} : memref<4x16x1024xf32, #tpu.memory_space<vmem>>, vector<16xf32>,
        %gather3A = vector.shape_cast %broadcast_in_dim3A_481 : vector<16x1xi32> to vector<16xi32>
        %gather3A_590 = tpu.dynamic_gather %masked_cumsum3A[%gather3A] in [0] : vector<16xf32>, vector<16xi32> -> vector<16xf32>
        %add3A_591 = arith.addf %scan3A_568, %gather3A_590 : vector<16xf32>
        %mul3A_592 = arith.constant 16 : i32
        %mul3A_593 = arith.muli %scan3A_567, %mul3A_592 : i32
        %get3A_594 = arith.constant 3 : i32
        %get3A_595 = arith.constant 5 : i32
        %get3A_596 = arith.index_cast %get3A_594 : i32 to index
        %get3A_597 = arith.index_cast %get3A_595 : i32 to index
        %get3A_598 = arith.index_cast %mul3A_593 : i32 to index
        %get3A_599 = tpu.vector_load %arg4[%get3A_596, %get3A_597, %get3A_598] {strides = array<i32>} : memref<4x16x1024xf32, #tpu.memory_space<vmem>>, vector<16xf32>,
        %broadcast_in_dim3A_600 = arith.constant true
        %broadcast_in_dim3A_601 = vector.broadcast %broadcast_in_dim3A_600 : i1 to vector<16xi1>
        %masked_cumsum3A_602 = tpu.scan <sum>, %get3A_599 masked %broadcast_in_dim3A_601 : vector<16xf32>, vector<16xi1> -> vector<16xf32>
        %sub3A_603 = arith.subf %masked_cumsum3A_602, %get3A_599 : vector<16xf32>
        %add3A_604 = arith.addf %sub3A_603, %scan3A_569 : vector<16xf32>
        %mul3A_605 = arith.constant 16 : i32
        %mul3A_606 = arith.muli %scan3A_567, %mul3A_605 : i32
        %swap3A_607 = arith.constant 3 : i32
        %swap3A_608 = arith.constant 5 : i32
        %swap3A_609 = arith.index_cast %swap3A_607 : i32 to index
        %swap3A_610 = arith.index_cast %swap3A_608 : i32 to index
        %swap3A_611 = arith.index_cast %mul3A_606 : i32 to index
        %swap3A_612 = tpu.vector_load %arg4[%swap3A_609, %swap3A_610, %swap3A_611] {strides = array<i32>} : memref<4x16x1024xf32, #tpu.memory_space<vmem>>, vector<16xf32>,
        tpu.vector_store %arg4[%swap3A_609, %swap3A_610, %swap3A_611], %add3A_604 {strides = array<i32>} : memref<4x16x1024xf32, #tpu.memory_space<vmem>>, vector<16xf32>,
        %gather3A_613 = vector.shape_cast %broadcast_in_dim3A_481 : vector<16x1xi32> to vector<16xi32>
        %gather3A_614 = tpu.dynamic_gather %masked_cumsum3A_602[%gather3A_613] in [0] : vector<16xf32>, vector<16xi32> -> vector<16xf32>
        %add3A_615 = arith.addf %scan3A_569, %gather3A_614 : vector<16xf32>
        %mul3A_616 = arith.constant 16 : i32
        %mul3A_617 = arith.muli %scan3A_567, %mul3A_616 : i32
        %get3A_618 = arith.constant 3 : i32
        %get3A_619 = arith.constant 6 : i32
        %get3A_620 = arith.index_cast %get3A_618 : i32 to index
        %get3A_621 = arith.index_cast %get3A_619 : i32 to index
        %get3A_622 = arith.index_cast %mul3A_617 : i32 to index
        %get3A_623 = tpu.vector_load %arg4[%get3A_620, %get3A_621, %get3A_622] {strides = array<i32>} : memref<4x16x1024xf32, #tpu.memory_space<vmem>>, vector<16xf32>,
        %broadcast_in_dim3A_624 = arith.constant true
        %broadcast_in_dim3A_625 = vector.broadcast %broadcast_in_dim3A_624 : i1 to vector<16xi1>
        %masked_cumsum3A_626 = tpu.scan <sum>, %get3A_623 masked %broadcast_in_dim3A_625 : vector<16xf32>, vector<16xi1> -> vector<16xf32>
        %sub3A_627 = arith.subf %masked_cumsum3A_626, %get3A_623 : vector<16xf32>
        %add3A_628 = arith.addf %sub3A_627, %scan3A_570 : vector<16xf32>
        %mul3A_629 = arith.constant 16 : i32
        %mul3A_630 = arith.muli %scan3A_567, %mul3A_629 : i32
        %swap3A_631 = arith.constant 3 : i32
        %swap3A_632 = arith.constant 6 : i32
        %swap3A_633 = arith.index_cast %swap3A_631 : i32 to index
        %swap3A_634 = arith.index_cast %swap3A_632 : i32 to index
        %swap3A_635 = arith.index_cast %mul3A_630 : i32 to index
        %swap3A_636 = tpu.vector_load %arg4[%swap3A_633, %swap3A_634, %swap3A_635] {strides = array<i32>} : memref<4x16x1024xf32, #tpu.memory_space<vmem>>, vector<16xf32>,
        tpu.vector_store %arg4[%swap3A_633, %swap3A_634, %swap3A_635], %add3A_628 {strides = array<i32>} : memref<4x16x1024xf32, #tpu.memory_space<vmem>>, vector<16xf32>,
        %gather3A_637 = vector.shape_cast %broadcast_in_dim3A_481 : vector<16x1xi32> to vector<16xi32>
        %gather3A_638 = tpu.dynamic_gather %masked_cumsum3A_626[%gather3A_637] in [0] : vector<16xf32>, vector<16xi32> -> vector<16xf32>
        %add3A_639 = arith.addf %scan3A_570, %gather3A_638 : vector<16xf32>
        %mul3A_640 = arith.constant 16 : i32
        %mul3A_641 = arith.muli %scan3A_567, %mul3A_640 : i32
        %get3A_642 = arith.constant 3 : i32
        %get3A_643 = arith.constant 7 : i32
        %get3A_644 = arith.index_cast %get3A_642 : i32 to index
        %get3A_645 = arith.index_cast %get3A_643 : i32 to index
        %get3A_646 = arith.index_cast %mul3A_641 : i32 to index
        %get3A_647 = tpu.vector_load %arg4[%get3A_644, %get3A_645, %get3A_646] {strides = array<i32>} : memref<4x16x1024xf32, #tpu.memory_space<vmem>>, vector<16xf32>,
        %broadcast_in_dim3A_648 = arith.constant true
        %broadcast_in_dim3A_649 = vector.broadcast %broadcast_in_dim3A_648 : i1 to vector<16xi1>
        %masked_cumsum3A_650 = tpu.scan <sum>, %get3A_647 masked %broadcast_in_dim3A_649 : vector<16xf32>, vector<16xi1> -> vector<16xf32>
        %sub3A_651 = arith.subf %masked_cumsum3A_650, %get3A_647 : vector<16xf32>
        %add3A_652 = arith.addf %sub3A_651, %scan3A_571 : vector<16xf32>
        %mul3A_653 = arith.constant 16 : i32
        %mul3A_654 = arith.muli %scan3A_567, %mul3A_653 : i32
        %swap3A_655 = arith.constant 3 : i32
        %swap3A_656 = arith.constant 7 : i32
        %swap3A_657 = arith.index_cast %swap3A_655 : i32 to index
        %swap3A_658 = arith.index_cast %swap3A_656 : i32 to index
        %swap3A_659 = arith.index_cast %mul3A_654 : i32 to index
        %swap3A_660 = tpu.vector_load %arg4[%swap3A_657, %swap3A_658, %swap3A_659] {strides = array<i32>} : memref<4x16x1024xf32, #tpu.memory_space<vmem>>, vector<16xf32>,
        tpu.vector_store %arg4[%swap3A_657, %swap3A_658, %swap3A_659], %add3A_652 {strides = array<i32>} : memref<4x16x1024xf32, #tpu.memory_space<vmem>>, vector<16xf32>,
        %gather3A_661 = vector.shape_cast %broadcast_in_dim3A_481 : vector<16x1xi32> to vector<16xi32>
        %gather3A_662 = tpu.dynamic_gather %masked_cumsum3A_650[%gather3A_661] in [0] : vector<16xf32>, vector<16xi32> -> vector<16xf32>
        %add3A_663 = arith.addf %scan3A_571, %gather3A_662 : vector<16xf32>
        scf.yield %add3A_591, %add3A_615, %add3A_639, %add3A_663 : vector<16xf32>, vector<16xf32>, vector<16xf32>, vector<16xf32>
      }
      %scan3A_509 = arith.constant 64 : i32
      %broadcast_in_dim3A_510 = arith.constant 0.000000e+00 : f32
      %broadcast_in_dim3A_511 = vector.broadcast %broadcast_in_dim3A_510 : f32 to vector<16xf32>
      %broadcast_in_dim3A_512 = arith.constant 0.000000e+00 : f32
      %broadcast_in_dim3A_513 = vector.broadcast %broadcast_in_dim3A_512 : f32 to vector<16xf32>
      %broadcast_in_dim3A_514 = arith.constant 0.000000e+00 : f32
      %broadcast_in_dim3A_515 = vector.broadcast %broadcast_in_dim3A_514 : f32 to vector<16xf32>
      %broadcast_in_dim3A_516 = arith.constant 0.000000e+00 : f32
      %broadcast_in_dim3A_517 = vector.broadcast %broadcast_in_dim3A_516 : f32 to vector<16xf32>
      %scan3A_518 = arith.constant 0 : i32
      %scan3A_519 = arith.constant 64 : i32
      %scan3A_520 = arith.addi %scan3A_518, %scan3A_519 : i32
      %scan3A_521 = arith.constant 1 : i32
      %scan3A_522:4 = scf.for %scan3A_567 = %scan3A_518 to %scan3A_520 step %scan3A_521 iter_args(%scan3A_568 = %broadcast_in_dim3A_511, %scan3A_569 = %broadcast_in_dim3A_513, %scan3A_570 = %broadcast_in_dim3A_515, %scan3A_571 = %broadcast_in_dim3A_517) -> (vector<16xf32>, vector<16xf32>, vector<16xf32>, vector<16xf32>)  : i32 {
        %mul3A_572 = arith.constant 16 : i32
        %mul3A_573 = arith.muli %scan3A_567, %mul3A_572 : i32
        %get3A = arith.constant 3 : i32
        %get3A_574 = arith.constant 8 : i32
        %get3A_575 = arith.index_cast %get3A : i32 to index
        %get3A_576 = arith.index_cast %get3A_574 : i32 to index
        %get3A_577 = arith.index_cast %mul3A_573 : i32 to index
        %get3A_578 = tpu.vector_load %arg4[%get3A_575, %get3A_576, %get3A_577] {strides = array<i32>} : memref<4x16x1024xf32, #tpu.memory_space<vmem>>, vector<16xf32>,
        %broadcast_in_dim3A_579 = arith.constant true
        %broadcast_in_dim3A_580 = vector.broadcast %broadcast_in_dim3A_579 : i1 to vector<16xi1>
        %masked_cumsum3A = tpu.scan <sum>, %get3A_578 masked %broadcast_in_dim3A_580 : vector<16xf32>, vector<16xi1> -> vector<16xf32>
        %sub3A_581 = arith.subf %masked_cumsum3A, %get3A_578 : vector<16xf32>
        %add3A_582 = arith.addf %sub3A_581, %scan3A_568 : vector<16xf32>
        %mul3A_583 = arith.constant 16 : i32
        %mul3A_584 = arith.muli %scan3A_567, %mul3A_583 : i32
        %swap3A = arith.constant 3 : i32
        %swap3A_585 = arith.constant 8 : i32
        %swap3A_586 = arith.index_cast %swap3A : i32 to index
        %swap3A_587 = arith.index_cast %swap3A_585 : i32 to index
        %swap3A_588 = arith.index_cast %mul3A_584 : i32 to index
        %swap3A_589 = tpu.vector_load %arg4[%swap3A_586, %swap3A_587, %swap3A_588] {strides = array<i32>} : memref<4x16x1024xf32, #tpu.memory_space<vmem>>, vector<16xf32>,
        tpu.vector_store %arg4[%swap3A_586, %swap3A_587, %swap3A_588], %add3A_582 {strides = array<i32>} : memref<4x16x1024xf32, #tpu.memory_space<vmem>>, vector<16xf32>,
        %gather3A = vector.shape_cast %broadcast_in_dim3A_481 : vector<16x1xi32> to vector<16xi32>
        %gather3A_590 = tpu.dynamic_gather %masked_cumsum3A[%gather3A] in [0] : vector<16xf32>, vector<16xi32> -> vector<16xf32>
        %add3A_591 = arith.addf %scan3A_568, %gather3A_590 : vector<16xf32>
        %mul3A_592 = arith.constant 16 : i32
        %mul3A_593 = arith.muli %scan3A_567, %mul3A_592 : i32
        %get3A_594 = arith.constant 3 : i32
        %get3A_595 = arith.constant 9 : i32
        %get3A_596 = arith.index_cast %get3A_594 : i32 to index
        %get3A_597 = arith.index_cast %get3A_595 : i32 to index
        %get3A_598 = arith.index_cast %mul3A_593 : i32 to index
        %get3A_599 = tpu.vector_load %arg4[%get3A_596, %get3A_597, %get3A_598] {strides = array<i32>} : memref<4x16x1024xf32, #tpu.memory_space<vmem>>, vector<16xf32>,
        %broadcast_in_dim3A_600 = arith.constant true
        %broadcast_in_dim3A_601 = vector.broadcast %broadcast_in_dim3A_600 : i1 to vector<16xi1>
        %masked_cumsum3A_602 = tpu.scan <sum>, %get3A_599 masked %broadcast_in_dim3A_601 : vector<16xf32>, vector<16xi1> -> vector<16xf32>
        %sub3A_603 = arith.subf %masked_cumsum3A_602, %get3A_599 : vector<16xf32>
        %add3A_604 = arith.addf %sub3A_603, %scan3A_569 : vector<16xf32>
        %mul3A_605 = arith.constant 16 : i32
        %mul3A_606 = arith.muli %scan3A_567, %mul3A_605 : i32
        %swap3A_607 = arith.constant 3 : i32
        %swap3A_608 = arith.constant 9 : i32
        %swap3A_609 = arith.index_cast %swap3A_607 : i32 to index
        %swap3A_610 = arith.index_cast %swap3A_608 : i32 to index
        %swap3A_611 = arith.index_cast %mul3A_606 : i32 to index
        %swap3A_612 = tpu.vector_load %arg4[%swap3A_609, %swap3A_610, %swap3A_611] {strides = array<i32>} : memref<4x16x1024xf32, #tpu.memory_space<vmem>>, vector<16xf32>,
        tpu.vector_store %arg4[%swap3A_609, %swap3A_610, %swap3A_611], %add3A_604 {strides = array<i32>} : memref<4x16x1024xf32, #tpu.memory_space<vmem>>, vector<16xf32>,
        %gather3A_613 = vector.shape_cast %broadcast_in_dim3A_481 : vector<16x1xi32> to vector<16xi32>
        %gather3A_614 = tpu.dynamic_gather %masked_cumsum3A_602[%gather3A_613] in [0] : vector<16xf32>, vector<16xi32> -> vector<16xf32>
        %add3A_615 = arith.addf %scan3A_569, %gather3A_614 : vector<16xf32>
        %mul3A_616 = arith.constant 16 : i32
        %mul3A_617 = arith.muli %scan3A_567, %mul3A_616 : i32
        %get3A_618 = arith.constant 3 : i32
        %get3A_619 = arith.constant 10 : i32
        %get3A_620 = arith.index_cast %get3A_618 : i32 to index
        %get3A_621 = arith.index_cast %get3A_619 : i32 to index
        %get3A_622 = arith.index_cast %mul3A_617 : i32 to index
        %get3A_623 = tpu.vector_load %arg4[%get3A_620, %get3A_621, %get3A_622] {strides = array<i32>} : memref<4x16x1024xf32, #tpu.memory_space<vmem>>, vector<16xf32>,
        %broadcast_in_dim3A_624 = arith.constant true
        %broadcast_in_dim3A_625 = vector.broadcast %broadcast_in_dim3A_624 : i1 to vector<16xi1>
        %masked_cumsum3A_626 = tpu.scan <sum>, %get3A_623 masked %broadcast_in_dim3A_625 : vector<16xf32>, vector<16xi1> -> vector<16xf32>
        %sub3A_627 = arith.subf %masked_cumsum3A_626, %get3A_623 : vector<16xf32>
        %add3A_628 = arith.addf %sub3A_627, %scan3A_570 : vector<16xf32>
        %mul3A_629 = arith.constant 16 : i32
        %mul3A_630 = arith.muli %scan3A_567, %mul3A_629 : i32
        %swap3A_631 = arith.constant 3 : i32
        %swap3A_632 = arith.constant 10 : i32
        %swap3A_633 = arith.index_cast %swap3A_631 : i32 to index
        %swap3A_634 = arith.index_cast %swap3A_632 : i32 to index
        %swap3A_635 = arith.index_cast %mul3A_630 : i32 to index
        %swap3A_636 = tpu.vector_load %arg4[%swap3A_633, %swap3A_634, %swap3A_635] {strides = array<i32>} : memref<4x16x1024xf32, #tpu.memory_space<vmem>>, vector<16xf32>,
        tpu.vector_store %arg4[%swap3A_633, %swap3A_634, %swap3A_635], %add3A_628 {strides = array<i32>} : memref<4x16x1024xf32, #tpu.memory_space<vmem>>, vector<16xf32>,
        %gather3A_637 = vector.shape_cast %broadcast_in_dim3A_481 : vector<16x1xi32> to vector<16xi32>
        %gather3A_638 = tpu.dynamic_gather %masked_cumsum3A_626[%gather3A_637] in [0] : vector<16xf32>, vector<16xi32> -> vector<16xf32>
        %add3A_639 = arith.addf %scan3A_570, %gather3A_638 : vector<16xf32>
        %mul3A_640 = arith.constant 16 : i32
        %mul3A_641 = arith.muli %scan3A_567, %mul3A_640 : i32
        %get3A_642 = arith.constant 3 : i32
        %get3A_643 = arith.constant 11 : i32
        %get3A_644 = arith.index_cast %get3A_642 : i32 to index
        %get3A_645 = arith.index_cast %get3A_643 : i32 to index
        %get3A_646 = arith.index_cast %mul3A_641 : i32 to index
        %get3A_647 = tpu.vector_load %arg4[%get3A_644, %get3A_645, %get3A_646] {strides = array<i32>} : memref<4x16x1024xf32, #tpu.memory_space<vmem>>, vector<16xf32>,
        %broadcast_in_dim3A_648 = arith.constant true
        %broadcast_in_dim3A_649 = vector.broadcast %broadcast_in_dim3A_648 : i1 to vector<16xi1>
        %masked_cumsum3A_650 = tpu.scan <sum>, %get3A_647 masked %broadcast_in_dim3A_649 : vector<16xf32>, vector<16xi1> -> vector<16xf32>
        %sub3A_651 = arith.subf %masked_cumsum3A_650, %get3A_647 : vector<16xf32>
        %add3A_652 = arith.addf %sub3A_651, %scan3A_571 : vector<16xf32>
        %mul3A_653 = arith.constant 16 : i32
        %mul3A_654 = arith.muli %scan3A_567, %mul3A_653 : i32
        %swap3A_655 = arith.constant 3 : i32
        %swap3A_656 = arith.constant 11 : i32
        %swap3A_657 = arith.index_cast %swap3A_655 : i32 to index
        %swap3A_658 = arith.index_cast %swap3A_656 : i32 to index
        %swap3A_659 = arith.index_cast %mul3A_654 : i32 to index
        %swap3A_660 = tpu.vector_load %arg4[%swap3A_657, %swap3A_658, %swap3A_659] {strides = array<i32>} : memref<4x16x1024xf32, #tpu.memory_space<vmem>>, vector<16xf32>,
        tpu.vector_store %arg4[%swap3A_657, %swap3A_658, %swap3A_659], %add3A_652 {strides = array<i32>} : memref<4x16x1024xf32, #tpu.memory_space<vmem>>, vector<16xf32>,
        %gather3A_661 = vector.shape_cast %broadcast_in_dim3A_481 : vector<16x1xi32> to vector<16xi32>
        %gather3A_662 = tpu.dynamic_gather %masked_cumsum3A_650[%gather3A_661] in [0] : vector<16xf32>, vector<16xi32> -> vector<16xf32>
        %add3A_663 = arith.addf %scan3A_571, %gather3A_662 : vector<16xf32>
        scf.yield %add3A_591, %add3A_615, %add3A_639, %add3A_663 : vector<16xf32>, vector<16xf32>, vector<16xf32>, vector<16xf32>
      }
      %scan3A_523 = arith.constant 64 : i32
      %broadcast_in_dim3A_524 = arith.constant 0.000000e+00 : f32
      %broadcast_in_dim3A_525 = vector.broadcast %broadcast_in_dim3A_524 : f32 to vector<16xf32>
      %broadcast_in_dim3A_526 = arith.constant 0.000000e+00 : f32
      %broadcast_in_dim3A_527 = vector.broadcast %broadcast_in_dim3A_526 : f32 to vector<16xf32>
      %broadcast_in_dim3A_528 = arith.constant 0.000000e+00 : f32
      %broadcast_in_dim3A_529 = vector.broadcast %broadcast_in_dim3A_528 : f32 to vector<16xf32>
      %broadcast_in_dim3A_530 = arith.constant 0.000000e+00 : f32
      %broadcast_in_dim3A_531 = vector.broadcast %broadcast_in_dim3A_530 : f32 to vector<16xf32>
      %scan3A_532 = arith.constant 0 : i32
      %scan3A_533 = arith.constant 64 : i32
      %scan3A_534 = arith.addi %scan3A_532, %scan3A_533 : i32
      %scan3A_535 = arith.constant 1 : i32
      %scan3A_536:4 = scf.for %scan3A_567 = %scan3A_532 to %scan3A_534 step %scan3A_535 iter_args(%scan3A_568 = %broadcast_in_dim3A_525, %scan3A_569 = %broadcast_in_dim3A_527, %scan3A_570 = %broadcast_in_dim3A_529, %scan3A_571 = %broadcast_in_dim3A_531) -> (vector<16xf32>, vector<16xf32>, vector<16xf32>, vector<16xf32>)  : i32 {
        %mul3A_572 = arith.constant 16 : i32
        %mul3A_573 = arith.muli %scan3A_567, %mul3A_572 : i32
        %get3A = arith.constant 3 : i32
        %get3A_574 = arith.constant 12 : i32
        %get3A_575 = arith.index_cast %get3A : i32 to index
        %get3A_576 = arith.index_cast %get3A_574 : i32 to index
        %get3A_577 = arith.index_cast %mul3A_573 : i32 to index
        %get3A_578 = tpu.vector_load %arg4[%get3A_575, %get3A_576, %get3A_577] {strides = array<i32>} : memref<4x16x1024xf32, #tpu.memory_space<vmem>>, vector<16xf32>,
        %broadcast_in_dim3A_579 = arith.constant true
        %broadcast_in_dim3A_580 = vector.broadcast %broadcast_in_dim3A_579 : i1 to vector<16xi1>
        %masked_cumsum3A = tpu.scan <sum>, %get3A_578 masked %broadcast_in_dim3A_580 : vector<16xf32>, vector<16xi1> -> vector<16xf32>
        %sub3A_581 = arith.subf %masked_cumsum3A, %get3A_578 : vector<16xf32>
        %add3A_582 = arith.addf %sub3A_581, %scan3A_568 : vector<16xf32>
        %mul3A_583 = arith.constant 16 : i32
        %mul3A_584 = arith.muli %scan3A_567, %mul3A_583 : i32
        %swap3A = arith.constant 3 : i32
        %swap3A_585 = arith.constant 12 : i32
        %swap3A_586 = arith.index_cast %swap3A : i32 to index
        %swap3A_587 = arith.index_cast %swap3A_585 : i32 to index
        %swap3A_588 = arith.index_cast %mul3A_584 : i32 to index
        %swap3A_589 = tpu.vector_load %arg4[%swap3A_586, %swap3A_587, %swap3A_588] {strides = array<i32>} : memref<4x16x1024xf32, #tpu.memory_space<vmem>>, vector<16xf32>,
        tpu.vector_store %arg4[%swap3A_586, %swap3A_587, %swap3A_588], %add3A_582 {strides = array<i32>} : memref<4x16x1024xf32, #tpu.memory_space<vmem>>, vector<16xf32>,
        %gather3A = vector.shape_cast %broadcast_in_dim3A_481 : vector<16x1xi32> to vector<16xi32>
        %gather3A_590 = tpu.dynamic_gather %masked_cumsum3A[%gather3A] in [0] : vector<16xf32>, vector<16xi32> -> vector<16xf32>
        %add3A_591 = arith.addf %scan3A_568, %gather3A_590 : vector<16xf32>
        %mul3A_592 = arith.constant 16 : i32
        %mul3A_593 = arith.muli %scan3A_567, %mul3A_592 : i32
        %get3A_594 = arith.constant 3 : i32
        %get3A_595 = arith.constant 13 : i32
        %get3A_596 = arith.index_cast %get3A_594 : i32 to index
        %get3A_597 = arith.index_cast %get3A_595 : i32 to index
        %get3A_598 = arith.index_cast %mul3A_593 : i32 to index
        %get3A_599 = tpu.vector_load %arg4[%get3A_596, %get3A_597, %get3A_598] {strides = array<i32>} : memref<4x16x1024xf32, #tpu.memory_space<vmem>>, vector<16xf32>,
        %broadcast_in_dim3A_600 = arith.constant true
        %broadcast_in_dim3A_601 = vector.broadcast %broadcast_in_dim3A_600 : i1 to vector<16xi1>
        %masked_cumsum3A_602 = tpu.scan <sum>, %get3A_599 masked %broadcast_in_dim3A_601 : vector<16xf32>, vector<16xi1> -> vector<16xf32>
        %sub3A_603 = arith.subf %masked_cumsum3A_602, %get3A_599 : vector<16xf32>
        %add3A_604 = arith.addf %sub3A_603, %scan3A_569 : vector<16xf32>
        %mul3A_605 = arith.constant 16 : i32
        %mul3A_606 = arith.muli %scan3A_567, %mul3A_605 : i32
        %swap3A_607 = arith.constant 3 : i32
        %swap3A_608 = arith.constant 13 : i32
        %swap3A_609 = arith.index_cast %swap3A_607 : i32 to index
        %swap3A_610 = arith.index_cast %swap3A_608 : i32 to index
        %swap3A_611 = arith.index_cast %mul3A_606 : i32 to index
        %swap3A_612 = tpu.vector_load %arg4[%swap3A_609, %swap3A_610, %swap3A_611] {strides = array<i32>} : memref<4x16x1024xf32, #tpu.memory_space<vmem>>, vector<16xf32>,
        tpu.vector_store %arg4[%swap3A_609, %swap3A_610, %swap3A_611], %add3A_604 {strides = array<i32>} : memref<4x16x1024xf32, #tpu.memory_space<vmem>>, vector<16xf32>,
        %gather3A_613 = vector.shape_cast %broadcast_in_dim3A_481 : vector<16x1xi32> to vector<16xi32>
        %gather3A_614 = tpu.dynamic_gather %masked_cumsum3A_602[%gather3A_613] in [0] : vector<16xf32>, vector<16xi32> -> vector<16xf32>
        %add3A_615 = arith.addf %scan3A_569, %gather3A_614 : vector<16xf32>
        %mul3A_616 = arith.constant 16 : i32
        %mul3A_617 = arith.muli %scan3A_567, %mul3A_616 : i32
        %get3A_618 = arith.constant 3 : i32
        %get3A_619 = arith.constant 14 : i32
        %get3A_620 = arith.index_cast %get3A_618 : i32 to index
        %get3A_621 = arith.index_cast %get3A_619 : i32 to index
        %get3A_622 = arith.index_cast %mul3A_617 : i32 to index
        %get3A_623 = tpu.vector_load %arg4[%get3A_620, %get3A_621, %get3A_622] {strides = array<i32>} : memref<4x16x1024xf32, #tpu.memory_space<vmem>>, vector<16xf32>,
        %broadcast_in_dim3A_624 = arith.constant true
        %broadcast_in_dim3A_625 = vector.broadcast %broadcast_in_dim3A_624 : i1 to vector<16xi1>
        %masked_cumsum3A_626 = tpu.scan <sum>, %get3A_623 masked %broadcast_in_dim3A_625 : vector<16xf32>, vector<16xi1> -> vector<16xf32>
        %sub3A_627 = arith.subf %masked_cumsum3A_626, %get3A_623 : vector<16xf32>
        %add3A_628 = arith.addf %sub3A_627, %scan3A_570 : vector<16xf32>
        %mul3A_629 = arith.constant 16 : i32
        %mul3A_630 = arith.muli %scan3A_567, %mul3A_629 : i32
        %swap3A_631 = arith.constant 3 : i32
        %swap3A_632 = arith.constant 14 : i32
        %swap3A_633 = arith.index_cast %swap3A_631 : i32 to index
        %swap3A_634 = arith.index_cast %swap3A_632 : i32 to index
        %swap3A_635 = arith.index_cast %mul3A_630 : i32 to index
        %swap3A_636 = tpu.vector_load %arg4[%swap3A_633, %swap3A_634, %swap3A_635] {strides = array<i32>} : memref<4x16x1024xf32, #tpu.memory_space<vmem>>, vector<16xf32>,
        tpu.vector_store %arg4[%swap3A_633, %swap3A_634, %swap3A_635], %add3A_628 {strides = array<i32>} : memref<4x16x1024xf32, #tpu.memory_space<vmem>>, vector<16xf32>,
        %gather3A_637 = vector.shape_cast %broadcast_in_dim3A_481 : vector<16x1xi32> to vector<16xi32>
        %gather3A_638 = tpu.dynamic_gather %masked_cumsum3A_626[%gather3A_637] in [0] : vector<16xf32>, vector<16xi32> -> vector<16xf32>
        %add3A_639 = arith.addf %scan3A_570, %gather3A_638 : vector<16xf32>
        %mul3A_640 = arith.constant 16 : i32
        %mul3A_641 = arith.muli %scan3A_567, %mul3A_640 : i32
        %get3A_642 = arith.constant 3 : i32
        %get3A_643 = arith.constant 15 : i32
        %get3A_644 = arith.index_cast %get3A_642 : i32 to index
        %get3A_645 = arith.index_cast %get3A_643 : i32 to index
        %get3A_646 = arith.index_cast %mul3A_641 : i32 to index
        %get3A_647 = tpu.vector_load %arg4[%get3A_644, %get3A_645, %get3A_646] {strides = array<i32>} : memref<4x16x1024xf32, #tpu.memory_space<vmem>>, vector<16xf32>,
        %broadcast_in_dim3A_648 = arith.constant true
        %broadcast_in_dim3A_649 = vector.broadcast %broadcast_in_dim3A_648 : i1 to vector<16xi1>
        %masked_cumsum3A_650 = tpu.scan <sum>, %get3A_647 masked %broadcast_in_dim3A_649 : vector<16xf32>, vector<16xi1> -> vector<16xf32>
        %sub3A_651 = arith.subf %masked_cumsum3A_650, %get3A_647 : vector<16xf32>
        %add3A_652 = arith.addf %sub3A_651, %scan3A_571 : vector<16xf32>
        %mul3A_653 = arith.constant 16 : i32
        %mul3A_654 = arith.muli %scan3A_567, %mul3A_653 : i32
        %swap3A_655 = arith.constant 3 : i32
        %swap3A_656 = arith.constant 15 : i32
        %swap3A_657 = arith.index_cast %swap3A_655 : i32 to index
        %swap3A_658 = arith.index_cast %swap3A_656 : i32 to index
        %swap3A_659 = arith.index_cast %mul3A_654 : i32 to index
        %swap3A_660 = tpu.vector_load %arg4[%swap3A_657, %swap3A_658, %swap3A_659] {strides = array<i32>} : memref<4x16x1024xf32, #tpu.memory_space<vmem>>, vector<16xf32>,
        tpu.vector_store %arg4[%swap3A_657, %swap3A_658, %swap3A_659], %add3A_652 {strides = array<i32>} : memref<4x16x1024xf32, #tpu.memory_space<vmem>>, vector<16xf32>,
        %gather3A_661 = vector.shape_cast %broadcast_in_dim3A_481 : vector<16x1xi32> to vector<16xi32>
        %gather3A_662 = tpu.dynamic_gather %masked_cumsum3A_650[%gather3A_661] in [0] : vector<16xf32>, vector<16xi32> -> vector<16xf32>
        %add3A_663 = arith.addf %scan3A_571, %gather3A_662 : vector<16xf32>
        scf.yield %add3A_591, %add3A_615, %add3A_639, %add3A_663 : vector<16xf32>, vector<16xf32>, vector<16xf32>, vector<16xf32>
      }
      %scan3A_537 = arith.constant 64 : i32
      %mul3A_538 = arith.constant 16 : i32
      %mul3A_539 = arith.muli %add3A_460, %mul3A_538 : i32
      %add3A_540 = arith.addi %mul3A_2, %mul3A_539 : i32
      %dma_start3A_541 = arith.constant 3 : i32
      %dma_start3A_542 = arith.constant 3 : i32
      %dma_start3A_543 = arith.constant 0 : i32
      %dma_start3A_544 = arith.constant 0 : i32
      %dma_start3A_545 = tpu.memref_slice %arg4[%dma_start3A_541, %dma_start3A_543, %dma_start3A_544] : memref<4x16x1024xf32, #tpu.memory_space<vmem>> -> memref<1x16x1024xf32, #tpu.memory_space<vmem>>
      %dma_start3A_546 = tpu.memref_squeeze %dma_start3A_545 : memref<1x16x1024xf32, #tpu.memory_space<vmem>> -> memref<16x1024xf32, #tpu.memory_space<vmem>>
      %dma_start3A_547 = arith.constant 0 : i32
      %dma_start3A_548 = tpu.memref_slice %arg3[%add3A_540, %dma_start3A_547] : memref<16384x1024xf32, #tpu.memory_space<hbm>> -> memref<16x1024xf32, #tpu.memory_space<hbm>>
      %dma_start3A_549 = tpu.memref_slice %arg6[%dma_start3A_542] : memref<4x!tpu.dma_semaphore, #tpu.memory_space<semaphore_mem>> -> memref<1x!tpu.dma_semaphore, #tpu.memory_space<semaphore_mem>>
      %dma_start3A_550 = tpu.memref_squeeze %dma_start3A_549 : memref<1x!tpu.dma_semaphore, #tpu.memory_space<semaphore_mem>> -> memref<!tpu.dma_semaphore, #tpu.memory_space<semaphore_mem>>
      %dma_start3A_551 = arith.constant 0 : i32
      %dma_start3A_552 = tpu.memref_slice %arg3[%add3A_540, %dma_start3A_551] : memref<16384x1024xf32, #tpu.memory_space<hbm>> -> memref<16x1024xf32, #tpu.memory_space<hbm>>
      %dma_start3A_553 = arith.constant 0 : i32
      %dma_start3A_554 = arith.constant 0 : i32
      %dma_start3A_555 = tpu.memref_slice %arg4[%dma_start3A_541, %dma_start3A_553, %dma_start3A_554] : memref<4x16x1024xf32, #tpu.memory_space<vmem>> -> memref<1x16x1024xf32, #tpu.memory_space<vmem>>
      %dma_start3A_556 = tpu.memref_squeeze %dma_start3A_555 : memref<1x16x1024xf32, #tpu.memory_space<vmem>> -> memref<16x1024xf32, #tpu.memory_space<vmem>>
      tpu.enqueue_dma source(%dma_start3A_556 : memref<16x1024xf32, #tpu.memory_space<vmem>>) target(%dma_start3A_552 : memref<16x1024xf32, #tpu.memory_space<hbm>>) target_semaphore(%dma_start3A_550 : memref<!tpu.dma_semaphore, #tpu.memory_space<semaphore_mem>>)
      %add3A_557 = arith.constant 4 : i32
      %add3A_558 = arith.addi %add3A_460, %add3A_557 : i32
      %sub3A_559 = arith.constant 1 : i32
      %sub3A_560 = arith.subi %add3A_558, %sub3A_559 : i32
      %lt3A_561 = arith.constant 32 : i32
      %lt3A_562 = arith.cmpi slt, %sub3A_560, %lt3A_561 : i32
      %convert_element_type3A_563 = arith.extui %lt3A_562 : i1 to i32
      %cond3A_564 = arith.constant 0 : i32
      %cond3A_565 = arith.cmpi ne, %convert_element_type3A_563, %cond3A_564 : i32
      scf.if %cond3A_565 {
        %ge3A = arith.constant 1 : i32
        %ge3A_567 = arith.cmpi sge, %add3A_460, %ge3A : i32
        %convert_element_type3A_568 = arith.extui %ge3A_567 : i1 to i32
        %cond3A_569 = arith.constant 0 : i32
        %cond3A_570 = arith.cmpi ne, %convert_element_type3A_568, %cond3A_569 : i32
        scf.if %cond3A_570 {
          %sub3A_594 = arith.constant 1 : i32
          %sub3A_595 = arith.subi %add3A_460, %sub3A_594 : i32
          %mul3A_596 = arith.constant 16 : i32
          %mul3A_597 = arith.muli %sub3A_595, %mul3A_596 : i32
          %add3A_598 = arith.addi %mul3A_2, %mul3A_597 : i32
          %dma_wait3A_599 = arith.constant 2 : i32
          %dma_wait3A_600 = arith.constant 2 : i32
          %dma_wait3A_601 = arith.constant 0 : i32
          %dma_wait3A_602 = arith.constant 0 : i32
          %dma_wait3A_603 = tpu.memref_slice %arg4[%dma_wait3A_599, %dma_wait3A_601, %dma_wait3A_602] : memref<4x16x1024xf32, #tpu.memory_space<vmem>> -> memref<1x16x1024xf32, #tpu.memory_space<vmem>>
          %dma_wait3A_604 = tpu.memref_squeeze %dma_wait3A_603 : memref<1x16x1024xf32, #tpu.memory_space<vmem>> -> memref<16x1024xf32, #tpu.memory_space<vmem>>
          %dma_wait3A_605 = arith.constant 0 : i32
          %dma_wait3A_606 = tpu.memref_slice %arg3[%add3A_598, %dma_wait3A_605] : memref<16384x1024xf32, #tpu.memory_space<hbm>> -> memref<16x1024xf32, #tpu.memory_space<hbm>>
          %dma_wait3A_607 = tpu.memref_slice %arg6[%dma_wait3A_600] : memref<4x!tpu.dma_semaphore, #tpu.memory_space<semaphore_mem>> -> memref<1x!tpu.dma_semaphore, #tpu.memory_space<semaphore_mem>>
          %dma_wait3A_608 = tpu.memref_squeeze %dma_wait3A_607 : memref<1x!tpu.dma_semaphore, #tpu.memory_space<semaphore_mem>> -> memref<!tpu.dma_semaphore, #tpu.memory_space<semaphore_mem>>
          %dma_wait3A_609 = arith.constant 0 : i32
          %dma_wait3A_610 = tpu.memref_slice %arg3[%add3A_598, %dma_wait3A_609] : memref<16384x1024xf32, #tpu.memory_space<hbm>> -> memref<16x1024xf32, #tpu.memory_space<hbm>>
          %dma_wait3A_611 = arith.constant 0 : i32
          %dma_wait3A_612 = arith.constant 0 : i32
          %dma_wait3A_613 = tpu.memref_slice %arg4[%dma_wait3A_599, %dma_wait3A_611, %dma_wait3A_612] : memref<4x16x1024xf32, #tpu.memory_space<vmem>> -> memref<1x16x1024xf32, #tpu.memory_space<vmem>>
          %dma_wait3A_614 = tpu.memref_squeeze %dma_wait3A_613 : memref<1x16x1024xf32, #tpu.memory_space<vmem>> -> memref<16x1024xf32, #tpu.memory_space<vmem>>
          tpu.wait_dma2 semaphore(%dma_wait3A_608 : memref<!tpu.dma_semaphore, #tpu.memory_space<semaphore_mem>>) src(%dma_wait3A_614 : memref<16x1024xf32, #tpu.memory_space<vmem>>) dst(%dma_wait3A_610 : memref<16x1024xf32, #tpu.memory_space<hbm>>)
        } else {
        }
        %add3A_571 = arith.constant 4 : i32
        %add3A_572 = arith.addi %add3A_460, %add3A_571 : i32
        %sub3A_573 = arith.constant 1 : i32
        %sub3A_574 = arith.subi %add3A_572, %sub3A_573 : i32
        %mul3A_575 = arith.constant 16 : i32
        %mul3A_576 = arith.muli %sub3A_574, %mul3A_575 : i32
        %add3A_577 = arith.addi %mul3A_2, %mul3A_576 : i32
        %dma_start3A_578 = arith.constant 2 : i32
        %dma_start3A_579 = arith.constant 2 : i32
        %dma_start3A_580 = arith.constant 0 : i32
        %dma_start3A_581 = arith.constant 0 : i32
        %dma_start3A_582 = tpu.memref_slice %arg4[%dma_start3A_578, %dma_start3A_580, %dma_start3A_581] : memref<4x16x1024xf32, #tpu.memory_space<vmem>> -> memref<1x16x1024xf32, #tpu.memory_space<vmem>>
        %dma_start3A_583 = tpu.memref_squeeze %dma_start3A_582 : memref<1x16x1024xf32, #tpu.memory_space<vmem>> -> memref<16x1024xf32, #tpu.memory_space<vmem>>
        %dma_start3A_584 = arith.constant 0 : i32
        %dma_start3A_585 = tpu.memref_slice %arg2[%add3A_577, %dma_start3A_584] : memref<16384x1024xf32, #tpu.memory_space<hbm>> -> memref<16x1024xf32, #tpu.memory_space<hbm>>
        %dma_start3A_586 = tpu.memref_slice %arg5[%dma_start3A_579] : memref<4x!tpu.dma_semaphore, #tpu.memory_space<semaphore_mem>> -> memref<1x!tpu.dma_semaphore, #tpu.memory_space<semaphore_mem>>
        %dma_start3A_587 = tpu.memref_squeeze %dma_start3A_586 : memref<1x!tpu.dma_semaphore, #tpu.memory_space<semaphore_mem>> -> memref<!tpu.dma_semaphore, #tpu.memory_space<semaphore_mem>>
        %dma_start3A_588 = arith.constant 0 : i32
        %dma_start3A_589 = arith.constant 0 : i32
        %dma_start3A_590 = tpu.memref_slice %arg4[%dma_start3A_578, %dma_start3A_588, %dma_start3A_589] : memref<4x16x1024xf32, #tpu.memory_space<vmem>> -> memref<1x16x1024xf32, #tpu.memory_space<vmem>>
        %dma_start3A_591 = tpu.memref_squeeze %dma_start3A_590 : memref<1x16x1024xf32, #tpu.memory_space<vmem>> -> memref<16x1024xf32, #tpu.memory_space<vmem>>
        %dma_start3A_592 = arith.constant 0 : i32
        %dma_start3A_593 = tpu.memref_slice %arg2[%add3A_577, %dma_start3A_592] : memref<16384x1024xf32, #tpu.memory_space<hbm>> -> memref<16x1024xf32, #tpu.memory_space<hbm>>
        tpu.enqueue_dma source(%dma_start3A_593 : memref<16x1024xf32, #tpu.memory_space<hbm>>) target(%dma_start3A_591 : memref<16x1024xf32, #tpu.memory_space<vmem>>) target_semaphore(%dma_start3A_587 : memref<!tpu.dma_semaphore, #tpu.memory_space<semaphore_mem>>)
      } else {
      }
      %scan3A_566 = arith.constant 0 : i32
      scf.yield %scan3A_566 : i32
    }
    %scan3A_61 = arith.constant 8 : i32
    %add3A_62 = arith.constant 448 : i32
    %add3A_63 = arith.addi %mul3A_2, %add3A_62 : i32
    %dma_wait3A = arith.constant 0 : i32
    %dma_wait3A_64 = arith.constant 0 : i32
    %dma_wait3A_65 = arith.constant 0 : i32
    %dma_wait3A_66 = arith.constant 0 : i32
    %dma_wait3A_67 = tpu.memref_slice %arg4[%dma_wait3A, %dma_wait3A_65, %dma_wait3A_66] : memref<4x16x1024xf32, #tpu.memory_space<vmem>> -> memref<1x16x1024xf32, #tpu.memory_space<vmem>>
    %dma_wait3A_68 = tpu.memref_squeeze %dma_wait3A_67 : memref<1x16x1024xf32, #tpu.memory_space<vmem>> -> memref<16x1024xf32, #tpu.memory_space<vmem>>
    %dma_wait3A_69 = arith.constant 0 : i32
    %dma_wait3A_70 = tpu.memref_slice %arg3[%add3A_63, %dma_wait3A_69] : memref<16384x1024xf32, #tpu.memory_space<hbm>> -> memref<16x1024xf32, #tpu.memory_space<hbm>>
    %dma_wait3A_71 = tpu.memref_slice %arg6[%dma_wait3A_64] : memref<4x!tpu.dma_semaphore, #tpu.memory_space<semaphore_mem>> -> memref<1x!tpu.dma_semaphore, #tpu.memory_space<semaphore_mem>>
    %dma_wait3A_72 = tpu.memref_squeeze %dma_wait3A_71 : memref<1x!tpu.dma_semaphore, #tpu.memory_space<semaphore_mem>> -> memref<!tpu.dma_semaphore, #tpu.memory_space<semaphore_mem>>
    %dma_wait3A_73 = arith.constant 0 : i32
    %dma_wait3A_74 = tpu.memref_slice %arg3[%add3A_63, %dma_wait3A_73] : memref<16384x1024xf32, #tpu.memory_space<hbm>> -> memref<16x1024xf32, #tpu.memory_space<hbm>>
    %dma_wait3A_75 = arith.constant 0 : i32
    %dma_wait3A_76 = arith.constant 0 : i32
    %dma_wait3A_77 = tpu.memref_slice %arg4[%dma_wait3A, %dma_wait3A_75, %dma_wait3A_76] : memref<4x16x1024xf32, #tpu.memory_space<vmem>> -> memref<1x16x1024xf32, #tpu.memory_space<vmem>>
    %dma_wait3A_78 = tpu.memref_squeeze %dma_wait3A_77 : memref<1x16x1024xf32, #tpu.memory_space<vmem>> -> memref<16x1024xf32, #tpu.memory_space<vmem>>
    tpu.wait_dma2 semaphore(%dma_wait3A_72 : memref<!tpu.dma_semaphore, #tpu.memory_space<semaphore_mem>>) src(%dma_wait3A_78 : memref<16x1024xf32, #tpu.memory_space<vmem>>) dst(%dma_wait3A_74 : memref<16x1024xf32, #tpu.memory_space<hbm>>)
    %add3A_79 = arith.constant 464 : i32
    %add3A_80 = arith.addi %mul3A_2, %add3A_79 : i32
    %dma_wait3A_81 = arith.constant 1 : i32
    %dma_wait3A_82 = arith.constant 1 : i32
    %dma_wait3A_83 = arith.constant 0 : i32
    %dma_wait3A_84 = arith.constant 0 : i32
    %dma_wait3A_85 = tpu.memref_slice %arg4[%dma_wait3A_81, %dma_wait3A_83, %dma_wait3A_84] : memref<4x16x1024xf32, #tpu.memory_space<vmem>> -> memref<1x16x1024xf32, #tpu.memory_space<vmem>>
    %dma_wait3A_86 = tpu.memref_squeeze %dma_wait3A_85 : memref<1x16x1024xf32, #tpu.memory_space<vmem>> -> memref<16x1024xf32, #tpu.memory_space<vmem>>
    %dma_wait3A_87 = arith.constant 0 : i32
    %dma_wait3A_88 = tpu.memref_slice %arg3[%add3A_80, %dma_wait3A_87] : memref<16384x1024xf32, #tpu.memory_space<hbm>> -> memref<16x1024xf32, #tpu.memory_space<hbm>>
    %dma_wait3A_89 = tpu.memref_slice %arg6[%dma_wait3A_82] : memref<4x!tpu.dma_semaphore, #tpu.memory_space<semaphore_mem>> -> memref<1x!tpu.dma_semaphore, #tpu.memory_space<semaphore_mem>>
    %dma_wait3A_90 = tpu.memref_squeeze %dma_wait3A_89 : memref<1x!tpu.dma_semaphore, #tpu.memory_space<semaphore_mem>> -> memref<!tpu.dma_semaphore, #tpu.memory_space<semaphore_mem>>
    %dma_wait3A_91 = arith.constant 0 : i32
    %dma_wait3A_92 = tpu.memref_slice %arg3[%add3A_80, %dma_wait3A_91] : memref<16384x1024xf32, #tpu.memory_space<hbm>> -> memref<16x1024xf32, #tpu.memory_space<hbm>>
    %dma_wait3A_93 = arith.constant 0 : i32
    %dma_wait3A_94 = arith.constant 0 : i32
    %dma_wait3A_95 = tpu.memref_slice %arg4[%dma_wait3A_81, %dma_wait3A_93, %dma_wait3A_94] : memref<4x16x1024xf32, #tpu.memory_space<vmem>> -> memref<1x16x1024xf32, #tpu.memory_space<vmem>>
    %dma_wait3A_96 = tpu.memref_squeeze %dma_wait3A_95 : memref<1x16x1024xf32, #tpu.memory_space<vmem>> -> memref<16x1024xf32, #tpu.memory_space<vmem>>
    tpu.wait_dma2 semaphore(%dma_wait3A_90 : memref<!tpu.dma_semaphore, #tpu.memory_space<semaphore_mem>>) src(%dma_wait3A_96 : memref<16x1024xf32, #tpu.memory_space<vmem>>) dst(%dma_wait3A_92 : memref<16x1024xf32, #tpu.memory_space<hbm>>)
    %add3A_97 = arith.constant 480 : i32
    %add3A_98 = arith.addi %mul3A_2, %add3A_97 : i32
    %dma_wait3A_99 = arith.constant 2 : i32
    %dma_wait3A_100 = arith.constant 2 : i32
    %dma_wait3A_101 = arith.constant 0 : i32
    %dma_wait3A_102 = arith.constant 0 : i32
    %dma_wait3A_103 = tpu.memref_slice %arg4[%dma_wait3A_99, %dma_wait3A_101, %dma_wait3A_102] : memref<4x16x1024xf32, #tpu.memory_space<vmem>> -> memref<1x16x1024xf32, #tpu.memory_space<vmem>>
    %dma_wait3A_104 = tpu.memref_squeeze %dma_wait3A_103 : memref<1x16x1024xf32, #tpu.memory_space<vmem>> -> memref<16x1024xf32, #tpu.memory_space<vmem>>
    %dma_wait3A_105 = arith.constant 0 : i32
    %dma_wait3A_106 = tpu.memref_slice %arg3[%add3A_98, %dma_wait3A_105] : memref<16384x1024xf32, #tpu.memory_space<hbm>> -> memref<16x1024xf32, #tpu.memory_space<hbm>>
    %dma_wait3A_107 = tpu.memref_slice %arg6[%dma_wait3A_100] : memref<4x!tpu.dma_semaphore, #tpu.memory_space<semaphore_mem>> -> memref<1x!tpu.dma_semaphore, #tpu.memory_space<semaphore_mem>>
    %dma_wait3A_108 = tpu.memref_squeeze %dma_wait3A_107 : memref<1x!tpu.dma_semaphore, #tpu.memory_space<semaphore_mem>> -> memref<!tpu.dma_semaphore, #tpu.memory_space<semaphore_mem>>
    %dma_wait3A_109 = arith.constant 0 : i32
    %dma_wait3A_110 = tpu.memref_slice %arg3[%add3A_98, %dma_wait3A_109] : memref<16384x1024xf32, #tpu.memory_space<hbm>> -> memref<16x1024xf32, #tpu.memory_space<hbm>>
    %dma_wait3A_111 = arith.constant 0 : i32
    %dma_wait3A_112 = arith.constant 0 : i32
    %dma_wait3A_113 = tpu.memref_slice %arg4[%dma_wait3A_99, %dma_wait3A_111, %dma_wait3A_112] : memref<4x16x1024xf32, #tpu.memory_space<vmem>> -> memref<1x16x1024xf32, #tpu.memory_space<vmem>>
    %dma_wait3A_114 = tpu.memref_squeeze %dma_wait3A_113 : memref<1x16x1024xf32, #tpu.memory_space<vmem>> -> memref<16x1024xf32, #tpu.memory_space<vmem>>
    tpu.wait_dma2 semaphore(%dma_wait3A_108 : memref<!tpu.dma_semaphore, #tpu.memory_space<semaphore_mem>>) src(%dma_wait3A_114 : memref<16x1024xf32, #tpu.memory_space<vmem>>) dst(%dma_wait3A_110 : memref<16x1024xf32, #tpu.memory_space<hbm>>)
    %add3A_115 = arith.constant 496 : i32
    %add3A_116 = arith.addi %mul3A_2, %add3A_115 : i32
    %dma_wait3A_117 = arith.constant 3 : i32
    %dma_wait3A_118 = arith.constant 3 : i32
    %dma_wait3A_119 = arith.constant 0 : i32
    %dma_wait3A_120 = arith.constant 0 : i32
    %dma_wait3A_121 = tpu.memref_slice %arg4[%dma_wait3A_117, %dma_wait3A_119, %dma_wait3A_120] : memref<4x16x1024xf32, #tpu.memory_space<vmem>> -> memref<1x16x1024xf32, #tpu.memory_space<vmem>>
    %dma_wait3A_122 = tpu.memref_squeeze %dma_wait3A_121 : memref<1x16x1024xf32, #tpu.memory_space<vmem>> -> memref<16x1024xf32, #tpu.memory_space<vmem>>
    %dma_wait3A_123 = arith.constant 0 : i32
    %dma_wait3A_124 = tpu.memref_slice %arg3[%add3A_116, %dma_wait3A_123] : memref<16384x1024xf32, #tpu.memory_space<hbm>> -> memref<16x1024xf32, #tpu.memory_space<hbm>>
    %dma_wait3A_125 = tpu.memref_slice %arg6[%dma_wait3A_118] : memref<4x!tpu.dma_semaphore, #tpu.memory_space<semaphore_mem>> -> memref<1x!tpu.dma_semaphore, #tpu.memory_space<semaphore_mem>>
    %dma_wait3A_126 = tpu.memref_squeeze %dma_wait3A_125 : memref<1x!tpu.dma_semaphore, #tpu.memory_space<semaphore_mem>> -> memref<!tpu.dma_semaphore, #tpu.memory_space<semaphore_mem>>
    %dma_wait3A_127 = arith.constant 0 : i32
    %dma_wait3A_128 = tpu.memref_slice %arg3[%add3A_116, %dma_wait3A_127] : memref<16384x1024xf32, #tpu.memory_space<hbm>> -> memref<16x1024xf32, #tpu.memory_space<hbm>>
    %dma_wait3A_129 = arith.constant 0 : i32
    %dma_wait3A_130 = arith.constant 0 : i32
    %dma_wait3A_131 = tpu.memref_slice %arg4[%dma_wait3A_117, %dma_wait3A_129, %dma_wait3A_130] : memref<4x16x1024xf32, #tpu.memory_space<vmem>> -> memref<1x16x1024xf32, #tpu.memory_space<vmem>>
    %dma_wait3A_132 = tpu.memref_squeeze %dma_wait3A_131 : memref<1x16x1024xf32, #tpu.memory_space<vmem>> -> memref<16x1024xf32, #tpu.memory_space<vmem>>
    tpu.wait_dma2 semaphore(%dma_wait3A_126 : memref<!tpu.dma_semaphore, #tpu.memory_space<semaphore_mem>>) src(%dma_wait3A_132 : memref<16x1024xf32, #tpu.memory_space<vmem>>) dst(%dma_wait3A_128 : memref<16x1024xf32, #tpu.memory_space<hbm>>)
    return
  }
}

</mosaic_0001>

<sc_bundles>
// kernel: kernel.3.cloned.1.call-start
scs
__scs_entry_jumppad:
0x0: {  	(pc) =	sbr.rel $0x88, $3  }
0x1: {  	(tag) =	ssettag $0x0;
	lr =	simm.s32 $0x1  }
0x2: {  	[smem:$0x3FA0] =	sst lr;
	_ =	strace $0xD0000000  }
0x3: {  	_ = 	snop  }
0x4: {  	_ = 	snop  }
0x5: {  	_ = 	snop  }
0x6: {  	_ = 	snop  }
0x7: {  	_ = 	snop  }
__scs_overlays_trampoline_lowered:
0x8: {  	[smem:$0x3FAF] =	sst s0  }
0x9: {  	[smem:$0x3FB0] =	sst s1  }
0xa: {  	[smem:$0x3FB1] =	sst s2  }
0xb: {  	[smem:$0x3FB2] =	sst s3  }
0xc: {  	[smem:$0x3FB3] =	sst s4  }
0xd: {  	[smem:$0x3FB4] =	sst s5  }
0xe: {  	[smem:$0x3FB5] =	sst s6  }
0xf: {  	[smem:$0x3FB6] =	sst s7  }
0x10: {  	[smem:$0x3FB7] =	sst s8  }
0x11: {  	[smem:$0x3FB8] =	sst s9;
	s0 =	simm.s32 @!p0 $0x0  }
0x12: {  	s1 =	sld [smem:$0x3F9E];
	s0 =	simm.s32 @p0 $0x1  }
0x13: {  	[smem:$0x3FB9] =	sst s0;
	s0 =	simm.s32 @!p1 $0x0  }
0x14: {  	s2 =	sld [smem:$0x3F9D];
	s0 =	simm.s32 @p1 $0x1  }
0x15: {  	[smem:$0x3FBA] =	sst s0;
	s0 =	simm.s32 @!p2 $0x0  }
0x16: {  	s3 =	sld [smem:$0x3FDB];
	s0 =	simm.s32 @p2 $0x1  }
0x17: {  	s4 =	simm.s32 $0x1BF5;
	[smem:$0x3FBC] =	sst s0  }
0x18: {  	s0 =	sld [smem:$0x3F9F];
	_ =	swait.ge [sflag:s4], $0x0  }
0x19: {  	s7 =	sld [smem:$0x3FA0]  }
0x1a: {  	s8 =	sadd.s32 $0xFFFFE003, lr  }
0x1b: {  	s9 =	sadd.s32 $0xFFFFFEF7, lr;
	s5 =	simm.s32 $0xFFFFFFFF;
	p2 =	slt.u32 s8, $0xFFFFF086  }
0x1c: {  	p1 =	slt.u32 s9, $0xF7A;
	s5 =	simm.s32 @!p2 $0x0  }
0x1d: {  	s5 =	simm.s32 @p1 $0x1;
	p0 =	seq.s32 s7, s2  }
0x1e: {  	s7 =	smul.u32 @!p0 $0xF7A, s2;
	p2 =	seq.s32 @!p0 s5, $0x0  }
0x1f: {  	s9 =	smul.u32 $0xF7A, s1;
	s8 =	simm.s32 @!p0 $0x1BF5;
	p2 =	por !p2, p0  }
0x20: {  	[sflag:s8] =	ssyncset.s32 @!p0 $0xFFFFF086;
	s6 =	sadd.s32 @!p0 s3, s7;
	s7 =	simm.s32 @!p0 $0x108  }
0x21: {  	s3 =	sadd.s32 s3, s9;
	s6 =	sadd.s32 @!p0 $0x88, s6;
	s7 =	simm.s32 @p2 $0x1082  }
0x22: {  	[simem:s7], [sflag:s8] =	dma.local @!p0 [hbm:s6], $0xF7A  }
0x23: {  	s9 =	sor.u32 $0xD0000000, s2;
	s6 =	simm.s32 $0x108;
	_ =	swait.ge @!p0 [sflag:s8], $0x0  }
0x24: {  	s3 =	sadd.s32 $0x88, s3;
	s6 =	simm.s32 @!p1 $0x1082;
	[sflag:s4] =	ssyncset.s32 $0xFFFFF086  }
0x25: {  	[simem:s6], [sflag:s4] =	dma.local [hbm:s3], $0xF7A  }
0x26: {  	[smem:$0x3FA0] =	sst s1;
	(tag) =	ssettag s2;
	_ =	strace s9  }
0x27: {  	s1 =	sld [smem:$0x3FB0]  }
0x28: {  	s2 =	sld [smem:$0x3FB1]  }
0x29: {  	s4 =	sld [smem:$0x3FB3]  }
0x2a: {  	p0 =	seq.s32 s5, $0x0;
	s5 =	sld [smem:$0x3FB4]  }
0x2b: {  	s6 =	sld [smem:$0x3FB5]  }
0x2c: {  	s7 =	sld [smem:$0x3FB6]  }
0x2d: {  	s3 =	simm.s32 $0x108;
	s8 =	sld [smem:$0x3FB7]  }
0x2e: {  	s3 =	simm.s32 @!p0 $0x1082;
	s9 =	sld [smem:$0x3FB8]  }
0x2f: {  	lr =	sadd.s32 s0, s3;
	s0 =	sld [smem:$0x3FAF]  }
0x30: {  	s3 =	sld [smem:$0x3FB2]  }
0x31: {  	[smem:$0x3FBB] =	sst s10  }
0x32: {  	s10 =	sld [smem:$0x3FB9];
	_ =	sdelay $0x3  }
0x33: {  	p0 =	seq.s32 s10, $0x1;
	s10 =	sld [smem:$0x3FBB];
	_ =	sdelay $0x3  }
0x34: {  	[smem:$0x3FBB] =	sst s10  }
0x35: {  	s10 =	sld [smem:$0x3FBA];
	_ =	sdelay $0x3  }
0x36: {  	p1 =	seq.s32 s10, $0x1;
	s10 =	sld [smem:$0x3FBB];
	_ =	sdelay $0x3  }
0x37: {  	[smem:$0x3FBB] =	sst s10  }
0x38: {  	s10 =	sld [smem:$0x3FBC]  }
0x39: {  	_ = 	snop;
	(pc) =	sbr.ind lr, $3  }
0x3a: {  	_ = 	snop  }
0x3b: {  	_ = 	snop  }
0x3c: {  	p2 =	seq.s32 s10, $0x1;
	s10 =	sld [smem:$0x3FBB]  }
0x3d: {  	_ =	shalt  }
0x3e: {  	_ =	shalt  }
0x3f: {  	_ =	shalt  }
0x40: {  	_ =	shalt  }
0x41: {  	_ =	shalt  }
0x42: {  	_ =	shalt  }
0x43: {  	_ =	shalt  }
0x44: {  	_ =	shalt  }
0x45: {  	_ =	shalt  }
0x46: {  	_ =	shalt  }
0x47: {  	_ =	shalt  }
0x48: {  	_ =	shalt  }
0x49: {  	_ =	shalt  }
0x4a: {  	_ =	shalt  }
0x4b: {  	_ =	shalt  }
0x4c: {  	_ =	shalt  }
0x4d: {  	_ =	shalt  }
0x4e: {  	_ =	shalt  }
0x4f: {  	_ =	shalt  }
0x50: {  	_ =	shalt  }
0x51: {  	_ =	shalt  }
0x52: {  	_ =	shalt  }
0x53: {  	_ =	shalt  }
0x54: {  	_ =	shalt  }
0x55: {  	_ =	shalt  }
0x56: {  	_ =	shalt  }
0x57: {  	_ =	shalt  }
0x58: {  	_ =	shalt  }
0x59: {  	_ =	shalt  }
0x5a: {  	_ =	shalt  }
0x5b: {  	_ =	shalt  }
0x5c: {  	_ =	shalt  }
0x5d: {  	_ =	shalt  }
0x5e: {  	_ =	shalt  }
0x5f: {  	_ =	shalt  }
0x60: {  	_ =	shalt  }
0x61: {  	_ =	shalt  }
0x62: {  	_ =	shalt  }
0x63: {  	_ =	shalt  }
0x64: {  	_ =	shalt  }
0x65: {  	_ =	shalt  }
0x66: {  	_ =	shalt  }
0x67: {  	_ =	shalt  }
0x68: {  	_ =	shalt  }
0x69: {  	_ =	shalt  }
0x6a: {  	_ =	shalt  }
0x6b: {  	_ =	shalt  }
0x6c: {  	_ =	shalt  }
0x6d: {  	_ =	shalt  }
0x6e: {  	_ =	shalt  }
0x6f: {  	_ =	shalt  }
0x70: {  	_ =	shalt  }
0x71: {  	_ =	shalt  }
0x72: {  	_ =	shalt  }
0x73: {  	_ =	shalt  }
0x74: {  	_ =	shalt  }
0x75: {  	_ =	shalt  }
0x76: {  	_ =	shalt  }
0x77: {  	_ =	shalt  }
0x78: {  	_ =	shalt  }
0x79: {  	_ =	shalt  }
0x7a: {  	_ =	shalt  }
0x7b: {  	_ =	shalt  }
0x7c: {  	_ =	shalt  }
0x7d: {  	_ =	shalt  }
0x7e: {  	_ =	shalt  }
0x7f: {  	_ =	shalt  }
0x80: {  	_ =	shalt  }
0x81: {  	_ =	shalt  }
0x82: {  	_ =	shalt  }
0x83: {  	_ =	shalt  }
0x84: {  	_ =	shalt  }
0x85: {  	_ =	shalt  }
0x86: {  	_ =	shalt  }
0x87: {  	_ =	shalt  }
.Lfunc_end0:
.L_simem_size_0:
called_computation_lowered:
.L_overlay_start_0:
0x88: {  	s2 =	sld [smem:$0x3FD9]  }
0x89: {  	s3 =	sld [smem:$0x3FFE];
	_ =	sdelay $0x1  }
0x8a: {  	s1 =	srdreg.scid  }
0x8b: {  	s0 =	sand.u32 $0x1, s1  }
0x8c: {  	s18 =	sshll.u32 s0, $0xA;
	s2 =	sadd.s32 s3, s2  }
0x8d: {  	s2 =	sadd.s32 s2, s18  }
0x8e: {  	[smem:$0x3FC7] =	sst s2  }
0x8f: {  	_ = 	snop  }
0x90: {  	s2 =	sld [smem:$0x3FC9]  }
0x91: {  	s19 =	sld [smem:$0x3FD0];
	(tm) =	ssettm $0x1  }
0x92: {  	s4 =	sld [smem:$0x3FFB];
	_ =	sdelay $0x3  }
0x93: {  	_ =	strace s4  }
0x94: {  	s4 =	sld [smem:$0x3FFC];
	_ =	sdelay $0x3  }
0x95: {  	_ =	strace s4  }
0x96: {  	s4 =	sld [smem:$0x3FFD];
	_ =	sdelay $0x3  }
0x97: {  	_ =	strace s4  }
0x98: {  	_ =	strace $0x8FFFFFFF  }
0x99: {  	s20 =	sld [smem:$0x3FDB];
	_ =	sdelay $0x1  }
0x9a: {  	s5 =	simm.s32 $_scs_section_size  }
0x9b: {  	s6 =	simm.s32 $_size__tile_overlayer_lowered;
	s7 =	simm.s32 $_tile_overlayer_lowered  }
0x9c: {  	s23 =	simm.s32 $0x1BFF;
	s22 =	sshll.u32 s7, $0x1;
	s4 =	sadd.s32 s5, s20  }
0x9d: {  	s8 =	simm.s32 $0x0;
	s21 =	sshll.u32 s6, $0x1;
	s6 =	sadd.s32 s22, s4  }
0x9e: {  	[timem:s8], [sflag:s23] =	dma.local [hbm:s6], s21  }
0x9f: {  	_ =	swait.ge [sflag:s23], s21  }
0xa0: {  	s5 =	ssub.s32 $0x0, s21;
	[sflag:s23] =	ssyncset.done $0x0  }
0xa1: {  	[sflag:s23] =	ssyncadd.s32 s5;
	_ =	sdelay $0x1  }
0xa2: {  	s24 =	simm.s32 $0x1B8B  }
0xa3: {  	_ =	swait.ge [sflag:s24], $0x1  }
0xa4: {  	[sflag:s24] =	ssyncset.done $0x0  }
0xa5: {  	s25 =	simm.s32 $0x1B8E;
	[sflag:s24] =	ssyncadd.s32 $0xFFFFFFFF  }
0xa6: {  	s26 =	simm.s32 $execute0_lowered;
	[smem:$0x3FD2] =	sst s25  }
0xa7: {  	s5 =	sshll.u32 s26, $0x1;
	_ =	strace $0x80000046;
	[dreg:$0x1] =	wrdreg $0xFFFFFFFF  }
0xa8: {  	s28 =	simm.s32 $_size_execute0_lowered;
	s4 =	sadd.s32 s4, s5;
	[dreg:$0x0] =	wrdreg $0x0  }
0xa9: {  	s5 =	sshll.u32 s28, $0x1;
	[dreg:$0x2] =	wrdreg s4  }
0xaa: {  	[dreg:$0x3] =	wrdreg s5  }
0xab: {  	[dreg:$0x4] =	wrdreg $0xC0  }
0xac: {  	_ =	task [dreg:s8], $0x5FFFF  }
0xad: {  	[dreg:$0x1] =	wrdreg $0xFFFFFFFF  }
0xae: {  	[dreg:$0x0] =	wrdreg $0x60  }
0xaf: {  	[dreg:$0x2] =	wrdreg s2  }
0xb0: {  	[dreg:$0x3] =	wrdreg s19  }
0xb1: {  	[dreg:$0x4] =	wrdreg $0x9  }
0xb2: {  	_ =	task.clear_ibuf [dreg:s8], $0x5FFFF;
	_ =	strace $0x90000046  }
0xb3: {  	s29 =	simm.s32 $0x9;
	_ =	strace $0x80000048  }
0xb4: {  	_ =	swait.ge [sflag:s29], $0x1  }
0xb5: {  	[sflag:s29] =	ssyncadd.s32 $0xFFFFFFFF  }
0xb6: {  	_ =	strace $0x90000048  }
0xb7: {  	_ =	sfence  }
0xb8: {  	s30 =	sld [smem:$0x0];
	_ =	sdelay $0x2  }
0xb9: {  	s31 =	sshll.u32 s1, $0xD;
	s1 =	sshrl.u32 s1, $0x2  }
0xba: {  	s3 =	sand.u32 $0x4000, s31;
	s1 =	sadd.s32 s1, s30  }
0xbb: {  	s0 =	sor.u32 s3, s0;
	s1 =	sshll.u32 s1, $0x11  }
0xbc: {  	s0 =	sor.u32 s1, s0  }
0xbd: {  	s0 =	sadd.s32 $0x8F2B, s0  }
0xbe: {  	[sflag:s0] =	ssyncadd.remote.s32 $0x1  }
0xbf: {  	_ =	sfence.sel $0xFFFF  }
0xc0: {  	[dreg:$0x0] =	wrdreg $0xFFFFFFFF;
	(pc) =	sbr.abs _section_cstart, $3  }
0xc1: {  	[dreg:$0x1] =	wrdreg $0xFFFFFFFF  }
0xc2: {  	_ =	task.clear_ibuf [dreg:s8], $0x2FFFF;
	_ =	strace $0x9FFFFFFF  }
0xc3: {  	(tm) =	ssettm $0x7FFFFFFF  }
tec
execute0_lowered:
.L_overlay_start_1:
0x0: {  	(tag) =	ssettag $0x1  }
0x1: {  	s1 =	rddreg [dreg:$0x0]  }
0x2: {  	s3 =	rddreg [dreg:$0x1]  }
0x3: {  	s0 =	srdreg.scid;
	s4 =	simm.s32 $0x0;
	s5 =	stileid.u32  }
0x4: {  	s16 =	simm.s32 $0x4000;
	s17 =	simm.s32 $0x8000;
	s18 =	simm.s32 $0x1  }
0x5: {  	s19 =	simm.s32 $0xC000;
	s20 =	simm.s32 $0x2;
	s21 =	simm.s32 $0x3  }
0x6: {  	s22 =	simm.s32 $0x4;
	s25 =	simm.s32 $0x7;
	s28 =	simm.s32 $0x0  }
0x7: {  	s0 =	sand.u32 $0x1, s0;
	s5 =	sshll.u32 s5, $0x11;
	[smem:$0x7FF] =	sst s4  }
0x8: {  	s10 =	sadd.s32 $0x800, s3;
	s2 =	ssub.s32 $0x2, s0;
	s0 =	sshll.u32 s0, $0x10  }
0x9: {  	s12 =	sadd.s32 $0x1000, s3;
	_ =	strace $0x80000047;
	s5 =	sor.u32 s0, s5  }
.Ltmp0:
0xa: {  	s6 =	sshrl.u32 s2, $0x1;
	s29 =	sadd.s32 s1, s5;
	(pc) =	sbr.rel .LBB2_1-.Ltmp0, $4  }
0xb: {  	s26 =	ssub.s32 s2, s6;
	s30 =	sadd.s32 $0x800, s29;
	[dreg:$0x3] =	wrdreg s29  }
0xc: {  	s9 =	sor.u32 $0x1800, s5;
	s31 =	sadd.s32 $0x1000, s29;
	[dreg:$0x4] =	wrdreg s30  }
0xd: {  	s11 =	sadd.s32 $0x2000, s29;
	s0 =	smax.u32 s26, $0x1;
	[dreg:$0x5] =	wrdreg s31  }
0xe: {  	v0 =	vimm.s32 $0xF;
	s13 =	sadd.s32 $0x2800, s29;
	s14 =	sadd.s32 $0x3000, s29;
	[dreg:$0x6] =	wrdreg s0  }
.LBB2_36:
0xf: {  	s0 =	simm.s32 $0x5  }
0x10: {  	_ =	swait.ge [sflag:s0], $0x4000  }
0x11: {  	[sflag:s0] =	ssyncset.done $0x0  }
0x12: {  	s30 =	simm.s32 $0x6;
	[sflag:s0] =	ssyncadd.s32 $0xFFFFC000  }
0x13: {  	_ =	swait.ge [sflag:s30], $0x4000  }
0x14: {  	[sflag:s30] =	ssyncset.done $0x0  }
0x15: {  	[sflag:s30] =	ssyncadd.s32 $0xFFFFC000  }
0x16: {  	_ =	swait.ge [sflag:s25], $0x4000  }
0x17: {  	[sflag:s25] =	ssyncset.done $0x0  }
0x18: {  	s2 =	simm.s32 $0x8;
	[sflag:s25] =	ssyncadd.s32 $0xFFFFC000  }
0x19: {  	_ =	swait.ge [sflag:s2], $0x4000  }
0x1a: {  	s28 =	sadd.s32 $0x1, s28;
	s31 =	rddreg [dreg:$0x6]  }
0x1b: {  	p0 =	sne.s32 s28, s31  }
.Ltmp1:
0x1c: {  	_ = 	snop;
	(pc) =	sbr.rel @!p0 .LBB2_37-.Ltmp1, $3  }
0x1d: {  	_ =	sdelay $0x1  }
0x1e: {  	[sflag:s2] =	ssyncset.done $0x0  }
0x1f: {  	[sflag:s2] =	ssyncadd.s32 $0xFFFFC000  }
.LBB2_1:
0x20: {  	s0 =	rddreg [dreg:$0x3]  }
0x21: {  	[tilespmem:s4], [sflag:$0x1] =	stream.linear.gather [hbm4b:s0+s4], $0x4000, $0x38;
	[tilespmem:$0x10000] =	vst v63  }
0x22: {  	s30 =	rddreg [dreg:$0x4]  }
0x23: {  	[tilespmem:s16], [sflag:$0x2] =	stream.linear.gather [hbm4b:s30+s4], $0x4000, $0x38;
	[tilespmem:$0x10000] =	vst v63  }
0x24: {  	s31 =	rddreg [dreg:$0x5];
	s29 =	simm.s32 $0x0  }
0x25: {  	[tilespmem:s17], [sflag:$0x3] =	stream.linear.gather [hbm4b:s31+s4], $0x4000, $0x38;
	[tilespmem:$0x10000] =	vst v63  }
.LBB2_2:
0x26: {  	_ =	swait.ge [sflag:s18], $0x4000;
	s0 =	simm.s32 $0x0  }
0x27: {  	[sflag:s18] =	ssyncset.done $0x0;
	s2 =	sand.u32 $0x70, s0;
	s6 =	sand.u32 $0x1C00, s0  }
0x28: {  	[sflag:s18] =	ssyncadd.s32 $0xFFFFC000;
	s2 =	sor.u32 s2, s6  }
0x29: {  	v1 =	vld [tilespmem:s2+$0x180];
	_ =	sdelay $0x2  }
0x2a: {  	v2 =	vld [tilespmem:s2+$0x100];
	_ =	sdelay $0x1  }
0x2b: {  	(xrf2) =	vadd.scan.msk.f32 $0xffff, v1;
	_ =	sdelay $0x2  }
0x2c: {  	(xrf2) =	vadd.scan.msk.f32 $0xffff, v2;
	_ =	sdelay $0x4  }
0x2d: {  	v3 =	vld [tilespmem:s2+$0x0];
	_ =	sdelay $0x1  }
0x2e: {  	v4, _, _ =	vpop (xrf2)  }
0x2f: {  	v5 =	vsub.f32 v4, v1  }
0x30: {  	v1 =	vimm.f32 $0.0e+00  }
0x31: {  	s30 =	simm.s32 $0x10;
	s8 =	simm.s32 $0x80;
	v7 =	vld [tilespmem:s2+$0x80];
	(xrf2) =	vadd.scan.msk.f32 $0xffff, v3;
	v6, _, _ =	vpop (xrf2);
	v5 =	vadd.f32 v5, v1  }
0x32: {  	s31 =	sand.u32 $0x70, s30;
	s7 =	sand.u32 $0x1C00, s8;
	v2 =	vsub.f32 v6, v2  }
0x33: {  	s7 =	sor.u32 s31, s7;
	[tilespmem:s2+$0x180] =	vst v5  }
0x34: {  	v2 =	vadd.f32 v2, v1;
	v8 =	vld [tilespmem:s7+$0x180];
	_ =	sdelay $0x1  }
0x35: {  	(xrf2) =	vadd.scan.msk.f32 $0xffff, v7;
	[tilespmem:s2+$0x100] =	vst v2  }
0x36: {  	v5 =	vld [tilespmem:s7+$0x100];
	_ =	sdelay $0x1  }
0x37: {  	(xrf2) =	vadd.scan.msk.f32 $0xffff, v8;
	_ =	sdelay $0x1  }
0x38: {  	v2 =	vperm.xlane v4, v0;
	v4 =	vperm.xlane v6, v0;
	v6, _, _ =	vpop (xrf2)  }
0x39: {  	v9 =	vsub.f32 v6, v3;
	(xrf2) =	vadd.scan.msk.f32 $0xffff, v5;
	_ =	sdelay $0x1  }
0x3a: {  	v6 =	vperm.xlane v6, v0  }
0x3b: {  	v3 =	vadd.f32 v2, v1;
	v2 =	vadd.f32 v4, v1  }
0x3c: {  	s15 =	simm.s32 $0x20;
	s6 =	smov.u32 s2;
	v10 =	vadd.f32 v9, v1;
	v4 =	vadd.f32 v6, v1;
	v6 =	vimm.f32 $0.0e+00;
	v9, _, _ =	vpop (xrf2)  }
.LBB2_3:
0x3d: {  	p0 =	sne.s32 s15, $0x3F0  }
0x3e: {  	s8 =	sadd.s32 $0x80, s8;
	v7 =	vsub.f32 v9, v7;
	s23 =	smov.u32 s15;
	s15 =	sadd.s32 $0x10, s15;
	[tilespmem:s6+$0x0] =	vst v10  }
0x3f: {  	v12 =	vperm.xlane v9, v0;
	s23 =	sand.u32 $0x70, s23;
	s31 =	sand.u32 $0x1C00, s8;
	v10 =	vld [tilespmem:s7+$0x0];
	v11, _, _ =	vpop (xrf2)  }
0x40: {  	s23 =	sor.u32 s23, s31;
	v7 =	vadd.f32 v7, v6;
	v8 =	vsub.f32 v11, v8;
	v11 =	vperm.xlane v11, v0  }
0x41: {  	v6 =	vadd.f32 v12, v6  }
0x42: {  	v8 =	vadd.f32 v8, v3;
	v3 =	vadd.f32 v11, v3;
	v9, _, _ =	vpop (xrf2);
	[tilespmem:s6+$0x80] =	vst v7;
	s6 =	smov.u32 s7;
	s7 =	smov.u32 s23  }
0x43: {  	v7 =	vld [tilespmem:s6+$0x80];
	v5 =	vsub.f32 v9, v5;
	v9 =	vperm.xlane v9, v0  }
0x44: {  	[tilespmem:s6+$0x180] =	vst v8  }
0x45: {  	v5 =	vadd.f32 v5, v2;
	v2 =	vadd.f32 v9, v2  }
0x46: {  	(xrf2) =	vadd.scan.msk.f32 $0xffff, v10  }
0x47: {  	v8 =	vld [tilespmem:s7+$0x180];
	[tilespmem:s6+$0x100] =	vst v5;
	_ =	sdelay $0x1  }
0x48: {  	v5 =	vld [tilespmem:s7+$0x100];
	(xrf2) =	vadd.scan.msk.f32 $0xffff, v7;
	_ =	sdelay $0x2  }
0x49: {  	(xrf2) =	vadd.scan.msk.f32 $0xffff, v8;
	_ =	sdelay $0x2  }
.Ltmp2:
0x4a: {  	(xrf2) =	vadd.scan.msk.f32 $0xffff, v5;
	(pc) =	sbr.rel @p0 .LBB2_3-.Ltmp2, $3  }
0x4b: {  	v9, _, _ =	vpop (xrf2)  }
0x4c: {  	v10 =	vsub.f32 v9, v10;
	v11 =	vperm.xlane v9, v0;
	_ =	sdelay $0x1  }
0x4d: {  	v10 =	vadd.f32 v10, v4;
	v4 =	vadd.f32 v11, v4;
	v9, _, _ =	vpop (xrf2)  }
0x4e: {  	v7 =	vsub.f32 v9, v7;
	_ =	sdelay $0x1  }
0x4f: {  	v7 =	vadd.f32 v7, v6  }
0x50: {  	[tilespmem:s6+$0x0] =	vst v10  }
0x51: {  	v10 =	vld [tilespmem:s7+$0x0];
	[tilespmem:s6+$0x80] =	vst v7  }
0x52: {  	v7 =	vld [tilespmem:s7+$0x80];
	_ =	sdelay $0x3  }
0x53: {  	(xrf2) =	vadd.scan.msk.f32 $0xffff, v10  }
0x54: {  	(xrf2) =	vadd.scan.msk.f32 $0xffff, v7;
	_ =	sdelay $0x6  }
0x55: {  	v58 =	vperm.xlane v9, v0;
	v11, _, _ =	vpop (xrf2)  }
0x56: {  	v8 =	vsub.f32 v11, v8;
	v59, _, _ =	vpop (xrf2)  }
0x57: {  	v6 =	vadd.f32 v58, v6;
	v5 =	vsub.f32 v59, v5;
	v60, _, _ =	vpop (xrf2)  }
0x58: {  	v3 =	vadd.f32 v8, v3;
	v61 =	vsub.f32 v60, v10;
	v62, _, _ =	vpop (xrf2)  }
0x59: {  	v2 =	vadd.f32 v5, v2;
	v5 =	vsub.f32 v62, v7  }
0x5a: {  	[tilespmem:s7+$0x180] =	vst v3;
	v3 =	vadd.f32 v61, v4  }
0x5b: {  	[tilespmem:s7+$0x100] =	vst v2;
	v2 =	vadd.f32 v5, v6  }
0x5c: {  	[tilespmem:s7+$0x0] =	vst v3  }
0x5d: {  	[tilespmem:s7+$0x80] =	vst v2  }
0x5e: {  	v2 =	vld [tilespmem:s2+$0x300]  }
0x5f: {  	v3 =	vld [tilespmem:s2+$0x280]  }
0x60: {  	v4 =	vld [tilespmem:s2+$0x200];
	_ =	sdelay $0x2  }
0x61: {  	(xrf2) =	vadd.scan.msk.f32 $0xffff, v2  }
0x62: {  	(xrf2) =	vadd.scan.msk.f32 $0xffff, v3  }
0x63: {  	(xrf2) =	vadd.scan.msk.f32 $0xffff, v4;
	_ =	sdelay $0x7  }
0x64: {  	v6, _, _ =	vpop (xrf2)  }
0x65: {  	v2 =	vsub.f32 v6, v2;
	v7, _, _ =	vpop (xrf2)  }
0x66: {  	v3 =	vsub.f32 v7, v3;
	v63, _, _ =	vpop (xrf2)  }
0x67: {  	v2 =	vadd.f32 v2, v1;
	v4 =	vsub.f32 v63, v4  }
0x68: {  	v3 =	vadd.f32 v3, v1  }
0x69: {  	[tilespmem:s2+$0x300] =	vst v2;
	v2 =	vadd.f32 v4, v1  }
0x6a: {  	s31 =	sor.u32 s0, s0;
	[tilespmem:s2+$0x280] =	vst v3  }
0x6b: {  	s6 =	sor.u32 $0x380, s31;
	[tilespmem:s2+$0x200] =	vst v2  }
0x6c: {  	v5 =	vld [tilespmem:s6+$0x0];
	_ =	sdelay $0x4  }
0x6d: {  	(xrf2) =	vadd.scan.msk.f32 $0xffff, v5;
	_ =	sdelay $0x3  }
0x6e: {  	v4 =	vperm.xlane v63, v0  }
0x6f: {  	v3 =	vperm.xlane v7, v0;
	v2 =	vperm.xlane v6, v0  }
0x70: {  	v4 =	vadd.f32 v4, v1  }
0x71: {  	v3 =	vadd.f32 v3, v1;
	v2 =	vadd.f32 v2, v1  }
.LBB2_5:
0x72: {  	p0 =	sne.s32 s30, $0x3F0  }
0x73: {  	s0 =	sadd.s32 $0x80, s0;
	s2 =	smov.u32 s30;
	s30 =	sadd.s32 $0x10, s30  }
0x74: {  	v6, _, _ =	vpop (xrf2)  }
0x75: {  	v5 =	vsub.f32 v6, v5;
	v6 =	vperm.xlane v6, v0;
	_ =	sdelay $0x1  }
0x76: {  	v5 =	vadd.f32 v5, v1;
	v1 =	vadd.f32 v6, v1  }
0x77: {  	s7 =	sand.u32 $0x70, s2;
	s8 =	sand.u32 $0x1C00, s0  }
0x78: {  	s7 =	sor.u32 s7, s8;
	[tilespmem:s6+$0x0] =	vst v5  }
0x79: {  	v5 =	vld [tilespmem:s7+$0x300]  }
0x7a: {  	v6 =	vld [tilespmem:s7+$0x200]  }
0x7b: {  	v7 =	vld [tilespmem:s7+$0x280];
	_ =	sdelay $0x2  }
0x7c: {  	(xrf2) =	vadd.scan.msk.f32 $0xffff, v5;
	_ =	sdelay $0x2  }
0x7d: {  	(xrf2) =	vadd.scan.msk.f32 $0xffff, v7;
	_ =	sdelay $0x2  }
0x7e: {  	(xrf2) =	vadd.scan.msk.f32 $0xffff, v6;
	_ =	sdelay $0x3  }
0x7f: {  	v8, _, _ =	vpop (xrf2)  }
0x80: {  	v5 =	vsub.f32 v8, v5;
	v9 =	vperm.xlane v8, v0;
	_ =	sdelay $0x1  }
0x81: {  	v5 =	vadd.f32 v5, v2;
	v2 =	vadd.f32 v9, v2;
	v8, _, _ =	vpop (xrf2)  }
0x82: {  	v9 =	vsub.f32 v8, v7;
	v8 =	vperm.xlane v8, v0  }
0x83: {  	[tilespmem:s7+$0x300] =	vst v5  }
0x84: {  	v5 =	vadd.f32 v9, v3;
	v3 =	vadd.f32 v8, v3;
	v7, _, _ =	vpop (xrf2)  }
0x85: {  	v6 =	vsub.f32 v7, v6;
	v7 =	vperm.xlane v7, v0  }
0x86: {  	[tilespmem:s7+$0x280] =	vst v5  }
0x87: {  	s2 =	sor.u32 s0, s2;
	v5 =	vadd.f32 v6, v4;
	v4 =	vadd.f32 v7, v4  }
0x88: {  	s6 =	sor.u32 $0x380, s2  }
0x89: {  	[tilespmem:s7+$0x200] =	vst v5  }
0x8a: {  	v5 =	vld [tilespmem:s6+$0x0];
	_ =	sdelay $0x4  }
0x8b: {  	(xrf2) =	vadd.scan.msk.f32 $0xffff, v5;
	_ =	sdelay $0x3  }
.Ltmp3:
0x8c: {  	(pc) =	sbr.rel @p0 .LBB2_5-.Ltmp3, $2  }
0x8d: {  	_ =	sdelay $0x2  }
0x8e: {  	s2 =	simm.s32 $0x0  }
0x8f: {  	_ = 	snop  }
0x90: {  	v2, _, _ =	vpop (xrf2)  }
0x91: {  	v2 =	vsub.f32 v2, v5;
	_ =	sdelay $0x1  }
0x92: {  	v1 =	vadd.f32 v2, v1  }
0x93: {  	s0 =	sand.u32 $0x70, s2;
	s26 =	sand.u32 $0x1C00, s2  }
0x94: {  	s0 =	sor.u32 s0, s26;
	[tilespmem:s6+$0x0] =	vst v1  }
0x95: {  	v1 =	vld [tilespmem:s0+$0x2180];
	_ =	sdelay $0x2  }
0x96: {  	v2 =	vld [tilespmem:s0+$0x2100];
	_ =	sdelay $0x1  }
0x97: {  	(xrf2) =	vadd.scan.msk.f32 $0xffff, v1;
	_ =	sdelay $0x2  }
0x98: {  	(xrf2) =	vadd.scan.msk.f32 $0xffff, v2;
	_ =	sdelay $0x4  }
0x99: {  	v3 =	vld [tilespmem:s0+$0x2000];
	_ =	sdelay $0x1  }
0x9a: {  	v4, _, _ =	vpop (xrf2)  }
0x9b: {  	v5 =	vsub.f32 v4, v1  }
0x9c: {  	v1 =	vimm.f32 $0.0e+00  }
0x9d: {  	s30 =	simm.s32 $0x10;
	s8 =	simm.s32 $0x80;
	v7 =	vld [tilespmem:s0+$0x2080];
	(xrf2) =	vadd.scan.msk.f32 $0xffff, v3;
	v6, _, _ =	vpop (xrf2);
	v5 =	vadd.f32 v5, v1  }
0x9e: {  	s2 =	sand.u32 $0x70, s30;
	s31 =	sand.u32 $0x1C00, s8;
	v2 =	vsub.f32 v6, v2  }
0x9f: {  	s7 =	sor.u32 s2, s31;
	[tilespmem:s0+$0x2180] =	vst v5  }
0xa0: {  	v2 =	vadd.f32 v2, v1;
	v8 =	vld [tilespmem:s7+$0x2180];
	_ =	sdelay $0x1  }
0xa1: {  	(xrf2) =	vadd.scan.msk.f32 $0xffff, v7;
	[tilespmem:s0+$0x2100] =	vst v2  }
0xa2: {  	v5 =	vld [tilespmem:s7+$0x2100];
	_ =	sdelay $0x1  }
0xa3: {  	(xrf2) =	vadd.scan.msk.f32 $0xffff, v8;
	_ =	sdelay $0x1  }
0xa4: {  	v2 =	vperm.xlane v4, v0;
	v4 =	vperm.xlane v6, v0;
	v6, _, _ =	vpop (xrf2)  }
0xa5: {  	v9 =	vsub.f32 v6, v3;
	(xrf2) =	vadd.scan.msk.f32 $0xffff, v5;
	_ =	sdelay $0x1  }
0xa6: {  	v6 =	vperm.xlane v6, v0  }
0xa7: {  	v3 =	vadd.f32 v2, v1;
	v2 =	vadd.f32 v4, v1  }
0xa8: {  	s15 =	simm.s32 $0x20;
	s6 =	smov.u32 s0;
	v10 =	vadd.f32 v9, v1;
	v4 =	vadd.f32 v6, v1;
	v6 =	vimm.f32 $0.0e+00;
	v9, _, _ =	vpop (xrf2)  }
.LBB2_7:
0xa9: {  	p0 =	sne.s32 s15, $0x3F0  }
0xaa: {  	s8 =	sadd.s32 $0x80, s8;
	v7 =	vsub.f32 v9, v7;
	s23 =	smov.u32 s15;
	s15 =	sadd.s32 $0x10, s15;
	[tilespmem:s6+$0x2000] =	vst v10  }
0xab: {  	v12 =	vperm.xlane v9, v0;
	s23 =	sand.u32 $0x70, s23;
	s30 =	sand.u32 $0x1C00, s8;
	v10 =	vld [tilespmem:s7+$0x2000];
	v11, _, _ =	vpop (xrf2)  }
0xac: {  	s23 =	sor.u32 s23, s30;
	v7 =	vadd.f32 v7, v6;
	v8 =	vsub.f32 v11, v8;
	v11 =	vperm.xlane v11, v0  }
0xad: {  	v6 =	vadd.f32 v12, v6  }
0xae: {  	v8 =	vadd.f32 v8, v3;
	v3 =	vadd.f32 v11, v3;
	v9, _, _ =	vpop (xrf2);
	[tilespmem:s6+$0x2080] =	vst v7;
	s6 =	smov.u32 s7;
	s7 =	smov.u32 s23  }
0xaf: {  	v7 =	vld [tilespmem:s6+$0x2080];
	v5 =	vsub.f32 v9, v5;
	v9 =	vperm.xlane v9, v0  }
0xb0: {  	[tilespmem:s6+$0x2180] =	vst v8  }
0xb1: {  	v5 =	vadd.f32 v5, v2;
	v2 =	vadd.f32 v9, v2  }
0xb2: {  	(xrf2) =	vadd.scan.msk.f32 $0xffff, v10  }
0xb3: {  	v8 =	vld [tilespmem:s7+$0x2180];
	[tilespmem:s6+$0x2100] =	vst v5;
	_ =	sdelay $0x1  }
0xb4: {  	v5 =	vld [tilespmem:s7+$0x2100];
	(xrf2) =	vadd.scan.msk.f32 $0xffff, v7;
	_ =	sdelay $0x2  }
0xb5: {  	(xrf2) =	vadd.scan.msk.f32 $0xffff, v8;
	_ =	sdelay $0x2  }
.Ltmp4:
0xb6: {  	(xrf2) =	vadd.scan.msk.f32 $0xffff, v5;
	(pc) =	sbr.rel @p0 .LBB2_7-.Ltmp4, $3  }
0xb7: {  	v9, _, _ =	vpop (xrf2)  }
0xb8: {  	v10 =	vsub.f32 v9, v10;
	v11 =	vperm.xlane v9, v0;
	_ =	sdelay $0x1  }
0xb9: {  	v10 =	vadd.f32 v10, v4;
	v4 =	vadd.f32 v11, v4;
	v9, _, _ =	vpop (xrf2)  }
0xba: {  	v7 =	vsub.f32 v9, v7;
	_ =	sdelay $0x1  }
0xbb: {  	v7 =	vadd.f32 v7, v6  }
0xbc: {  	[tilespmem:s6+$0x2000] =	vst v10  }
0xbd: {  	v10 =	vld [tilespmem:s7+$0x2000];
	[tilespmem:s6+$0x2080] =	vst v7  }
0xbe: {  	v7 =	vld [tilespmem:s7+$0x2080];
	_ =	sdelay $0x3  }
0xbf: {  	(xrf2) =	vadd.scan.msk.f32 $0xffff, v10  }
0xc0: {  	(xrf2) =	vadd.scan.msk.f32 $0xffff, v7;
	_ =	sdelay $0x4  }
0xc1: {  	v9 =	vperm.xlane v9, v0;
	_ =	sdelay $0x1  }
0xc2: {  	v11, _, _ =	vpop (xrf2)  }
0xc3: {  	v8 =	vsub.f32 v11, v8;
	v11, _, _ =	vpop (xrf2)  }
0xc4: {  	v6 =	vadd.f32 v9, v6;
	v5 =	vsub.f32 v11, v5;
	v9, _, _ =	vpop (xrf2)  }
0xc5: {  	v3 =	vadd.f32 v8, v3;
	v8 =	vsub.f32 v9, v10;
	v9, _, _ =	vpop (xrf2)  }
0xc6: {  	v2 =	vadd.f32 v5, v2;
	v5 =	vsub.f32 v9, v7  }
0xc7: {  	[tilespmem:s7+$0x2180] =	vst v3;
	v3 =	vadd.f32 v8, v4  }
0xc8: {  	[tilespmem:s7+$0x2100] =	vst v2;
	v2 =	vadd.f32 v5, v6  }
0xc9: {  	[tilespmem:s7+$0x2000] =	vst v3  }
0xca: {  	[tilespmem:s7+$0x2080] =	vst v2  }
0xcb: {  	v2 =	vld [tilespmem:s0+$0x2380];
	_ =	sdelay $0x2  }
0xcc: {  	v3 =	vld [tilespmem:s0+$0x2300];
	_ =	sdelay $0x1  }
0xcd: {  	(xrf2) =	vadd.scan.msk.f32 $0xffff, v2;
	_ =	sdelay $0x2  }
0xce: {  	(xrf2) =	vadd.scan.msk.f32 $0xffff, v3;
	_ =	sdelay $0x5  }
0xcf: {  	v4 =	vld [tilespmem:s0+$0x2200]  }
0xd0: {  	v8, _, _ =	vpop (xrf2)  }
0xd1: {  	v2 =	vsub.f32 v8, v2;
	_ =	sdelay $0x1  }
0xd2: {  	s7 =	simm.s32 $0x80;
	v6 =	vld [tilespmem:s0+$0x2280];
	v9, _, _ =	vpop (xrf2);
	v2 =	vadd.f32 v2, v1  }
0xd3: {  	s31 =	sand.u32 $0x1C00, s7;
	(xrf2) =	vadd.scan.msk.f32 $0xffff, v4;
	v3 =	vsub.f32 v9, v3  }
0xd4: {  	s2 =	sor.u32 s2, s31;
	[tilespmem:s0+$0x2380] =	vst v2  }
0xd5: {  	v2 =	vadd.f32 v3, v1;
	v7 =	vld [tilespmem:s2+$0x2380];
	_ =	sdelay $0x1  }
0xd6: {  	(xrf2) =	vadd.scan.msk.f32 $0xffff, v6;
	[tilespmem:s0+$0x2300] =	vst v2  }
0xd7: {  	v5 =	vld [tilespmem:s2+$0x2300];
	_ =	sdelay $0x1  }
0xd8: {  	(xrf2) =	vadd.scan.msk.f32 $0xffff, v7;
	_ =	sdelay $0x2  }
0xd9: {  	v3, _, _ =	vpop (xrf2);
	v2 =	vperm.xlane v8, v0;
	v8 =	vperm.xlane v9, v0;
	(xrf2) =	vadd.scan.msk.f32 $0xffff, v5;
	_ =	sdelay $0x1  }
0xda: {  	v4 =	vsub.f32 v3, v4;
	v10 =	vperm.xlane v3, v0  }
0xdb: {  	v3 =	vadd.f32 v2, v1;
	v2 =	vadd.f32 v8, v1  }
0xdc: {  	s6 =	simm.s32 $0x20;
	v9 =	vadd.f32 v4, v1;
	v4 =	vadd.f32 v10, v1;
	v8, _, _ =	vpop (xrf2)  }
.LBB2_9:
0xdd: {  	p0 =	sne.s32 s6, $0x3F0  }
0xde: {  	s7 =	sadd.s32 $0x80, s7;
	v6 =	vsub.f32 v8, v6;
	s8 =	smov.u32 s6;
	s6 =	sadd.s32 $0x10, s6;
	[tilespmem:s0+$0x2200] =	vst v9  }
0xdf: {  	v11 =	vperm.xlane v8, v0;
	s8 =	sand.u32 $0x70, s8;
	s15 =	sand.u32 $0x1C00, s7;
	v9 =	vld [tilespmem:s2+$0x2200];
	v10, _, _ =	vpop (xrf2)  }
0xe0: {  	s8 =	sor.u32 s8, s15;
	v6 =	vadd.f32 v6, v1;
	v7 =	vsub.f32 v10, v7;
	v10 =	vperm.xlane v10, v0  }
0xe1: {  	v1 =	vadd.f32 v11, v1  }
0xe2: {  	v7 =	vadd.f32 v7, v3;
	v3 =	vadd.f32 v10, v3;
	v8, _, _ =	vpop (xrf2);
	[tilespmem:s0+$0x2280] =	vst v6;
	s0 =	smov.u32 s2;
	s2 =	smov.u32 s8  }
0xe3: {  	v6 =	vld [tilespmem:s0+$0x2280];
	v5 =	vsub.f32 v8, v5;
	v8 =	vperm.xlane v8, v0  }
0xe4: {  	[tilespmem:s0+$0x2380] =	vst v7  }
0xe5: {  	v5 =	vadd.f32 v5, v2;
	v2 =	vadd.f32 v8, v2  }
0xe6: {  	(xrf2) =	vadd.scan.msk.f32 $0xffff, v9  }
0xe7: {  	v7 =	vld [tilespmem:s2+$0x2380];
	[tilespmem:s0+$0x2300] =	vst v5;
	_ =	sdelay $0x1  }
0xe8: {  	v5 =	vld [tilespmem:s2+$0x2300];
	(xrf2) =	vadd.scan.msk.f32 $0xffff, v6;
	_ =	sdelay $0x2  }
0xe9: {  	(xrf2) =	vadd.scan.msk.f32 $0xffff, v7;
	_ =	sdelay $0x2  }
.Ltmp5:
0xea: {  	(xrf2) =	vadd.scan.msk.f32 $0xffff, v5;
	(pc) =	sbr.rel @p0 .LBB2_9-.Ltmp5, $3  }
0xeb: {  	v8, _, _ =	vpop (xrf2)  }
0xec: {  	v9 =	vsub.f32 v8, v9;
	v10 =	vperm.xlane v8, v0;
	_ =	sdelay $0x1  }
0xed: {  	v9 =	vadd.f32 v9, v4;
	v4 =	vadd.f32 v10, v4;
	v8, _, _ =	vpop (xrf2)  }
0xee: {  	v6 =	vsub.f32 v8, v6;
	_ =	sdelay $0x1  }
0xef: {  	v6 =	vadd.f32 v6, v1  }
0xf0: {  	[tilespmem:s0+$0x2200] =	vst v9  }
0xf1: {  	v9 =	vld [tilespmem:s2+$0x2200];
	[tilespmem:s0+$0x2280] =	vst v6  }
0xf2: {  	v6 =	vld [tilespmem:s2+$0x2280];
	_ =	sdelay $0x3  }
0xf3: {  	(xrf2) =	vadd.scan.msk.f32 $0xffff, v9  }
0xf4: {  	(xrf2) =	vadd.scan.msk.f32 $0xffff, v6;
	_ =	sdelay $0x4  }
0xf5: {  	v8 =	vperm.xlane v8, v0;
	_ =	sdelay $0x1  }
0xf6: {  	v10, _, _ =	vpop (xrf2)  }
0xf7: {  	v7 =	vsub.f32 v10, v7;
	v10, _, _ =	vpop (xrf2)  }
0xf8: {  	v1 =	vadd.f32 v8, v1;
	v5 =	vsub.f32 v10, v5;
	v8, _, _ =	vpop (xrf2)  }
0xf9: {  	v3 =	vadd.f32 v7, v3;
	v7 =	vsub.f32 v8, v9;
	v8, _, _ =	vpop (xrf2)  }
0xfa: {  	v2 =	vadd.f32 v5, v2;
	v5 =	vsub.f32 v8, v6  }
0xfb: {  	[tilespmem:s2+$0x2380] =	vst v3;
	v3 =	vadd.f32 v7, v4  }
0xfc: {  	s30 =	sshll.u32 s29, $0xD;
	[tilespmem:s2+$0x2300] =	vst v2;
	v1 =	vadd.f32 v5, v1  }
0xfd: {  	p0 =	seq.s32 s29, $0x0;
	s0 =	sor.u32 s5, s30;
	[tilespmem:s2+$0x2200] =	vst v3  }
0xfe: {  	s8 =	sadd.s32 s3, s0;
	[tilespmem:s2+$0x2280] =	vst v1;
	s2 =	simm.s32 @!p0 $0x8  }
0xff: {  	[hbm4b:s8+s4] =	stream.linear.scatter [tilespmem:s4], [sflag:$0x5], $0x4000, $0x38;
	[tilespmem:$0x10000] =	vst v63  }
0x100: {  	_ =	swait.ge @!p0 [sflag:s2], $0x4000  }
0x101: {  	s31 =	sadd.s32 s9, s30;
	[sflag:s2] =	ssyncset.done @!p0 $0x0  }
0x102: {  	s6 =	simm.s32 $0x0;
	s15 =	sadd.s32 s1, s31;
	[sflag:s2] =	ssyncadd.s32 @!p0 $0xFFFFC000  }
0x103: {  	[tilespmem:s19], [sflag:$0x4] =	stream.linear.gather [hbm4b:s15+s6], $0x4000, $0x38;
	[tilespmem:$0x10000] =	vst v63  }
0x104: {  	_ =	swait.ge [sflag:s20], $0x4000  }
0x105: {  	s23 =	sand.u32 $0x70, s6;
	s6 =	sand.u32 $0x1C00, s6;
	[sflag:s20] =	ssyncset.done $0x0  }
0x106: {  	s23 =	sor.u32 s23, s6;
	[sflag:s20] =	ssyncadd.s32 $0xFFFFC000  }
0x107: {  	v1 =	vld [tilespmem:s23+$0x4180];
	_ =	sdelay $0x2  }
0x108: {  	v2 =	vld [tilespmem:s23+$0x4100];
	_ =	sdelay $0x1  }
0x109: {  	(xrf2) =	vadd.scan.msk.f32 $0xffff, v1;
	_ =	sdelay $0x2  }
0x10a: {  	(xrf2) =	vadd.scan.msk.f32 $0xffff, v2;
	_ =	sdelay $0x4  }
0x10b: {  	v3 =	vld [tilespmem:s23+$0x4000];
	_ =	sdelay $0x1  }
0x10c: {  	v4, _, _ =	vpop (xrf2)  }
0x10d: {  	v5 =	vsub.f32 v4, v1  }
0x10e: {  	v1 =	vimm.f32 $0.0e+00  }
0x10f: {  	s24 =	simm.s32 $0x10;
	s15 =	simm.s32 $0x80;
	v7 =	vld [tilespmem:s23+$0x4080];
	(xrf2) =	vadd.scan.msk.f32 $0xffff, v3;
	v6, _, _ =	vpop (xrf2);
	v5 =	vadd.f32 v5, v1  }
0x110: {  	s7 =	sand.u32 $0x70, s24;
	s26 =	sand.u32 $0x1C00, s15;
	v2 =	vsub.f32 v6, v2  }
0x111: {  	s8 =	sor.u32 s7, s26;
	[tilespmem:s23+$0x4180] =	vst v5  }
0x112: {  	v2 =	vadd.f32 v2, v1;
	v8 =	vld [tilespmem:s8+$0x4180];
	_ =	sdelay $0x1  }
0x113: {  	(xrf2) =	vadd.scan.msk.f32 $0xffff, v7;
	[tilespmem:s23+$0x4100] =	vst v2  }
0x114: {  	v5 =	vld [tilespmem:s8+$0x4100];
	_ =	sdelay $0x1  }
0x115: {  	(xrf2) =	vadd.scan.msk.f32 $0xffff, v8;
	_ =	sdelay $0x1  }
0x116: {  	v2 =	vperm.xlane v4, v0;
	v4 =	vperm.xlane v6, v0;
	v6, _, _ =	vpop (xrf2)  }
0x117: {  	v9 =	vsub.f32 v6, v3;
	(xrf2) =	vadd.scan.msk.f32 $0xffff, v5;
	_ =	sdelay $0x1  }
0x118: {  	v6 =	vperm.xlane v6, v0  }
0x119: {  	v3 =	vadd.f32 v2, v1;
	v2 =	vadd.f32 v4, v1  }
0x11a: {  	s6 =	simm.s32 $0x20;
	s2 =	smov.u32 s23;
	v10 =	vadd.f32 v9, v1;
	v4 =	vadd.f32 v6, v1;
	v6 =	vimm.f32 $0.0e+00;
	v9, _, _ =	vpop (xrf2)  }
.LBB2_11:
0x11b: {  	p0 =	sne.s32 s6, $0x3F0  }
0x11c: {  	s15 =	sadd.s32 $0x80, s15;
	v7 =	vsub.f32 v9, v7;
	s24 =	smov.u32 s6;
	s6 =	sadd.s32 $0x10, s6;
	[tilespmem:s2+$0x4000] =	vst v10  }
0x11d: {  	v12 =	vperm.xlane v9, v0;
	s24 =	sand.u32 $0x70, s24;
	s26 =	sand.u32 $0x1C00, s15;
	v10 =	vld [tilespmem:s8+$0x4000];
	v11, _, _ =	vpop (xrf2)  }
0x11e: {  	s24 =	sor.u32 s24, s26;
	v7 =	vadd.f32 v7, v6;
	v8 =	vsub.f32 v11, v8;
	v11 =	vperm.xlane v11, v0  }
0x11f: {  	v6 =	vadd.f32 v12, v6  }
0x120: {  	v8 =	vadd.f32 v8, v3;
	v3 =	vadd.f32 v11, v3;
	v9, _, _ =	vpop (xrf2);
	[tilespmem:s2+$0x4080] =	vst v7;
	s2 =	smov.u32 s8;
	s8 =	smov.u32 s24  }
0x121: {  	v7 =	vld [tilespmem:s2+$0x4080];
	v5 =	vsub.f32 v9, v5;
	v9 =	vperm.xlane v9, v0  }
0x122: {  	[tilespmem:s2+$0x4180] =	vst v8  }
0x123: {  	v5 =	vadd.f32 v5, v2;
	v2 =	vadd.f32 v9, v2  }
0x124: {  	(xrf2) =	vadd.scan.msk.f32 $0xffff, v10  }
0x125: {  	v8 =	vld [tilespmem:s8+$0x4180];
	[tilespmem:s2+$0x4100] =	vst v5;
	_ =	sdelay $0x1  }
0x126: {  	v5 =	vld [tilespmem:s8+$0x4100];
	(xrf2) =	vadd.scan.msk.f32 $0xffff, v7;
	_ =	sdelay $0x2  }
0x127: {  	(xrf2) =	vadd.scan.msk.f32 $0xffff, v8;
	_ =	sdelay $0x2  }
.Ltmp6:
0x128: {  	(xrf2) =	vadd.scan.msk.f32 $0xffff, v5;
	(pc) =	sbr.rel @p0 .LBB2_11-.Ltmp6, $3  }
0x129: {  	v9, _, _ =	vpop (xrf2)  }
0x12a: {  	v10 =	vsub.f32 v9, v10;
	v11 =	vperm.xlane v9, v0;
	_ =	sdelay $0x1  }
0x12b: {  	v10 =	vadd.f32 v10, v4;
	v4 =	vadd.f32 v11, v4;
	v9, _, _ =	vpop (xrf2)  }
0x12c: {  	v7 =	vsub.f32 v9, v7;
	_ =	sdelay $0x1  }
0x12d: {  	v7 =	vadd.f32 v7, v6  }
0x12e: {  	[tilespmem:s2+$0x4000] =	vst v10  }
0x12f: {  	v10 =	vld [tilespmem:s8+$0x4000];
	[tilespmem:s2+$0x4080] =	vst v7  }
0x130: {  	v7 =	vld [tilespmem:s8+$0x4080];
	_ =	sdelay $0x3  }
0x131: {  	(xrf2) =	vadd.scan.msk.f32 $0xffff, v10  }
0x132: {  	(xrf2) =	vadd.scan.msk.f32 $0xffff, v7;
	_ =	sdelay $0x4  }
0x133: {  	v9 =	vperm.xlane v9, v0;
	_ =	sdelay $0x1  }
0x134: {  	v11, _, _ =	vpop (xrf2)  }
0x135: {  	v8 =	vsub.f32 v11, v8;
	v11, _, _ =	vpop (xrf2)  }
0x136: {  	v6 =	vadd.f32 v9, v6;
	v5 =	vsub.f32 v11, v5;
	v9, _, _ =	vpop (xrf2)  }
0x137: {  	v3 =	vadd.f32 v8, v3;
	v8 =	vsub.f32 v9, v10;
	v9, _, _ =	vpop (xrf2)  }
0x138: {  	v2 =	vadd.f32 v5, v2;
	v5 =	vsub.f32 v9, v7  }
0x139: {  	[tilespmem:s8+$0x4180] =	vst v3;
	v3 =	vadd.f32 v8, v4  }
0x13a: {  	[tilespmem:s8+$0x4100] =	vst v2;
	v2 =	vadd.f32 v5, v6  }
0x13b: {  	[tilespmem:s8+$0x4000] =	vst v3  }
0x13c: {  	[tilespmem:s8+$0x4080] =	vst v2  }
0x13d: {  	v2 =	vld [tilespmem:s23+$0x4380];
	_ =	sdelay $0x2  }
0x13e: {  	v3 =	vld [tilespmem:s23+$0x4300];
	_ =	sdelay $0x1  }
0x13f: {  	(xrf2) =	vadd.scan.msk.f32 $0xffff, v2;
	_ =	sdelay $0x2  }
0x140: {  	(xrf2) =	vadd.scan.msk.f32 $0xffff, v3;
	_ =	sdelay $0x5  }
0x141: {  	v4 =	vld [tilespmem:s23+$0x4200]  }
0x142: {  	v8, _, _ =	vpop (xrf2)  }
0x143: {  	v2 =	vsub.f32 v8, v2;
	_ =	sdelay $0x1  }
0x144: {  	s8 =	simm.s32 $0x80;
	v6 =	vld [tilespmem:s23+$0x4280];
	v9, _, _ =	vpop (xrf2);
	v2 =	vadd.f32 v2, v1  }
0x145: {  	s26 =	sand.u32 $0x1C00, s8;
	(xrf2) =	vadd.scan.msk.f32 $0xffff, v4;
	v3 =	vsub.f32 v9, v3  }
0x146: {  	s7 =	sor.u32 s7, s26;
	[tilespmem:s23+$0x4380] =	vst v2  }
0x147: {  	v2 =	vadd.f32 v3, v1;
	v7 =	vld [tilespmem:s7+$0x4380];
	_ =	sdelay $0x1  }
0x148: {  	(xrf2) =	vadd.scan.msk.f32 $0xffff, v6;
	[tilespmem:s23+$0x4300] =	vst v2  }
0x149: {  	v5 =	vld [tilespmem:s7+$0x4300];
	_ =	sdelay $0x1  }
0x14a: {  	(xrf2) =	vadd.scan.msk.f32 $0xffff, v7;
	_ =	sdelay $0x2  }
0x14b: {  	v3, _, _ =	vpop (xrf2);
	v2 =	vperm.xlane v8, v0;
	v8 =	vperm.xlane v9, v0;
	(xrf2) =	vadd.scan.msk.f32 $0xffff, v5;
	_ =	sdelay $0x1  }
0x14c: {  	v4 =	vsub.f32 v3, v4;
	v10 =	vperm.xlane v3, v0  }
0x14d: {  	v3 =	vadd.f32 v2, v1;
	v2 =	vadd.f32 v8, v1  }
0x14e: {  	s6 =	simm.s32 $0x20;
	v9 =	vadd.f32 v4, v1;
	v4 =	vadd.f32 v10, v1;
	v8, _, _ =	vpop (xrf2)  }
.LBB2_13:
0x14f: {  	p0 =	sne.s32 s6, $0x3F0  }
0x150: {  	s8 =	sadd.s32 $0x80, s8;
	[tilespmem:s23+$0x4200] =	vst v9;
	v6 =	vsub.f32 v8, v6;
	s2 =	smov.u32 s6;
	s6 =	sadd.s32 $0x10, s6  }
0x151: {  	v11 =	vperm.xlane v8, v0;
	s2 =	sand.u32 $0x70, s2;
	s15 =	sand.u32 $0x1C00, s8;
	v9 =	vld [tilespmem:s7+$0x4200];
	v10, _, _ =	vpop (xrf2)  }
0x152: {  	s2 =	sor.u32 s2, s15;
	v7 =	vsub.f32 v10, v7;
	v10 =	vperm.xlane v10, v0;
	v6 =	vadd.f32 v6, v1  }
0x153: {  	v1 =	vadd.f32 v11, v1  }
0x154: {  	v7 =	vadd.f32 v7, v3;
	v3 =	vadd.f32 v10, v3;
	v8, _, _ =	vpop (xrf2);
	[tilespmem:s23+$0x4280] =	vst v6;
	s23 =	smov.u32 s7;
	s7 =	smov.u32 s2  }
0x155: {  	v6 =	vld [tilespmem:s23+$0x4280];
	v5 =	vsub.f32 v8, v5;
	v8 =	vperm.xlane v8, v0  }
0x156: {  	[tilespmem:s23+$0x4380] =	vst v7  }
0x157: {  	v5 =	vadd.f32 v5, v2;
	v2 =	vadd.f32 v8, v2  }
0x158: {  	(xrf2) =	vadd.scan.msk.f32 $0xffff, v9  }
0x159: {  	v7 =	vld [tilespmem:s7+$0x4380];
	[tilespmem:s23+$0x4300] =	vst v5;
	_ =	sdelay $0x1  }
0x15a: {  	v5 =	vld [tilespmem:s7+$0x4300];
	(xrf2) =	vadd.scan.msk.f32 $0xffff, v6;
	_ =	sdelay $0x2  }
0x15b: {  	(xrf2) =	vadd.scan.msk.f32 $0xffff, v7;
	_ =	sdelay $0x2  }
0x15c: {  	(xrf2) =	vadd.scan.msk.f32 $0xffff, v5  }
.Ltmp7:
0x15d: {  	v8, _, _ =	vpop (xrf2);
	(pc) =	sbr.rel @p0 .LBB2_13-.Ltmp7, $3  }
0x15e: {  	v9 =	vsub.f32 v8, v9;
	v10 =	vperm.xlane v8, v0;
	_ =	sdelay $0x1  }
0x15f: {  	v9 =	vadd.f32 v9, v4;
	v4 =	vadd.f32 v10, v4;
	v8, _, _ =	vpop (xrf2)  }
0x160: {  	s2 =	simm.s32 $0x0  }
0x161: {  	v6 =	vsub.f32 v8, v6;
	_ =	sdelay $0x1  }
0x162: {  	v6 =	vadd.f32 v6, v1  }
0x163: {  	[tilespmem:s23+$0x4200] =	vst v9  }
0x164: {  	v9 =	vld [tilespmem:s7+$0x4200];
	[tilespmem:s23+$0x4280] =	vst v6  }
0x165: {  	v6 =	vld [tilespmem:s7+$0x4280];
	_ =	sdelay $0x3  }
0x166: {  	(xrf2) =	vadd.scan.msk.f32 $0xffff, v9  }
0x167: {  	(xrf2) =	vadd.scan.msk.f32 $0xffff, v6;
	_ =	sdelay $0x4  }
0x168: {  	v8 =	vperm.xlane v8, v0;
	_ =	sdelay $0x1  }
0x169: {  	v10, _, _ =	vpop (xrf2)  }
0x16a: {  	v7 =	vsub.f32 v10, v7;
	v10, _, _ =	vpop (xrf2)  }
0x16b: {  	v1 =	vadd.f32 v8, v1;
	v5 =	vsub.f32 v10, v5;
	v8, _, _ =	vpop (xrf2)  }
0x16c: {  	v3 =	vadd.f32 v7, v3;
	v7 =	vsub.f32 v8, v9;
	v8, _, _ =	vpop (xrf2)  }
0x16d: {  	v2 =	vadd.f32 v5, v2;
	v5 =	vsub.f32 v8, v6  }
0x16e: {  	[tilespmem:s7+$0x4380] =	vst v3;
	v3 =	vadd.f32 v7, v4  }
0x16f: {  	[tilespmem:s7+$0x4300] =	vst v2;
	v1 =	vadd.f32 v5, v1  }
0x170: {  	s6 =	sand.u32 $0x70, s2;
	s23 =	sand.u32 $0x1C00, s2;
	[tilespmem:s7+$0x4200] =	vst v3  }
0x171: {  	s2 =	sor.u32 s6, s23;
	[tilespmem:s7+$0x4280] =	vst v1  }
0x172: {  	v1 =	vld [tilespmem:s2+$0x6180];
	_ =	sdelay $0x2  }
0x173: {  	v2 =	vld [tilespmem:s2+$0x6100];
	_ =	sdelay $0x1  }
0x174: {  	(xrf2) =	vadd.scan.msk.f32 $0xffff, v1;
	_ =	sdelay $0x2  }
0x175: {  	(xrf2) =	vadd.scan.msk.f32 $0xffff, v2;
	_ =	sdelay $0x4  }
0x176: {  	v3 =	vld [tilespmem:s2+$0x6000];
	_ =	sdelay $0x1  }
0x177: {  	v4, _, _ =	vpop (xrf2)  }
0x178: {  	v5 =	vsub.f32 v4, v1  }
0x179: {  	v1 =	vimm.f32 $0.0e+00  }
0x17a: {  	s24 =	simm.s32 $0x10;
	s15 =	simm.s32 $0x80;
	v7 =	vld [tilespmem:s2+$0x6080];
	(xrf2) =	vadd.scan.msk.f32 $0xffff, v3;
	v6, _, _ =	vpop (xrf2);
	v5 =	vadd.f32 v5, v1  }
0x17b: {  	s26 =	sand.u32 $0x1C00, s15;
	s7 =	sand.u32 $0x70, s24;
	v2 =	vsub.f32 v6, v2  }
0x17c: {  	s8 =	sor.u32 s7, s26;
	[tilespmem:s2+$0x6180] =	vst v5  }
0x17d: {  	v2 =	vadd.f32 v2, v1;
	v8 =	vld [tilespmem:s8+$0x6180];
	_ =	sdelay $0x1  }
0x17e: {  	(xrf2) =	vadd.scan.msk.f32 $0xffff, v7;
	[tilespmem:s2+$0x6100] =	vst v2  }
0x17f: {  	v5 =	vld [tilespmem:s8+$0x6100];
	_ =	sdelay $0x1  }
0x180: {  	(xrf2) =	vadd.scan.msk.f32 $0xffff, v8;
	_ =	sdelay $0x1  }
0x181: {  	v2 =	vperm.xlane v4, v0;
	v4 =	vperm.xlane v6, v0;
	v6, _, _ =	vpop (xrf2)  }
0x182: {  	v9 =	vsub.f32 v6, v3;
	(xrf2) =	vadd.scan.msk.f32 $0xffff, v5;
	_ =	sdelay $0x1  }
0x183: {  	v6 =	vperm.xlane v6, v0  }
0x184: {  	v3 =	vadd.f32 v2, v1;
	v2 =	vadd.f32 v4, v1  }
0x185: {  	s6 =	simm.s32 $0x20;
	s23 =	smov.u32 s2;
	v10 =	vadd.f32 v9, v1;
	v4 =	vadd.f32 v6, v1;
	v6 =	vimm.f32 $0.0e+00;
	v9, _, _ =	vpop (xrf2)  }
.LBB2_15:
0x186: {  	p0 =	sne.s32 s6, $0x3F0  }
0x187: {  	s15 =	sadd.s32 $0x80, s15;
	v7 =	vsub.f32 v9, v7;
	s24 =	smov.u32 s6;
	s6 =	sadd.s32 $0x10, s6;
	[tilespmem:s23+$0x6000] =	vst v10  }
0x188: {  	v12 =	vperm.xlane v9, v0;
	s24 =	sand.u32 $0x70, s24;
	s26 =	sand.u32 $0x1C00, s15;
	v10 =	vld [tilespmem:s8+$0x6000];
	v11, _, _ =	vpop (xrf2)  }
0x189: {  	s24 =	sor.u32 s24, s26;
	v7 =	vadd.f32 v7, v6;
	v8 =	vsub.f32 v11, v8;
	v11 =	vperm.xlane v11, v0  }
0x18a: {  	v6 =	vadd.f32 v12, v6  }
0x18b: {  	v8 =	vadd.f32 v8, v3;
	v3 =	vadd.f32 v11, v3;
	v9, _, _ =	vpop (xrf2);
	[tilespmem:s23+$0x6080] =	vst v7;
	s23 =	smov.u32 s8;
	s8 =	smov.u32 s24  }
0x18c: {  	v7 =	vld [tilespmem:s23+$0x6080];
	v5 =	vsub.f32 v9, v5;
	v9 =	vperm.xlane v9, v0  }
0x18d: {  	[tilespmem:s23+$0x6180] =	vst v8  }
0x18e: {  	v5 =	vadd.f32 v5, v2;
	v2 =	vadd.f32 v9, v2  }
0x18f: {  	(xrf2) =	vadd.scan.msk.f32 $0xffff, v10  }
0x190: {  	v8 =	vld [tilespmem:s8+$0x6180];
	[tilespmem:s23+$0x6100] =	vst v5;
	_ =	sdelay $0x1  }
0x191: {  	v5 =	vld [tilespmem:s8+$0x6100];
	(xrf2) =	vadd.scan.msk.f32 $0xffff, v7;
	_ =	sdelay $0x2  }
0x192: {  	(xrf2) =	vadd.scan.msk.f32 $0xffff, v8;
	_ =	sdelay $0x2  }
.Ltmp8:
0x193: {  	(xrf2) =	vadd.scan.msk.f32 $0xffff, v5;
	(pc) =	sbr.rel @p0 .LBB2_15-.Ltmp8, $3  }
0x194: {  	v9, _, _ =	vpop (xrf2)  }
0x195: {  	v10 =	vsub.f32 v9, v10;
	v11 =	vperm.xlane v9, v0;
	_ =	sdelay $0x1  }
0x196: {  	v10 =	vadd.f32 v10, v4;
	v4 =	vadd.f32 v11, v4;
	v9, _, _ =	vpop (xrf2)  }
0x197: {  	v7 =	vsub.f32 v9, v7;
	_ =	sdelay $0x1  }
0x198: {  	v7 =	vadd.f32 v7, v6  }
0x199: {  	[tilespmem:s23+$0x6000] =	vst v10  }
0x19a: {  	v10 =	vld [tilespmem:s8+$0x6000];
	[tilespmem:s23+$0x6080] =	vst v7  }
0x19b: {  	v7 =	vld [tilespmem:s8+$0x6080];
	_ =	sdelay $0x3  }
0x19c: {  	(xrf2) =	vadd.scan.msk.f32 $0xffff, v10  }
0x19d: {  	(xrf2) =	vadd.scan.msk.f32 $0xffff, v7;
	_ =	sdelay $0x4  }
0x19e: {  	v9 =	vperm.xlane v9, v0;
	_ =	sdelay $0x1  }
0x19f: {  	v11, _, _ =	vpop (xrf2)  }
0x1a0: {  	v8 =	vsub.f32 v11, v8;
	v11, _, _ =	vpop (xrf2)  }
0x1a1: {  	v6 =	vadd.f32 v9, v6;
	v5 =	vsub.f32 v11, v5;
	v9, _, _ =	vpop (xrf2)  }
0x1a2: {  	v3 =	vadd.f32 v8, v3;
	v8 =	vsub.f32 v9, v10;
	v9, _, _ =	vpop (xrf2)  }
0x1a3: {  	v2 =	vadd.f32 v5, v2;
	v5 =	vsub.f32 v9, v7  }
0x1a4: {  	[tilespmem:s8+$0x6180] =	vst v3;
	v3 =	vadd.f32 v8, v4  }
0x1a5: {  	[tilespmem:s8+$0x6100] =	vst v2;
	v2 =	vadd.f32 v5, v6  }
0x1a6: {  	[tilespmem:s8+$0x6000] =	vst v3  }
0x1a7: {  	[tilespmem:s8+$0x6080] =	vst v2  }
0x1a8: {  	v2 =	vld [tilespmem:s2+$0x6380];
	_ =	sdelay $0x2  }
0x1a9: {  	v3 =	vld [tilespmem:s2+$0x6300];
	_ =	sdelay $0x1  }
0x1aa: {  	(xrf2) =	vadd.scan.msk.f32 $0xffff, v2;
	_ =	sdelay $0x2  }
0x1ab: {  	(xrf2) =	vadd.scan.msk.f32 $0xffff, v3;
	_ =	sdelay $0x5  }
0x1ac: {  	v4 =	vld [tilespmem:s2+$0x6200]  }
0x1ad: {  	v8, _, _ =	vpop (xrf2)  }
0x1ae: {  	v2 =	vsub.f32 v8, v2;
	_ =	sdelay $0x1  }
0x1af: {  	s8 =	simm.s32 $0x80;
	v6 =	vld [tilespmem:s2+$0x6280];
	v9, _, _ =	vpop (xrf2);
	v2 =	vadd.f32 v2, v1  }
0x1b0: {  	s6 =	sand.u32 $0x1C00, s8;
	(xrf2) =	vadd.scan.msk.f32 $0xffff, v4;
	v3 =	vsub.f32 v9, v3  }
0x1b1: {  	s7 =	sor.u32 s7, s6;
	[tilespmem:s2+$0x6380] =	vst v2  }
0x1b2: {  	v2 =	vadd.f32 v3, v1;
	v7 =	vld [tilespmem:s7+$0x6380];
	_ =	sdelay $0x1  }
0x1b3: {  	(xrf2) =	vadd.scan.msk.f32 $0xffff, v6;
	[tilespmem:s2+$0x6300] =	vst v2  }
0x1b4: {  	v5 =	vld [tilespmem:s7+$0x6300];
	_ =	sdelay $0x1  }
0x1b5: {  	(xrf2) =	vadd.scan.msk.f32 $0xffff, v7;
	_ =	sdelay $0x2  }
0x1b6: {  	v3, _, _ =	vpop (xrf2);
	v2 =	vperm.xlane v8, v0;
	v8 =	vperm.xlane v9, v0;
	(xrf2) =	vadd.scan.msk.f32 $0xffff, v5;
	_ =	sdelay $0x1  }
0x1b7: {  	v4 =	vsub.f32 v3, v4;
	v10 =	vperm.xlane v3, v0  }
0x1b8: {  	v3 =	vadd.f32 v2, v1;
	v2 =	vadd.f32 v8, v1  }
0x1b9: {  	s6 =	simm.s32 $0x20;
	v9 =	vadd.f32 v4, v1;
	v4 =	vadd.f32 v10, v1;
	v8, _, _ =	vpop (xrf2)  }
.LBB2_17:
0x1ba: {  	p0 =	sne.s32 s6, $0x3F0  }
0x1bb: {  	s8 =	sadd.s32 $0x80, s8;
	v6 =	vsub.f32 v8, v6;
	s15 =	smov.u32 s6;
	s6 =	sadd.s32 $0x10, s6;
	[tilespmem:s2+$0x6200] =	vst v9  }
0x1bc: {  	v11 =	vperm.xlane v8, v0;
	s15 =	sand.u32 $0x70, s15;
	s23 =	sand.u32 $0x1C00, s8;
	v9 =	vld [tilespmem:s7+$0x6200];
	v10, _, _ =	vpop (xrf2)  }
0x1bd: {  	s15 =	sor.u32 s15, s23;
	v6 =	vadd.f32 v6, v1;
	v7 =	vsub.f32 v10, v7;
	v10 =	vperm.xlane v10, v0  }
0x1be: {  	v1 =	vadd.f32 v11, v1  }
0x1bf: {  	v7 =	vadd.f32 v7, v3;
	v3 =	vadd.f32 v10, v3;
	v8, _, _ =	vpop (xrf2);
	[tilespmem:s2+$0x6280] =	vst v6;
	s2 =	smov.u32 s7;
	s7 =	smov.u32 s15  }
0x1c0: {  	v6 =	vld [tilespmem:s2+$0x6280];
	v5 =	vsub.f32 v8, v5;
	v8 =	vperm.xlane v8, v0  }
0x1c1: {  	[tilespmem:s2+$0x6380] =	vst v7  }
0x1c2: {  	v5 =	vadd.f32 v5, v2;
	v2 =	vadd.f32 v8, v2  }
0x1c3: {  	(xrf2) =	vadd.scan.msk.f32 $0xffff, v9  }
0x1c4: {  	v7 =	vld [tilespmem:s7+$0x6380];
	[tilespmem:s2+$0x6300] =	vst v5;
	_ =	sdelay $0x1  }
0x1c5: {  	v5 =	vld [tilespmem:s7+$0x6300];
	(xrf2) =	vadd.scan.msk.f32 $0xffff, v6;
	_ =	sdelay $0x2  }
0x1c6: {  	(xrf2) =	vadd.scan.msk.f32 $0xffff, v7;
	_ =	sdelay $0x2  }
.Ltmp9:
0x1c7: {  	(xrf2) =	vadd.scan.msk.f32 $0xffff, v5;
	(pc) =	sbr.rel @p0 .LBB2_17-.Ltmp9, $3  }
0x1c8: {  	v8, _, _ =	vpop (xrf2)  }
0x1c9: {  	v9 =	vsub.f32 v8, v9;
	v10 =	vperm.xlane v8, v0;
	_ =	sdelay $0x1  }
0x1ca: {  	v9 =	vadd.f32 v9, v4;
	v4 =	vadd.f32 v10, v4;
	v8, _, _ =	vpop (xrf2)  }
0x1cb: {  	v6 =	vsub.f32 v8, v6;
	_ =	sdelay $0x1  }
0x1cc: {  	v6 =	vadd.f32 v6, v1  }
0x1cd: {  	[tilespmem:s2+$0x6200] =	vst v9  }
0x1ce: {  	v9 =	vld [tilespmem:s7+$0x6200];
	[tilespmem:s2+$0x6280] =	vst v6  }
0x1cf: {  	v6 =	vld [tilespmem:s7+$0x6280];
	_ =	sdelay $0x3  }
0x1d0: {  	(xrf2) =	vadd.scan.msk.f32 $0xffff, v9  }
0x1d1: {  	(xrf2) =	vadd.scan.msk.f32 $0xffff, v6;
	_ =	sdelay $0x4  }
0x1d2: {  	v8 =	vperm.xlane v8, v0;
	_ =	sdelay $0x1  }
0x1d3: {  	v10, _, _ =	vpop (xrf2)  }
0x1d4: {  	v7 =	vsub.f32 v10, v7;
	v10, _, _ =	vpop (xrf2)  }
0x1d5: {  	v1 =	vadd.f32 v8, v1;
	v5 =	vsub.f32 v10, v5;
	v8, _, _ =	vpop (xrf2)  }
0x1d6: {  	v3 =	vadd.f32 v7, v3;
	v7 =	vsub.f32 v8, v9;
	v8, _, _ =	vpop (xrf2)  }
0x1d7: {  	v2 =	vadd.f32 v5, v2;
	v5 =	vsub.f32 v8, v6  }
0x1d8: {  	[tilespmem:s7+$0x6380] =	vst v3;
	v3 =	vadd.f32 v7, v4  }
0x1d9: {  	[tilespmem:s7+$0x6300] =	vst v2;
	v1 =	vadd.f32 v5, v1  }
0x1da: {  	p0 =	seq.s32 s29, $0x7;
	[tilespmem:s7+$0x6200] =	vst v3  }
0x1db: {  	s8 =	sadd.s32 s0, s10;
	s2 =	simm.s32 @!p0 $0x5;
	[tilespmem:s7+$0x6280] =	vst v1  }
0x1dc: {  	[hbm4b:s8+s4] =	stream.linear.scatter [tilespmem:s16], [sflag:$0x6], $0x4000, $0x38;
	[tilespmem:$0x10000] =	vst v63  }
0x1dd: {  	_ =	swait.ge @!p0 [sflag:s2], $0x4000  }
0x1de: {  	[sflag:s2] =	ssyncset.done @!p0 $0x0  }
0x1df: {  	s6 =	simm.s32 @!p0 $0x0;
	[sflag:s2] =	ssyncadd.s32 @!p0 $0xFFFFC000;
	s2 =	sadd.s32 @!p0 s30, s11  }
0x1e0: {  	[tilespmem:s6], [sflag:$0x1] =	stream.linear.gather @!p0 [hbm4b:s2+s6], $0x4000, $0x38;
	[tilespmem:$0x10000] =	vst v63  }
0x1e1: {  	s15 =	simm.s32 $0x0;
	_ =	swait.ge [sflag:s21], $0x4000  }
0x1e2: {  	s23 =	sand.u32 $0x70, s15;
	s2 =	sand.u32 $0x1C00, s15;
	[sflag:s21] =	ssyncset.done $0x0  }
0x1e3: {  	s2 =	sor.u32 s23, s2;
	[sflag:s21] =	ssyncadd.s32 $0xFFFFC000  }
0x1e4: {  	v1 =	vld [tilespmem:s2+$0x8180];
	_ =	sdelay $0x2  }
0x1e5: {  	v2 =	vld [tilespmem:s2+$0x8100];
	_ =	sdelay $0x1  }
0x1e6: {  	(xrf2) =	vadd.scan.msk.f32 $0xffff, v1;
	_ =	sdelay $0x2  }
0x1e7: {  	(xrf2) =	vadd.scan.msk.f32 $0xffff, v2;
	_ =	sdelay $0x4  }
0x1e8: {  	v3 =	vld [tilespmem:s2+$0x8000];
	_ =	sdelay $0x1  }
0x1e9: {  	v4, _, _ =	vpop (xrf2)  }
0x1ea: {  	v5 =	vsub.f32 v4, v1  }
0x1eb: {  	v1 =	vimm.f32 $0.0e+00  }
0x1ec: {  	s24 =	simm.s32 $0x10;
	s15 =	simm.s32 $0x80;
	v7 =	vld [tilespmem:s2+$0x8080];
	(xrf2) =	vadd.scan.msk.f32 $0xffff, v3;
	v6, _, _ =	vpop (xrf2);
	v5 =	vadd.f32 v5, v1  }
0x1ed: {  	s7 =	sand.u32 $0x70, s24;
	s26 =	sand.u32 $0x1C00, s15;
	v2 =	vsub.f32 v6, v2  }
0x1ee: {  	s8 =	sor.u32 s7, s26;
	[tilespmem:s2+$0x8180] =	vst v5  }
0x1ef: {  	v2 =	vadd.f32 v2, v1;
	v8 =	vld [tilespmem:s8+$0x8180];
	_ =	sdelay $0x1  }
0x1f0: {  	(xrf2) =	vadd.scan.msk.f32 $0xffff, v7;
	[tilespmem:s2+$0x8100] =	vst v2  }
0x1f1: {  	v5 =	vld [tilespmem:s8+$0x8100];
	_ =	sdelay $0x1  }
0x1f2: {  	(xrf2) =	vadd.scan.msk.f32 $0xffff, v8;
	_ =	sdelay $0x1  }
0x1f3: {  	v2 =	vperm.xlane v4, v0;
	v4 =	vperm.xlane v6, v0;
	v6, _, _ =	vpop (xrf2)  }
0x1f4: {  	v9 =	vsub.f32 v6, v3;
	(xrf2) =	vadd.scan.msk.f32 $0xffff, v5;
	_ =	sdelay $0x1  }
0x1f5: {  	v6 =	vperm.xlane v6, v0  }
0x1f6: {  	v3 =	vadd.f32 v2, v1;
	v2 =	vadd.f32 v4, v1  }
0x1f7: {  	s6 =	simm.s32 $0x20;
	s23 =	smov.u32 s2;
	v10 =	vadd.f32 v9, v1;
	v4 =	vadd.f32 v6, v1;
	v6 =	vimm.f32 $0.0e+00;
	v9, _, _ =	vpop (xrf2)  }
.LBB2_19:
0x1f8: {  	p1 =	sne.s32 s6, $0x3F0  }
0x1f9: {  	s15 =	sadd.s32 $0x80, s15;
	v7 =	vsub.f32 v9, v7;
	s24 =	smov.u32 s6;
	s6 =	sadd.s32 $0x10, s6;
	[tilespmem:s23+$0x8000] =	vst v10  }
0x1fa: {  	v12 =	vperm.xlane v9, v0;
	s24 =	sand.u32 $0x70, s24;
	s26 =	sand.u32 $0x1C00, s15;
	v10 =	vld [tilespmem:s8+$0x8000];
	v11, _, _ =	vpop (xrf2)  }
0x1fb: {  	s24 =	sor.u32 s24, s26;
	v7 =	vadd.f32 v7, v6;
	v8 =	vsub.f32 v11, v8;
	v11 =	vperm.xlane v11, v0  }
0x1fc: {  	v6 =	vadd.f32 v12, v6  }
0x1fd: {  	v8 =	vadd.f32 v8, v3;
	v3 =	vadd.f32 v11, v3;
	v9, _, _ =	vpop (xrf2);
	[tilespmem:s23+$0x8080] =	vst v7;
	s23 =	smov.u32 s8;
	s8 =	smov.u32 s24  }
0x1fe: {  	v7 =	vld [tilespmem:s23+$0x8080];
	v5 =	vsub.f32 v9, v5;
	v9 =	vperm.xlane v9, v0  }
0x1ff: {  	[tilespmem:s23+$0x8180] =	vst v8  }
0x200: {  	v5 =	vadd.f32 v5, v2;
	v2 =	vadd.f32 v9, v2  }
0x201: {  	(xrf2) =	vadd.scan.msk.f32 $0xffff, v10  }
0x202: {  	v8 =	vld [tilespmem:s8+$0x8180];
	[tilespmem:s23+$0x8100] =	vst v5;
	_ =	sdelay $0x1  }
0x203: {  	v5 =	vld [tilespmem:s8+$0x8100];
	(xrf2) =	vadd.scan.msk.f32 $0xffff, v7;
	_ =	sdelay $0x2  }
0x204: {  	(xrf2) =	vadd.scan.msk.f32 $0xffff, v8;
	_ =	sdelay $0x2  }
.Ltmp10:
0x205: {  	(xrf2) =	vadd.scan.msk.f32 $0xffff, v5;
	(pc) =	sbr.rel @p1 .LBB2_19-.Ltmp10, $3  }
0x206: {  	v9, _, _ =	vpop (xrf2)  }
0x207: {  	v10 =	vsub.f32 v9, v10;
	v11 =	vperm.xlane v9, v0;
	_ =	sdelay $0x1  }
0x208: {  	v10 =	vadd.f32 v10, v4;
	v4 =	vadd.f32 v11, v4;
	v9, _, _ =	vpop (xrf2)  }
0x209: {  	v7 =	vsub.f32 v9, v7;
	_ =	sdelay $0x1  }
0x20a: {  	v7 =	vadd.f32 v7, v6  }
0x20b: {  	[tilespmem:s23+$0x8000] =	vst v10  }
0x20c: {  	v10 =	vld [tilespmem:s8+$0x8000];
	[tilespmem:s23+$0x8080] =	vst v7  }
0x20d: {  	v7 =	vld [tilespmem:s8+$0x8080];
	_ =	sdelay $0x3  }
0x20e: {  	(xrf2) =	vadd.scan.msk.f32 $0xffff, v10  }
0x20f: {  	(xrf2) =	vadd.scan.msk.f32 $0xffff, v7;
	_ =	sdelay $0x4  }
0x210: {  	v9 =	vperm.xlane v9, v0;
	_ =	sdelay $0x1  }
0x211: {  	v11, _, _ =	vpop (xrf2)  }
0x212: {  	v8 =	vsub.f32 v11, v8;
	v11, _, _ =	vpop (xrf2)  }
0x213: {  	v6 =	vadd.f32 v9, v6;
	v5 =	vsub.f32 v11, v5;
	v9, _, _ =	vpop (xrf2)  }
0x214: {  	v3 =	vadd.f32 v8, v3;
	v8 =	vsub.f32 v9, v10;
	v9, _, _ =	vpop (xrf2)  }
0x215: {  	v2 =	vadd.f32 v5, v2;
	v5 =	vsub.f32 v9, v7  }
0x216: {  	[tilespmem:s8+$0x8180] =	vst v3;
	v3 =	vadd.f32 v8, v4  }
0x217: {  	[tilespmem:s8+$0x8100] =	vst v2;
	v2 =	vadd.f32 v5, v6  }
0x218: {  	[tilespmem:s8+$0x8000] =	vst v3  }
0x219: {  	[tilespmem:s8+$0x8080] =	vst v2  }
0x21a: {  	v2 =	vld [tilespmem:s2+$0x8380];
	_ =	sdelay $0x2  }
0x21b: {  	v3 =	vld [tilespmem:s2+$0x8300];
	_ =	sdelay $0x1  }
0x21c: {  	(xrf2) =	vadd.scan.msk.f32 $0xffff, v2;
	_ =	sdelay $0x2  }
0x21d: {  	(xrf2) =	vadd.scan.msk.f32 $0xffff, v3;
	_ =	sdelay $0x5  }
0x21e: {  	v4 =	vld [tilespmem:s2+$0x8200]  }
0x21f: {  	v8, _, _ =	vpop (xrf2)  }
0x220: {  	v2 =	vsub.f32 v8, v2;
	_ =	sdelay $0x1  }
0x221: {  	s8 =	simm.s32 $0x80;
	v6 =	vld [tilespmem:s2+$0x8280];
	v9, _, _ =	vpop (xrf2);
	v2 =	vadd.f32 v2, v1  }
0x222: {  	s6 =	sand.u32 $0x1C00, s8;
	(xrf2) =	vadd.scan.msk.f32 $0xffff, v4;
	v3 =	vsub.f32 v9, v3  }
0x223: {  	s7 =	sor.u32 s7, s6;
	[tilespmem:s2+$0x8380] =	vst v2  }
0x224: {  	v2 =	vadd.f32 v3, v1;
	v7 =	vld [tilespmem:s7+$0x8380];
	_ =	sdelay $0x1  }
0x225: {  	(xrf2) =	vadd.scan.msk.f32 $0xffff, v6;
	[tilespmem:s2+$0x8300] =	vst v2  }
0x226: {  	v5 =	vld [tilespmem:s7+$0x8300];
	_ =	sdelay $0x1  }
0x227: {  	(xrf2) =	vadd.scan.msk.f32 $0xffff, v7;
	_ =	sdelay $0x2  }
0x228: {  	v3, _, _ =	vpop (xrf2);
	v2 =	vperm.xlane v8, v0;
	v8 =	vperm.xlane v9, v0;
	(xrf2) =	vadd.scan.msk.f32 $0xffff, v5;
	_ =	sdelay $0x1  }
0x229: {  	v4 =	vsub.f32 v3, v4;
	v10 =	vperm.xlane v3, v0  }
0x22a: {  	v3 =	vadd.f32 v2, v1;
	v2 =	vadd.f32 v8, v1  }
0x22b: {  	s6 =	simm.s32 $0x20;
	v9 =	vadd.f32 v4, v1;
	v4 =	vadd.f32 v10, v1;
	v8, _, _ =	vpop (xrf2)  }
.LBB2_21:
0x22c: {  	p1 =	sne.s32 s6, $0x3F0  }
0x22d: {  	s8 =	sadd.s32 $0x80, s8;
	[tilespmem:s2+$0x8200] =	vst v9;
	v6 =	vsub.f32 v8, v6;
	s15 =	smov.u32 s6;
	s6 =	sadd.s32 $0x10, s6  }
0x22e: {  	v11 =	vperm.xlane v8, v0;
	s15 =	sand.u32 $0x70, s15;
	s23 =	sand.u32 $0x1C00, s8;
	v9 =	vld [tilespmem:s7+$0x8200];
	v10, _, _ =	vpop (xrf2)  }
0x22f: {  	s15 =	sor.u32 s15, s23;
	v7 =	vsub.f32 v10, v7;
	v10 =	vperm.xlane v10, v0;
	v6 =	vadd.f32 v6, v1  }
0x230: {  	v1 =	vadd.f32 v11, v1  }
0x231: {  	v7 =	vadd.f32 v7, v3;
	v3 =	vadd.f32 v10, v3;
	v8, _, _ =	vpop (xrf2);
	[tilespmem:s2+$0x8280] =	vst v6;
	s2 =	smov.u32 s7;
	s7 =	smov.u32 s15  }
0x232: {  	v6 =	vld [tilespmem:s2+$0x8280];
	v5 =	vsub.f32 v8, v5;
	v8 =	vperm.xlane v8, v0  }
0x233: {  	[tilespmem:s2+$0x8380] =	vst v7  }
0x234: {  	v5 =	vadd.f32 v5, v2;
	v2 =	vadd.f32 v8, v2  }
0x235: {  	(xrf2) =	vadd.scan.msk.f32 $0xffff, v9  }
0x236: {  	v7 =	vld [tilespmem:s7+$0x8380];
	[tilespmem:s2+$0x8300] =	vst v5;
	_ =	sdelay $0x1  }
0x237: {  	v5 =	vld [tilespmem:s7+$0x8300];
	(xrf2) =	vadd.scan.msk.f32 $0xffff, v6;
	_ =	sdelay $0x2  }
0x238: {  	(xrf2) =	vadd.scan.msk.f32 $0xffff, v7;
	_ =	sdelay $0x2  }
0x239: {  	(xrf2) =	vadd.scan.msk.f32 $0xffff, v5  }
.Ltmp11:
0x23a: {  	v8, _, _ =	vpop (xrf2);
	(pc) =	sbr.rel @p1 .LBB2_21-.Ltmp11, $3  }
0x23b: {  	v9 =	vsub.f32 v8, v9;
	v10 =	vperm.xlane v8, v0;
	_ =	sdelay $0x1  }
0x23c: {  	v9 =	vadd.f32 v9, v4;
	v4 =	vadd.f32 v10, v4;
	v8, _, _ =	vpop (xrf2)  }
0x23d: {  	s15 =	simm.s32 $0x0  }
0x23e: {  	v6 =	vsub.f32 v8, v6;
	_ =	sdelay $0x1  }
0x23f: {  	v6 =	vadd.f32 v6, v1  }
0x240: {  	[tilespmem:s2+$0x8200] =	vst v9  }
0x241: {  	v9 =	vld [tilespmem:s7+$0x8200];
	[tilespmem:s2+$0x8280] =	vst v6  }
0x242: {  	v6 =	vld [tilespmem:s7+$0x8280];
	_ =	sdelay $0x3  }
0x243: {  	(xrf2) =	vadd.scan.msk.f32 $0xffff, v9  }
0x244: {  	(xrf2) =	vadd.scan.msk.f32 $0xffff, v6;
	_ =	sdelay $0x4  }
0x245: {  	v8 =	vperm.xlane v8, v0;
	_ =	sdelay $0x1  }
0x246: {  	v10, _, _ =	vpop (xrf2)  }
0x247: {  	v7 =	vsub.f32 v10, v7;
	v10, _, _ =	vpop (xrf2)  }
0x248: {  	v1 =	vadd.f32 v8, v1;
	v5 =	vsub.f32 v10, v5;
	v8, _, _ =	vpop (xrf2)  }
0x249: {  	v3 =	vadd.f32 v7, v3;
	v7 =	vsub.f32 v8, v9;
	v8, _, _ =	vpop (xrf2)  }
0x24a: {  	v2 =	vadd.f32 v5, v2;
	v5 =	vsub.f32 v8, v6  }
0x24b: {  	[tilespmem:s7+$0x8380] =	vst v3;
	v3 =	vadd.f32 v7, v4  }
0x24c: {  	[tilespmem:s7+$0x8300] =	vst v2;
	v1 =	vadd.f32 v5, v1  }
0x24d: {  	s23 =	sand.u32 $0x70, s15;
	s6 =	sand.u32 $0x1C00, s15;
	[tilespmem:s7+$0x8200] =	vst v3  }
0x24e: {  	s2 =	sor.u32 s23, s6;
	[tilespmem:s7+$0x8280] =	vst v1  }
0x24f: {  	v1 =	vld [tilespmem:s2+$0xA180];
	_ =	sdelay $0x2  }
0x250: {  	v2 =	vld [tilespmem:s2+$0xA100];
	_ =	sdelay $0x1  }
0x251: {  	(xrf2) =	vadd.scan.msk.f32 $0xffff, v1;
	_ =	sdelay $0x2  }
0x252: {  	(xrf2) =	vadd.scan.msk.f32 $0xffff, v2;
	_ =	sdelay $0x4  }
0x253: {  	v3 =	vld [tilespmem:s2+$0xA000];
	_ =	sdelay $0x1  }
0x254: {  	v4, _, _ =	vpop (xrf2)  }
0x255: {  	v5 =	vsub.f32 v4, v1  }
0x256: {  	v1 =	vimm.f32 $0.0e+00  }
0x257: {  	s24 =	simm.s32 $0x10;
	s15 =	simm.s32 $0x80;
	v7 =	vld [tilespmem:s2+$0xA080];
	(xrf2) =	vadd.scan.msk.f32 $0xffff, v3;
	v6, _, _ =	vpop (xrf2);
	v5 =	vadd.f32 v5, v1  }
0x258: {  	s26 =	sand.u32 $0x1C00, s15;
	s7 =	sand.u32 $0x70, s24;
	v2 =	vsub.f32 v6, v2  }
0x259: {  	s8 =	sor.u32 s7, s26;
	[tilespmem:s2+$0xA180] =	vst v5  }
0x25a: {  	v2 =	vadd.f32 v2, v1;
	v8 =	vld [tilespmem:s8+$0xA180];
	_ =	sdelay $0x1  }
0x25b: {  	(xrf2) =	vadd.scan.msk.f32 $0xffff, v7;
	[tilespmem:s2+$0xA100] =	vst v2  }
0x25c: {  	v5 =	vld [tilespmem:s8+$0xA100];
	_ =	sdelay $0x1  }
0x25d: {  	(xrf2) =	vadd.scan.msk.f32 $0xffff, v8;
	_ =	sdelay $0x1  }
0x25e: {  	v2 =	vperm.xlane v4, v0;
	v4 =	vperm.xlane v6, v0;
	v6, _, _ =	vpop (xrf2)  }
0x25f: {  	v9 =	vsub.f32 v6, v3;
	(xrf2) =	vadd.scan.msk.f32 $0xffff, v5;
	_ =	sdelay $0x1  }
0x260: {  	v6 =	vperm.xlane v6, v0  }
0x261: {  	v3 =	vadd.f32 v2, v1;
	v2 =	vadd.f32 v4, v1  }
0x262: {  	s6 =	simm.s32 $0x20;
	s23 =	smov.u32 s2;
	v10 =	vadd.f32 v9, v1;
	v4 =	vadd.f32 v6, v1;
	v6 =	vimm.f32 $0.0e+00;
	v9, _, _ =	vpop (xrf2)  }
.LBB2_23:
0x263: {  	p1 =	sne.s32 s6, $0x3F0  }
0x264: {  	s15 =	sadd.s32 $0x80, s15;
	v7 =	vsub.f32 v9, v7;
	s24 =	smov.u32 s6;
	s6 =	sadd.s32 $0x10, s6;
	[tilespmem:s23+$0xA000] =	vst v10  }
0x265: {  	v12 =	vperm.xlane v9, v0;
	s24 =	sand.u32 $0x70, s24;
	s26 =	sand.u32 $0x1C00, s15;
	v10 =	vld [tilespmem:s8+$0xA000];
	v11, _, _ =	vpop (xrf2)  }
0x266: {  	s24 =	sor.u32 s24, s26;
	v7 =	vadd.f32 v7, v6;
	v8 =	vsub.f32 v11, v8;
	v11 =	vperm.xlane v11, v0  }
0x267: {  	v6 =	vadd.f32 v12, v6  }
0x268: {  	v8 =	vadd.f32 v8, v3;
	v3 =	vadd.f32 v11, v3;
	v9, _, _ =	vpop (xrf2);
	[tilespmem:s23+$0xA080] =	vst v7;
	s23 =	smov.u32 s8;
	s8 =	smov.u32 s24  }
0x269: {  	v7 =	vld [tilespmem:s23+$0xA080];
	v5 =	vsub.f32 v9, v5;
	v9 =	vperm.xlane v9, v0  }
0x26a: {  	[tilespmem:s23+$0xA180] =	vst v8  }
0x26b: {  	v5 =	vadd.f32 v5, v2;
	v2 =	vadd.f32 v9, v2  }
0x26c: {  	(xrf2) =	vadd.scan.msk.f32 $0xffff, v10  }
0x26d: {  	v8 =	vld [tilespmem:s8+$0xA180];
	[tilespmem:s23+$0xA100] =	vst v5;
	_ =	sdelay $0x1  }
0x26e: {  	v5 =	vld [tilespmem:s8+$0xA100];
	(xrf2) =	vadd.scan.msk.f32 $0xffff, v7;
	_ =	sdelay $0x2  }
0x26f: {  	(xrf2) =	vadd.scan.msk.f32 $0xffff, v8;
	_ =	sdelay $0x2  }
.Ltmp12:
0x270: {  	(xrf2) =	vadd.scan.msk.f32 $0xffff, v5;
	(pc) =	sbr.rel @p1 .LBB2_23-.Ltmp12, $3  }
0x271: {  	v9, _, _ =	vpop (xrf2)  }
0x272: {  	v10 =	vsub.f32 v9, v10;
	v11 =	vperm.xlane v9, v0;
	_ =	sdelay $0x1  }
0x273: {  	v10 =	vadd.f32 v10, v4;
	v4 =	vadd.f32 v11, v4;
	v9, _, _ =	vpop (xrf2)  }
0x274: {  	v7 =	vsub.f32 v9, v7;
	_ =	sdelay $0x1  }
0x275: {  	v7 =	vadd.f32 v7, v6  }
0x276: {  	[tilespmem:s23+$0xA000] =	vst v10  }
0x277: {  	v10 =	vld [tilespmem:s8+$0xA000];
	[tilespmem:s23+$0xA080] =	vst v7  }
0x278: {  	v7 =	vld [tilespmem:s8+$0xA080];
	_ =	sdelay $0x3  }
0x279: {  	(xrf2) =	vadd.scan.msk.f32 $0xffff, v10  }
0x27a: {  	(xrf2) =	vadd.scan.msk.f32 $0xffff, v7;
	_ =	sdelay $0x4  }
0x27b: {  	v9 =	vperm.xlane v9, v0;
	_ =	sdelay $0x1  }
0x27c: {  	v11, _, _ =	vpop (xrf2)  }
0x27d: {  	v8 =	vsub.f32 v11, v8;
	v11, _, _ =	vpop (xrf2)  }
0x27e: {  	v6 =	vadd.f32 v9, v6;
	v5 =	vsub.f32 v11, v5;
	v9, _, _ =	vpop (xrf2)  }
0x27f: {  	v3 =	vadd.f32 v8, v3;
	v8 =	vsub.f32 v9, v10;
	v9, _, _ =	vpop (xrf2)  }
0x280: {  	v2 =	vadd.f32 v5, v2;
	v5 =	vsub.f32 v9, v7  }
0x281: {  	[tilespmem:s8+$0xA180] =	vst v3;
	v3 =	vadd.f32 v8, v4  }
0x282: {  	[tilespmem:s8+$0xA100] =	vst v2;
	v2 =	vadd.f32 v5, v6  }
0x283: {  	[tilespmem:s8+$0xA000] =	vst v3  }
0x284: {  	[tilespmem:s8+$0xA080] =	vst v2  }
0x285: {  	v2 =	vld [tilespmem:s2+$0xA380];
	_ =	sdelay $0x2  }
0x286: {  	v3 =	vld [tilespmem:s2+$0xA300];
	_ =	sdelay $0x1  }
0x287: {  	(xrf2) =	vadd.scan.msk.f32 $0xffff, v2;
	_ =	sdelay $0x2  }
0x288: {  	(xrf2) =	vadd.scan.msk.f32 $0xffff, v3;
	_ =	sdelay $0x5  }
0x289: {  	v4 =	vld [tilespmem:s2+$0xA200]  }
0x28a: {  	v8, _, _ =	vpop (xrf2)  }
0x28b: {  	v2 =	vsub.f32 v8, v2;
	_ =	sdelay $0x1  }
0x28c: {  	s8 =	simm.s32 $0x80;
	v6 =	vld [tilespmem:s2+$0xA280];
	v9, _, _ =	vpop (xrf2);
	v2 =	vadd.f32 v2, v1  }
0x28d: {  	s6 =	sand.u32 $0x1C00, s8;
	(xrf2) =	vadd.scan.msk.f32 $0xffff, v4;
	v3 =	vsub.f32 v9, v3  }
0x28e: {  	s7 =	sor.u32 s7, s6;
	[tilespmem:s2+$0xA380] =	vst v2  }
0x28f: {  	v2 =	vadd.f32 v3, v1;
	v7 =	vld [tilespmem:s7+$0xA380];
	_ =	sdelay $0x1  }
0x290: {  	(xrf2) =	vadd.scan.msk.f32 $0xffff, v6;
	[tilespmem:s2+$0xA300] =	vst v2  }
0x291: {  	v5 =	vld [tilespmem:s7+$0xA300];
	_ =	sdelay $0x1  }
0x292: {  	(xrf2) =	vadd.scan.msk.f32 $0xffff, v7;
	_ =	sdelay $0x2  }
0x293: {  	v3, _, _ =	vpop (xrf2);
	v2 =	vperm.xlane v8, v0;
	v8 =	vperm.xlane v9, v0;
	(xrf2) =	vadd.scan.msk.f32 $0xffff, v5;
	_ =	sdelay $0x1  }
0x294: {  	v4 =	vsub.f32 v3, v4;
	v10 =	vperm.xlane v3, v0  }
0x295: {  	v3 =	vadd.f32 v2, v1;
	v2 =	vadd.f32 v8, v1  }
0x296: {  	s6 =	simm.s32 $0x20;
	v9 =	vadd.f32 v4, v1;
	v4 =	vadd.f32 v10, v1;
	v8, _, _ =	vpop (xrf2)  }
.LBB2_25:
0x297: {  	p1 =	sne.s32 s6, $0x3F0  }
0x298: {  	s8 =	sadd.s32 $0x80, s8;
	v6 =	vsub.f32 v8, v6;
	s15 =	smov.u32 s6;
	s6 =	sadd.s32 $0x10, s6;
	[tilespmem:s2+$0xA200] =	vst v9  }
0x299: {  	v11 =	vperm.xlane v8, v0;
	s15 =	sand.u32 $0x70, s15;
	s23 =	sand.u32 $0x1C00, s8;
	v9 =	vld [tilespmem:s7+$0xA200];
	v10, _, _ =	vpop (xrf2)  }
0x29a: {  	s15 =	sor.u32 s15, s23;
	v6 =	vadd.f32 v6, v1;
	v7 =	vsub.f32 v10, v7;
	v10 =	vperm.xlane v10, v0  }
0x29b: {  	v1 =	vadd.f32 v11, v1  }
0x29c: {  	v7 =	vadd.f32 v7, v3;
	v3 =	vadd.f32 v10, v3;
	v8, _, _ =	vpop (xrf2);
	[tilespmem:s2+$0xA280] =	vst v6;
	s2 =	smov.u32 s7;
	s7 =	smov.u32 s15  }
0x29d: {  	v6 =	vld [tilespmem:s2+$0xA280];
	v5 =	vsub.f32 v8, v5;
	v8 =	vperm.xlane v8, v0  }
0x29e: {  	[tilespmem:s2+$0xA380] =	vst v7  }
0x29f: {  	v5 =	vadd.f32 v5, v2;
	v2 =	vadd.f32 v8, v2  }
0x2a0: {  	(xrf2) =	vadd.scan.msk.f32 $0xffff, v9  }
0x2a1: {  	v7 =	vld [tilespmem:s7+$0xA380];
	[tilespmem:s2+$0xA300] =	vst v5;
	_ =	sdelay $0x1  }
0x2a2: {  	v5 =	vld [tilespmem:s7+$0xA300];
	(xrf2) =	vadd.scan.msk.f32 $0xffff, v6;
	_ =	sdelay $0x2  }
0x2a3: {  	(xrf2) =	vadd.scan.msk.f32 $0xffff, v7;
	_ =	sdelay $0x2  }
.Ltmp13:
0x2a4: {  	(xrf2) =	vadd.scan.msk.f32 $0xffff, v5;
	(pc) =	sbr.rel @p1 .LBB2_25-.Ltmp13, $3  }
0x2a5: {  	v8, _, _ =	vpop (xrf2)  }
0x2a6: {  	v9 =	vsub.f32 v8, v9;
	v10 =	vperm.xlane v8, v0;
	_ =	sdelay $0x1  }
0x2a7: {  	v9 =	vadd.f32 v9, v4;
	v4 =	vadd.f32 v10, v4;
	v8, _, _ =	vpop (xrf2)  }
0x2a8: {  	v6 =	vsub.f32 v8, v6;
	_ =	sdelay $0x1  }
0x2a9: {  	v6 =	vadd.f32 v6, v1  }
0x2aa: {  	[tilespmem:s2+$0xA200] =	vst v9  }
0x2ab: {  	v9 =	vld [tilespmem:s7+$0xA200];
	[tilespmem:s2+$0xA280] =	vst v6  }
0x2ac: {  	v6 =	vld [tilespmem:s7+$0xA280];
	_ =	sdelay $0x3  }
0x2ad: {  	(xrf2) =	vadd.scan.msk.f32 $0xffff, v9  }
0x2ae: {  	(xrf2) =	vadd.scan.msk.f32 $0xffff, v6;
	_ =	sdelay $0x4  }
0x2af: {  	v8 =	vperm.xlane v8, v0;
	_ =	sdelay $0x1  }
0x2b0: {  	v10, _, _ =	vpop (xrf2)  }
0x2b1: {  	v7 =	vsub.f32 v10, v7;
	v10, _, _ =	vpop (xrf2)  }
0x2b2: {  	v1 =	vadd.f32 v8, v1;
	v5 =	vsub.f32 v10, v5;
	v8, _, _ =	vpop (xrf2)  }
0x2b3: {  	v3 =	vadd.f32 v7, v3;
	v7 =	vsub.f32 v8, v9;
	v8, _, _ =	vpop (xrf2)  }
0x2b4: {  	v2 =	vadd.f32 v5, v2;
	v5 =	vsub.f32 v8, v6  }
0x2b5: {  	[tilespmem:s7+$0xA380] =	vst v3;
	v3 =	vadd.f32 v7, v4  }
0x2b6: {  	[tilespmem:s7+$0xA300] =	vst v2;
	v1 =	vadd.f32 v5, v1  }
0x2b7: {  	[tilespmem:s7+$0xA200] =	vst v3  }
0x2b8: {  	s0 =	sadd.s32 s0, s12;
	[tilespmem:s7+$0xA280] =	vst v1  }
0x2b9: {  	[hbm4b:s0+s4] =	stream.linear.scatter [tilespmem:s17], [sflag:$0x7], $0x4000, $0x38;
	[tilespmem:$0x10000] =	vst v63  }
0x2ba: {  	s0 =	simm.s32 @!p0 $0x6  }
0x2bb: {  	_ =	swait.ge @!p0 [sflag:s0], $0x4000  }
0x2bc: {  	s6 =	simm.s32 @!p0 $0x4000;
	[sflag:s0] =	ssyncset.done @!p0 $0x0  }
0x2bd: {  	s2 =	simm.s32 @!p0 $0x0;
	[sflag:s0] =	ssyncadd.s32 @!p0 $0xFFFFC000;
	s0 =	sadd.s32 @!p0 s30, s13  }
0x2be: {  	[tilespmem:s6], [sflag:$0x2] =	stream.linear.gather @!p0 [hbm4b:s0+s2], $0x4000, $0x38;
	[tilespmem:$0x10000] =	vst v63  }
0x2bf: {  	s15 =	simm.s32 $0x0;
	_ =	swait.ge [sflag:s22], $0x4000  }
0x2c0: {  	s23 =	sand.u32 $0x70, s15;
	s0 =	sand.u32 $0x1C00, s15;
	[sflag:s22] =	ssyncset.done $0x0  }
0x2c1: {  	s0 =	sor.u32 s23, s0;
	[sflag:s22] =	ssyncadd.s32 $0xFFFFC000  }
0x2c2: {  	v1 =	vld [tilespmem:s0+$0xC180];
	_ =	sdelay $0x2  }
0x2c3: {  	v2 =	vld [tilespmem:s0+$0xC100];
	_ =	sdelay $0x1  }
0x2c4: {  	(xrf2) =	vadd.scan.msk.f32 $0xffff, v1;
	_ =	sdelay $0x2  }
0x2c5: {  	(xrf2) =	vadd.scan.msk.f32 $0xffff, v2;
	_ =	sdelay $0x4  }
0x2c6: {  	v3 =	vld [tilespmem:s0+$0xC000];
	_ =	sdelay $0x1  }
0x2c7: {  	v4, _, _ =	vpop (xrf2)  }
0x2c8: {  	v5 =	vsub.f32 v4, v1  }
0x2c9: {  	v1 =	vimm.f32 $0.0e+00  }
0x2ca: {  	s24 =	simm.s32 $0x10;
	s8 =	simm.s32 $0x80;
	v7 =	vld [tilespmem:s0+$0xC080];
	(xrf2) =	vadd.scan.msk.f32 $0xffff, v3;
	v6, _, _ =	vpop (xrf2);
	v5 =	vadd.f32 v5, v1  }
0x2cb: {  	s26 =	sand.u32 $0x1C00, s8;
	s2 =	sand.u32 $0x70, s24;
	v2 =	vsub.f32 v6, v2  }
0x2cc: {  	s7 =	sor.u32 s2, s26;
	[tilespmem:s0+$0xC180] =	vst v5  }
0x2cd: {  	v2 =	vadd.f32 v2, v1;
	v8 =	vld [tilespmem:s7+$0xC180];
	_ =	sdelay $0x1  }
0x2ce: {  	(xrf2) =	vadd.scan.msk.f32 $0xffff, v7;
	[tilespmem:s0+$0xC100] =	vst v2  }
0x2cf: {  	v5 =	vld [tilespmem:s7+$0xC100];
	_ =	sdelay $0x1  }
0x2d0: {  	(xrf2) =	vadd.scan.msk.f32 $0xffff, v8;
	_ =	sdelay $0x1  }
0x2d1: {  	v2 =	vperm.xlane v4, v0;
	v4 =	vperm.xlane v6, v0;
	v6, _, _ =	vpop (xrf2)  }
0x2d2: {  	v9 =	vsub.f32 v6, v3;
	(xrf2) =	vadd.scan.msk.f32 $0xffff, v5;
	_ =	sdelay $0x1  }
0x2d3: {  	v6 =	vperm.xlane v6, v0  }
0x2d4: {  	v3 =	vadd.f32 v2, v1;
	v2 =	vadd.f32 v4, v1  }
0x2d5: {  	s6 =	simm.s32 $0x20;
	s15 =	smov.u32 s0;
	v10 =	vadd.f32 v9, v1;
	v4 =	vadd.f32 v6, v1;
	v6 =	vimm.f32 $0.0e+00;
	v9, _, _ =	vpop (xrf2)  }
.LBB2_27:
0x2d6: {  	p1 =	sne.s32 s6, $0x3F0  }
0x2d7: {  	s8 =	sadd.s32 $0x80, s8;
	v7 =	vsub.f32 v9, v7;
	s23 =	smov.u32 s6;
	s6 =	sadd.s32 $0x10, s6;
	[tilespmem:s15+$0xC000] =	vst v10  }
0x2d8: {  	v12 =	vperm.xlane v9, v0;
	s23 =	sand.u32 $0x70, s23;
	s24 =	sand.u32 $0x1C00, s8;
	v10 =	vld [tilespmem:s7+$0xC000];
	v11, _, _ =	vpop (xrf2)  }
0x2d9: {  	s23 =	sor.u32 s23, s24;
	v7 =	vadd.f32 v7, v6;
	v8 =	vsub.f32 v11, v8;
	v11 =	vperm.xlane v11, v0  }
0x2da: {  	v6 =	vadd.f32 v12, v6  }
0x2db: {  	v8 =	vadd.f32 v8, v3;
	v3 =	vadd.f32 v11, v3;
	v9, _, _ =	vpop (xrf2);
	[tilespmem:s15+$0xC080] =	vst v7;
	s15 =	smov.u32 s7;
	s7 =	smov.u32 s23  }
0x2dc: {  	v7 =	vld [tilespmem:s15+$0xC080];
	v5 =	vsub.f32 v9, v5;
	v9 =	vperm.xlane v9, v0  }
0x2dd: {  	[tilespmem:s15+$0xC180] =	vst v8  }
0x2de: {  	v5 =	vadd.f32 v5, v2;
	v2 =	vadd.f32 v9, v2  }
0x2df: {  	(xrf2) =	vadd.scan.msk.f32 $0xffff, v10  }
0x2e0: {  	v8 =	vld [tilespmem:s7+$0xC180];
	[tilespmem:s15+$0xC100] =	vst v5;
	_ =	sdelay $0x1  }
0x2e1: {  	v5 =	vld [tilespmem:s7+$0xC100];
	(xrf2) =	vadd.scan.msk.f32 $0xffff, v7;
	_ =	sdelay $0x2  }
0x2e2: {  	(xrf2) =	vadd.scan.msk.f32 $0xffff, v8;
	_ =	sdelay $0x2  }
.Ltmp14:
0x2e3: {  	(xrf2) =	vadd.scan.msk.f32 $0xffff, v5;
	(pc) =	sbr.rel @p1 .LBB2_27-.Ltmp14, $3  }
0x2e4: {  	v9, _, _ =	vpop (xrf2)  }
0x2e5: {  	v10 =	vsub.f32 v9, v10;
	v11 =	vperm.xlane v9, v0;
	_ =	sdelay $0x1  }
0x2e6: {  	v10 =	vadd.f32 v10, v4;
	v4 =	vadd.f32 v11, v4;
	v9, _, _ =	vpop (xrf2)  }
0x2e7: {  	v7 =	vsub.f32 v9, v7;
	_ =	sdelay $0x1  }
0x2e8: {  	v7 =	vadd.f32 v7, v6  }
0x2e9: {  	[tilespmem:s15+$0xC000] =	vst v10  }
0x2ea: {  	v10 =	vld [tilespmem:s7+$0xC000];
	[tilespmem:s15+$0xC080] =	vst v7  }
0x2eb: {  	v7 =	vld [tilespmem:s7+$0xC080];
	_ =	sdelay $0x3  }
0x2ec: {  	(xrf2) =	vadd.scan.msk.f32 $0xffff, v10  }
0x2ed: {  	(xrf2) =	vadd.scan.msk.f32 $0xffff, v7;
	_ =	sdelay $0x4  }
0x2ee: {  	v9 =	vperm.xlane v9, v0;
	_ =	sdelay $0x1  }
0x2ef: {  	v11, _, _ =	vpop (xrf2)  }
0x2f0: {  	v8 =	vsub.f32 v11, v8;
	v11, _, _ =	vpop (xrf2)  }
0x2f1: {  	v6 =	vadd.f32 v9, v6;
	v5 =	vsub.f32 v11, v5;
	v9, _, _ =	vpop (xrf2)  }
0x2f2: {  	v3 =	vadd.f32 v8, v3;
	v8 =	vsub.f32 v9, v10;
	v9, _, _ =	vpop (xrf2)  }
0x2f3: {  	v2 =	vadd.f32 v5, v2;
	v5 =	vsub.f32 v9, v7  }
0x2f4: {  	[tilespmem:s7+$0xC180] =	vst v3;
	v3 =	vadd.f32 v8, v4  }
0x2f5: {  	[tilespmem:s7+$0xC100] =	vst v2;
	v2 =	vadd.f32 v5, v6  }
0x2f6: {  	[tilespmem:s7+$0xC000] =	vst v3  }
0x2f7: {  	[tilespmem:s7+$0xC080] =	vst v2  }
0x2f8: {  	v2 =	vld [tilespmem:s0+$0xC380];
	_ =	sdelay $0x2  }
0x2f9: {  	v3 =	vld [tilespmem:s0+$0xC300];
	_ =	sdelay $0x1  }
0x2fa: {  	(xrf2) =	vadd.scan.msk.f32 $0xffff, v2;
	_ =	sdelay $0x2  }
0x2fb: {  	(xrf2) =	vadd.scan.msk.f32 $0xffff, v3;
	_ =	sdelay $0x5  }
0x2fc: {  	v4 =	vld [tilespmem:s0+$0xC200]  }
0x2fd: {  	v8, _, _ =	vpop (xrf2)  }
0x2fe: {  	v2 =	vsub.f32 v8, v2;
	_ =	sdelay $0x1  }
0x2ff: {  	s7 =	simm.s32 $0x80;
	v6 =	vld [tilespmem:s0+$0xC280];
	v9, _, _ =	vpop (xrf2);
	v2 =	vadd.f32 v2, v1  }
0x300: {  	s6 =	sand.u32 $0x1C00, s7;
	(xrf2) =	vadd.scan.msk.f32 $0xffff, v4;
	v3 =	vsub.f32 v9, v3  }
0x301: {  	s2 =	sor.u32 s2, s6;
	[tilespmem:s0+$0xC380] =	vst v2  }
0x302: {  	v2 =	vadd.f32 v3, v1;
	v7 =	vld [tilespmem:s2+$0xC380];
	_ =	sdelay $0x1  }
0x303: {  	(xrf2) =	vadd.scan.msk.f32 $0xffff, v6;
	[tilespmem:s0+$0xC300] =	vst v2  }
0x304: {  	v5 =	vld [tilespmem:s2+$0xC300];
	_ =	sdelay $0x1  }
0x305: {  	(xrf2) =	vadd.scan.msk.f32 $0xffff, v7;
	_ =	sdelay $0x2  }
0x306: {  	v3, _, _ =	vpop (xrf2);
	v2 =	vperm.xlane v8, v0;
	v8 =	vperm.xlane v9, v0;
	(xrf2) =	vadd.scan.msk.f32 $0xffff, v5;
	_ =	sdelay $0x1  }
0x307: {  	v4 =	vsub.f32 v3, v4;
	v10 =	vperm.xlane v3, v0  }
0x308: {  	v3 =	vadd.f32 v2, v1;
	v2 =	vadd.f32 v8, v1  }
0x309: {  	s6 =	simm.s32 $0x20;
	v9 =	vadd.f32 v4, v1;
	v4 =	vadd.f32 v10, v1;
	v8, _, _ =	vpop (xrf2)  }
.LBB2_29:
0x30a: {  	p1 =	sne.s32 s6, $0x3F0  }
0x30b: {  	s7 =	sadd.s32 $0x80, s7;
	[tilespmem:s0+$0xC200] =	vst v9;
	v6 =	vsub.f32 v8, v6;
	s8 =	smov.u32 s6;
	s6 =	sadd.s32 $0x10, s6  }
0x30c: {  	v11 =	vperm.xlane v8, v0;
	s8 =	sand.u32 $0x70, s8;
	s15 =	sand.u32 $0x1C00, s7;
	v9 =	vld [tilespmem:s2+$0xC200];
	v10, _, _ =	vpop (xrf2)  }
0x30d: {  	s8 =	sor.u32 s8, s15;
	v7 =	vsub.f32 v10, v7;
	v10 =	vperm.xlane v10, v0;
	v6 =	vadd.f32 v6, v1  }
0x30e: {  	v1 =	vadd.f32 v11, v1  }
0x30f: {  	v7 =	vadd.f32 v7, v3;
	v3 =	vadd.f32 v10, v3;
	v8, _, _ =	vpop (xrf2);
	[tilespmem:s0+$0xC280] =	vst v6;
	s0 =	smov.u32 s2;
	s2 =	smov.u32 s8  }
0x310: {  	v6 =	vld [tilespmem:s0+$0xC280];
	v5 =	vsub.f32 v8, v5;
	v8 =	vperm.xlane v8, v0  }
0x311: {  	[tilespmem:s0+$0xC380] =	vst v7  }
0x312: {  	v5 =	vadd.f32 v5, v2;
	v2 =	vadd.f32 v8, v2  }
0x313: {  	(xrf2) =	vadd.scan.msk.f32 $0xffff, v9  }
0x314: {  	v7 =	vld [tilespmem:s2+$0xC380];
	[tilespmem:s0+$0xC300] =	vst v5;
	_ =	sdelay $0x1  }
0x315: {  	v5 =	vld [tilespmem:s2+$0xC300];
	(xrf2) =	vadd.scan.msk.f32 $0xffff, v6;
	_ =	sdelay $0x2  }
0x316: {  	(xrf2) =	vadd.scan.msk.f32 $0xffff, v7;
	_ =	sdelay $0x2  }
0x317: {  	(xrf2) =	vadd.scan.msk.f32 $0xffff, v5  }
.Ltmp15:
0x318: {  	v8, _, _ =	vpop (xrf2);
	(pc) =	sbr.rel @p1 .LBB2_29-.Ltmp15, $3  }
0x319: {  	v9 =	vsub.f32 v8, v9;
	v10 =	vperm.xlane v8, v0;
	_ =	sdelay $0x1  }
0x31a: {  	v9 =	vadd.f32 v9, v4;
	v4 =	vadd.f32 v10, v4;
	v8, _, _ =	vpop (xrf2)  }
0x31b: {  	s8 =	simm.s32 $0x0  }
0x31c: {  	v6 =	vsub.f32 v8, v6;
	_ =	sdelay $0x1  }
0x31d: {  	v6 =	vadd.f32 v6, v1  }
0x31e: {  	[tilespmem:s0+$0xC200] =	vst v9  }
0x31f: {  	v9 =	vld [tilespmem:s2+$0xC200];
	[tilespmem:s0+$0xC280] =	vst v6  }
0x320: {  	v6 =	vld [tilespmem:s2+$0xC280];
	_ =	sdelay $0x3  }
0x321: {  	(xrf2) =	vadd.scan.msk.f32 $0xffff, v9  }
0x322: {  	(xrf2) =	vadd.scan.msk.f32 $0xffff, v6;
	_ =	sdelay $0x4  }
0x323: {  	v8 =	vperm.xlane v8, v0;
	_ =	sdelay $0x1  }
0x324: {  	v10, _, _ =	vpop (xrf2)  }
0x325: {  	v7 =	vsub.f32 v10, v7;
	v10, _, _ =	vpop (xrf2)  }
0x326: {  	v1 =	vadd.f32 v8, v1;
	v5 =	vsub.f32 v10, v5;
	v8, _, _ =	vpop (xrf2)  }
0x327: {  	v3 =	vadd.f32 v7, v3;
	v7 =	vsub.f32 v8, v9;
	v8, _, _ =	vpop (xrf2)  }
0x328: {  	v2 =	vadd.f32 v5, v2;
	v5 =	vsub.f32 v8, v6  }
0x329: {  	[tilespmem:s2+$0xC380] =	vst v3;
	v3 =	vadd.f32 v7, v4  }
0x32a: {  	[tilespmem:s2+$0xC300] =	vst v2;
	v1 =	vadd.f32 v5, v1  }
0x32b: {  	s23 =	sand.u32 $0x70, s8;
	s6 =	sand.u32 $0x1C00, s8;
	[tilespmem:s2+$0xC200] =	vst v3  }
0x32c: {  	s0 =	sor.u32 s23, s6;
	[tilespmem:s2+$0xC280] =	vst v1  }
0x32d: {  	v1 =	vld [tilespmem:s0+$0xE180];
	_ =	sdelay $0x2  }
0x32e: {  	v2 =	vld [tilespmem:s0+$0xE100];
	_ =	sdelay $0x1  }
0x32f: {  	(xrf2) =	vadd.scan.msk.f32 $0xffff, v1;
	_ =	sdelay $0x2  }
0x330: {  	(xrf2) =	vadd.scan.msk.f32 $0xffff, v2;
	_ =	sdelay $0x4  }
0x331: {  	v3 =	vld [tilespmem:s0+$0xE000];
	_ =	sdelay $0x1  }
0x332: {  	v4, _, _ =	vpop (xrf2)  }
0x333: {  	v5 =	vsub.f32 v4, v1  }
0x334: {  	v1 =	vimm.f32 $0.0e+00  }
0x335: {  	s24 =	simm.s32 $0x10;
	s8 =	simm.s32 $0x80;
	v7 =	vld [tilespmem:s0+$0xE080];
	(xrf2) =	vadd.scan.msk.f32 $0xffff, v3;
	v6, _, _ =	vpop (xrf2);
	v5 =	vadd.f32 v5, v1  }
0x336: {  	s26 =	sand.u32 $0x1C00, s8;
	s2 =	sand.u32 $0x70, s24;
	v2 =	vsub.f32 v6, v2  }
0x337: {  	s7 =	sor.u32 s2, s26;
	[tilespmem:s0+$0xE180] =	vst v5  }
0x338: {  	v2 =	vadd.f32 v2, v1;
	v8 =	vld [tilespmem:s7+$0xE180];
	_ =	sdelay $0x1  }
0x339: {  	(xrf2) =	vadd.scan.msk.f32 $0xffff, v7;
	[tilespmem:s0+$0xE100] =	vst v2  }
0x33a: {  	v5 =	vld [tilespmem:s7+$0xE100];
	_ =	sdelay $0x1  }
0x33b: {  	(xrf2) =	vadd.scan.msk.f32 $0xffff, v8;
	_ =	sdelay $0x1  }
0x33c: {  	v2 =	vperm.xlane v4, v0;
	v4 =	vperm.xlane v6, v0;
	v6, _, _ =	vpop (xrf2)  }
0x33d: {  	v9 =	vsub.f32 v6, v3;
	(xrf2) =	vadd.scan.msk.f32 $0xffff, v5;
	_ =	sdelay $0x1  }
0x33e: {  	v6 =	vperm.xlane v6, v0  }
0x33f: {  	v3 =	vadd.f32 v2, v1;
	v2 =	vadd.f32 v4, v1  }
0x340: {  	s6 =	simm.s32 $0x20;
	s15 =	smov.u32 s0;
	v10 =	vadd.f32 v9, v1;
	v4 =	vadd.f32 v6, v1;
	v6 =	vimm.f32 $0.0e+00;
	v9, _, _ =	vpop (xrf2)  }
.LBB2_31:
0x341: {  	p1 =	sne.s32 s6, $0x3F0  }
0x342: {  	s8 =	sadd.s32 $0x80, s8;
	v7 =	vsub.f32 v9, v7;
	s23 =	smov.u32 s6;
	s6 =	sadd.s32 $0x10, s6;
	[tilespmem:s15+$0xE000] =	vst v10  }
0x343: {  	v12 =	vperm.xlane v9, v0;
	s23 =	sand.u32 $0x70, s23;
	s24 =	sand.u32 $0x1C00, s8;
	v10 =	vld [tilespmem:s7+$0xE000];
	v11, _, _ =	vpop (xrf2)  }
0x344: {  	s23 =	sor.u32 s23, s24;
	v7 =	vadd.f32 v7, v6;
	v8 =	vsub.f32 v11, v8;
	v11 =	vperm.xlane v11, v0  }
0x345: {  	v6 =	vadd.f32 v12, v6  }
0x346: {  	v8 =	vadd.f32 v8, v3;
	v3 =	vadd.f32 v11, v3;
	v9, _, _ =	vpop (xrf2);
	[tilespmem:s15+$0xE080] =	vst v7;
	s15 =	smov.u32 s7;
	s7 =	smov.u32 s23  }
0x347: {  	v7 =	vld [tilespmem:s15+$0xE080];
	v5 =	vsub.f32 v9, v5;
	v9 =	vperm.xlane v9, v0  }
0x348: {  	[tilespmem:s15+$0xE180] =	vst v8  }
0x349: {  	v5 =	vadd.f32 v5, v2;
	v2 =	vadd.f32 v9, v2  }
0x34a: {  	(xrf2) =	vadd.scan.msk.f32 $0xffff, v10  }
0x34b: {  	v8 =	vld [tilespmem:s7+$0xE180];
	[tilespmem:s15+$0xE100] =	vst v5;
	_ =	sdelay $0x1  }
0x34c: {  	v5 =	vld [tilespmem:s7+$0xE100];
	(xrf2) =	vadd.scan.msk.f32 $0xffff, v7;
	_ =	sdelay $0x2  }
0x34d: {  	(xrf2) =	vadd.scan.msk.f32 $0xffff, v8;
	_ =	sdelay $0x2  }
.Ltmp16:
0x34e: {  	(xrf2) =	vadd.scan.msk.f32 $0xffff, v5;
	(pc) =	sbr.rel @p1 .LBB2_31-.Ltmp16, $3  }
0x34f: {  	v9, _, _ =	vpop (xrf2)  }
0x350: {  	v10 =	vsub.f32 v9, v10;
	v11 =	vperm.xlane v9, v0;
	_ =	sdelay $0x1  }
0x351: {  	v10 =	vadd.f32 v10, v4;
	v4 =	vadd.f32 v11, v4;
	v9, _, _ =	vpop (xrf2)  }
0x352: {  	v7 =	vsub.f32 v9, v7;
	_ =	sdelay $0x1  }
0x353: {  	v7 =	vadd.f32 v7, v6  }
0x354: {  	[tilespmem:s15+$0xE000] =	vst v10  }
0x355: {  	v10 =	vld [tilespmem:s7+$0xE000];
	[tilespmem:s15+$0xE080] =	vst v7  }
0x356: {  	v7 =	vld [tilespmem:s7+$0xE080];
	_ =	sdelay $0x3  }
0x357: {  	(xrf2) =	vadd.scan.msk.f32 $0xffff, v10  }
0x358: {  	(xrf2) =	vadd.scan.msk.f32 $0xffff, v7;
	_ =	sdelay $0x4  }
0x359: {  	v9 =	vperm.xlane v9, v0;
	_ =	sdelay $0x1  }
0x35a: {  	v11, _, _ =	vpop (xrf2)  }
0x35b: {  	v8 =	vsub.f32 v11, v8;
	v11, _, _ =	vpop (xrf2)  }
0x35c: {  	v6 =	vadd.f32 v9, v6;
	v5 =	vsub.f32 v11, v5;
	v9, _, _ =	vpop (xrf2)  }
0x35d: {  	v3 =	vadd.f32 v8, v3;
	v8 =	vsub.f32 v9, v10;
	v9, _, _ =	vpop (xrf2)  }
0x35e: {  	v2 =	vadd.f32 v5, v2;
	v5 =	vsub.f32 v9, v7  }
0x35f: {  	[tilespmem:s7+$0xE180] =	vst v3;
	v3 =	vadd.f32 v8, v4  }
0x360: {  	[tilespmem:s7+$0xE100] =	vst v2;
	v2 =	vadd.f32 v5, v6  }
0x361: {  	[tilespmem:s7+$0xE000] =	vst v3  }
0x362: {  	[tilespmem:s7+$0xE080] =	vst v2  }
0x363: {  	v2 =	vld [tilespmem:s0+$0xE380];
	_ =	sdelay $0x2  }
0x364: {  	v3 =	vld [tilespmem:s0+$0xE300];
	_ =	sdelay $0x1  }
0x365: {  	(xrf2) =	vadd.scan.msk.f32 $0xffff, v2;
	_ =	sdelay $0x2  }
0x366: {  	(xrf2) =	vadd.scan.msk.f32 $0xffff, v3;
	_ =	sdelay $0x5  }
0x367: {  	v4 =	vld [tilespmem:s0+$0xE200]  }
0x368: {  	v8, _, _ =	vpop (xrf2)  }
0x369: {  	v2 =	vsub.f32 v8, v2;
	_ =	sdelay $0x1  }
0x36a: {  	s7 =	simm.s32 $0x80;
	v6 =	vld [tilespmem:s0+$0xE280];
	v9, _, _ =	vpop (xrf2);
	v2 =	vadd.f32 v2, v1  }
0x36b: {  	s6 =	sand.u32 $0x1C00, s7;
	(xrf2) =	vadd.scan.msk.f32 $0xffff, v4;
	v3 =	vsub.f32 v9, v3  }
0x36c: {  	s2 =	sor.u32 s2, s6;
	[tilespmem:s0+$0xE380] =	vst v2  }
0x36d: {  	v2 =	vadd.f32 v3, v1;
	v7 =	vld [tilespmem:s2+$0xE380];
	_ =	sdelay $0x1  }
0x36e: {  	(xrf2) =	vadd.scan.msk.f32 $0xffff, v6;
	[tilespmem:s0+$0xE300] =	vst v2  }
0x36f: {  	v5 =	vld [tilespmem:s2+$0xE300];
	_ =	sdelay $0x1  }
0x370: {  	(xrf2) =	vadd.scan.msk.f32 $0xffff, v7;
	_ =	sdelay $0x2  }
0x371: {  	v3, _, _ =	vpop (xrf2);
	v2 =	vperm.xlane v8, v0;
	v8 =	vperm.xlane v9, v0;
	(xrf2) =	vadd.scan.msk.f32 $0xffff, v5;
	_ =	sdelay $0x1  }
0x372: {  	v4 =	vsub.f32 v3, v4;
	v10 =	vperm.xlane v3, v0  }
0x373: {  	v3 =	vadd.f32 v2, v1;
	v2 =	vadd.f32 v8, v1  }
0x374: {  	s6 =	simm.s32 $0x20;
	v9 =	vadd.f32 v4, v1;
	v4 =	vadd.f32 v10, v1;
	v8, _, _ =	vpop (xrf2)  }
.LBB2_33:
0x375: {  	p1 =	sne.s32 s6, $0x3F0  }
0x376: {  	s7 =	sadd.s32 $0x80, s7;
	v6 =	vsub.f32 v8, v6;
	s8 =	smov.u32 s6;
	s6 =	sadd.s32 $0x10, s6;
	[tilespmem:s0+$0xE200] =	vst v9  }
0x377: {  	v11 =	vperm.xlane v8, v0;
	s8 =	sand.u32 $0x70, s8;
	s15 =	sand.u32 $0x1C00, s7;
	v9 =	vld [tilespmem:s2+$0xE200];
	v10, _, _ =	vpop (xrf2)  }
0x378: {  	s8 =	sor.u32 s8, s15;
	v6 =	vadd.f32 v6, v1;
	v7 =	vsub.f32 v10, v7;
	v10 =	vperm.xlane v10, v0  }
0x379: {  	v1 =	vadd.f32 v11, v1  }
0x37a: {  	v7 =	vadd.f32 v7, v3;
	v3 =	vadd.f32 v10, v3;
	v8, _, _ =	vpop (xrf2);
	[tilespmem:s0+$0xE280] =	vst v6;
	s0 =	smov.u32 s2;
	s2 =	smov.u32 s8  }
0x37b: {  	v6 =	vld [tilespmem:s0+$0xE280];
	v5 =	vsub.f32 v8, v5;
	v8 =	vperm.xlane v8, v0  }
0x37c: {  	[tilespmem:s0+$0xE380] =	vst v7  }
0x37d: {  	v5 =	vadd.f32 v5, v2;
	v2 =	vadd.f32 v8, v2  }
0x37e: {  	(xrf2) =	vadd.scan.msk.f32 $0xffff, v9  }
0x37f: {  	v7 =	vld [tilespmem:s2+$0xE380];
	[tilespmem:s0+$0xE300] =	vst v5;
	_ =	sdelay $0x1  }
0x380: {  	v5 =	vld [tilespmem:s2+$0xE300];
	(xrf2) =	vadd.scan.msk.f32 $0xffff, v6;
	_ =	sdelay $0x2  }
0x381: {  	(xrf2) =	vadd.scan.msk.f32 $0xffff, v7;
	_ =	sdelay $0x2  }
.Ltmp17:
0x382: {  	(xrf2) =	vadd.scan.msk.f32 $0xffff, v5;
	(pc) =	sbr.rel @p1 .LBB2_33-.Ltmp17, $3  }
0x383: {  	v8, _, _ =	vpop (xrf2)  }
0x384: {  	v9 =	vsub.f32 v8, v9;
	v10 =	vperm.xlane v8, v0;
	_ =	sdelay $0x1  }
0x385: {  	v9 =	vadd.f32 v9, v4;
	v4 =	vadd.f32 v10, v4;
	v8, _, _ =	vpop (xrf2)  }
0x386: {  	v6 =	vsub.f32 v8, v6;
	_ =	sdelay $0x1  }
0x387: {  	v6 =	vadd.f32 v6, v1  }
0x388: {  	[tilespmem:s0+$0xE200] =	vst v9  }
0x389: {  	v9 =	vld [tilespmem:s2+$0xE200];
	[tilespmem:s0+$0xE280] =	vst v6  }
0x38a: {  	v6 =	vld [tilespmem:s2+$0xE280];
	_ =	sdelay $0x3  }
0x38b: {  	(xrf2) =	vadd.scan.msk.f32 $0xffff, v9  }
0x38c: {  	(xrf2) =	vadd.scan.msk.f32 $0xffff, v6;
	_ =	sdelay $0x6  }
0x38d: {  	v59 =	vperm.xlane v8, v0;
	v10, _, _ =	vpop (xrf2)  }
0x38e: {  	v7 =	vsub.f32 v10, v7;
	v11, _, _ =	vpop (xrf2)  }
0x38f: {  	v1 =	vadd.f32 v59, v1;
	v5 =	vsub.f32 v11, v5;
	v60, _, _ =	vpop (xrf2)  }
0x390: {  	v3 =	vadd.f32 v7, v3;
	v61 =	vsub.f32 v60, v9;
	v62, _, _ =	vpop (xrf2)  }
0x391: {  	v2 =	vadd.f32 v5, v2;
	v63 =	vsub.f32 v62, v6  }
.Ltmp18:
0x392: {  	[tilespmem:s2+$0xE380] =	vst v3;
	v3 =	vadd.f32 v61, v4;
	(pc) =	sbr.rel @p0 .LBB2_36-.Ltmp18, $4  }
0x393: {  	[tilespmem:s2+$0xE300] =	vst v2;
	v1 =	vadd.f32 v63, v1  }
0x394: {  	[tilespmem:s2+$0xE200] =	vst v3  }
0x395: {  	s31 =	sadd.s32 s3, s31;
	[tilespmem:s2+$0xE280] =	vst v1  }
0x396: {  	[hbm4b:s31+s4] =	stream.linear.scatter [tilespmem:s19], [sflag:$0x8], $0x4000, $0x38;
	[tilespmem:$0x10000] =	vst v63  }
.Ltmp19:
0x397: {  	(pc) =	sbr.rel .LBB2_2-.Ltmp19, $4  }
0x398: {  	_ =	swait.ge [sflag:s25], $0x4000  }
0x399: {  	[sflag:s25] =	ssyncset.done $0x0  }
0x39a: {  	s0 =	sadd.s32 s30, s14;
	s29 =	sadd.s32 $0x1, s29;
	[sflag:s25] =	ssyncadd.s32 $0xFFFFC000  }
0x39b: {  	[tilespmem:s17], [sflag:$0x3] =	stream.linear.gather [hbm4b:s0+s4], $0x4000, $0x38;
	[tilespmem:$0x10000] =	vst v63  }
.LBB2_37:
0x39c: {  	_ =	sfence.sel $0x180000  }
0x39d: {  	[bflag:$0x0] =	sbarrier.arrive $0xFFFF  }
0x39e: {  	_ =	strace $0x90000047  }
0x39f: {  	s0 =	stileid.u32;
	[bflag:$0x2] =	sbarrier.arrive $0xFFFF  }
0x3a0: {  	p0 =	sne.s32 s0, $0x0;
	s0 =	rddreg [dreg:$0x2]  }
0x3a1: {  	s0 =	sadd.s32 @!p0 $0x100000, s0  }
0x3a2: {  	[sflag:s0] =	ssyncadd.tile.s32 @!p0 $0x1;
	_ =	shalt  }
.Lfunc_end2:
_tile_overlayer_lowered:
.L_overlay_start_2:
0x3a3: {  	(tag) =	ssettag $0x2  }
0x3a4: {  	s0 =	rddreg [dreg:$0x0];
	s2 =	stileid.u32  }
0x3a5: {  	s1 =	rddreg [dreg:$0x1];
	p0 =	sne.s32 s2, $0x0  }
0x3a6: {  	s3 =	rddreg [dreg:$0x2];
	[bflag:$0x3] =	sbarrier.arrive $0xFFFF;
	s2 =	simm.s32 @!p0 $0x1C09  }
0x3a7: {  	[timem:s3], [sflag:s2] =	dma.local @!p0 [hbm:s0], s1  }
0x3a8: {  	s0 =	simm.s32 @!p0 $0x9  }
0x3a9: {  	_ =	swait.ge @!p0 [sflag:s0], s1  }
0x3aa: {  	s1 =	ssub.s32 @!p0 $0x0, s1;
	[sflag:s0] =	ssyncset.done @!p0 $0x0  }
0x3ab: {  	[sflag:s0] =	ssyncadd.s32 @!p0 s1  }
0x3ac: {  	[bflag:$0x3] =	sbarrier.arrive $0xFFFF  }
0x3ad: {  	_ =	shalt  }

</sc_bundles>
